<compile_context>
chip_gen: v7x
topology: tpu7x:2x2x1
jax: 0.10.2.dev20260603
libtpu: 0.0.44.dev20260713+nightly
codegen_flags: <defaults>
</compile_context>

<pallas_src>
import jax
import jax.numpy as jnp
import numpy as np
from jax import lax
from jax.experimental import pallas as pl
from jax.experimental.pallas import tpu as pltpu
from jax.experimental.pallas import tpu_sc as plsc

N = 20000
G = 20
NPAD = 20480
NW = 16
PW = NPAD // NW
NEG_THRESH = 0.3
POS_THRESH = 0.7
EPS = float(np.finfo(np.float32).eps)
LN2 = 0.6931471805599453
SQRT2 = 1.4142135


def _bcast_f(x):
    return jnp.full((16,), x, jnp.float32)


def _bcast_i(x):
    return jnp.full((16,), x, jnp.int32)


def _log16(x):
    bits = lax.bitcast_convert_type(x, jnp.int32)
    e = (bits >> 23) - 127
    m = lax.bitcast_convert_type((bits & 0x7FFFFF) | 0x3F800000, jnp.float32)
    big = m > SQRT2
    m = jnp.where(big, m * 0.5, m)
    e = jnp.where(big, e + 1, e)
    t = (m - 1.0) / (m + 1.0)
    t2 = t * t
    p = jnp.float32(2.0 / 9.0)
    p = p * t2 + jnp.float32(2.0 / 7.0)
    p = p * t2 + jnp.float32(2.0 / 5.0)
    p = p * t2 + jnp.float32(2.0 / 3.0)
    p = p * t2 + jnp.float32(2.0)
    return e.astype(jnp.float32) * jnp.float32(LN2) + t * p


def _sc_body(inp_h, bbox_h, out_h,
             stg, bbox_v, area_a, accmax, accarg, accfrc,
             gmax_v, gidx_v, allmax_v, allidx_v,
             parts_v, allparts_v, outv,
             smax, sidx, sparts):
    wid = lax.axis_index("s") + lax.axis_index("c") * NW
    base = wid * PW
    lane = lax.iota(jnp.int32, 16)

    pltpu.sync_copy(inp_h.at[:, pl.ds(base, PW)], stg)
    pltpu.sync_copy(bbox_h, bbox_v)

    @plsc.parallel_loop(0, PW, 16)
    def _(off):
        sl = pl.ds(off, 16)
        accmax[sl] = _bcast_f(-1.0)
        accarg[sl] = _bcast_i(0)
        accfrc[sl] = _bcast_i(0)
        area_a[sl] = (stg[2, sl] - stg[0, sl]) * (stg[3, sl] - stg[1, sl])

    KG = 2

    def g_body(gp, _):
        gs = [(gp * KG + k).astype(jnp.int32) for k in range(KG)]
        bb = [[plsc.load_gather(bbox_v, [_bcast_i(4 * g + c)])
               for c in range(4)] for g in gs]
        ab = [(b[2] - b[0]) * (b[3] - b[1]) for b in bb]

        init = tuple([v for _k in range(KG)
                      for v in (_bcast_f(-2.0), _bcast_i(NPAD))])

        @plsc.parallel_loop(0, PW, 16, unroll=2, carry=init)
        def cand(off, carry):
            sl = pl.ds(off, 16)
            x0 = stg[0, sl]; y0 = stg[1, sl]; x1 = stg[2, sl]; y1 = stg[3, sl]
            aa_v = area_a[sl]
            glob = base + off + lane
            am = accmax[sl]
            ag = accarg[sl]
            out = []
            for k in range(KG):
                b = bb[k]
                inter = (jnp.maximum(jnp.minimum(x1, b[2]) -
                                     jnp.maximum(x0, b[0]), 0.0) *
                         jnp.maximum(jnp.minimum(y1, b[3]) -
                                     jnp.maximum(y0, b[1]), 0.0))
                iou = inter / (aa_v + ab[k] - inter)
                upd = iou > am
                am = jnp.where(upd, iou, am)
                ag = jnp.where(upd, _bcast_i(gs[k]), ag)
                gm, gidx = carry[2 * k], carry[2 * k + 1]
                upd2 = iou > gm
                out.append(jnp.where(upd2, iou, gm))
                out.append(jnp.where(upd2, glob, gidx))
            accmax[sl] = am
            accarg[sl] = ag
            return tuple(out)

        onelane = lane == 0
        for k in range(KG):
            gmaxv, gidxv = cand[2 * k], cand[2 * k + 1]
            m = jnp.max(gmaxv)
            mi = jnp.min(jnp.where(gmaxv == m, gidxv, _bcast_i(NPAD)))
            plsc.store_scatter(gmax_v, [_bcast_i(gs[k])], _bcast_f(m),
                               mask=onelane)
            plsc.store_scatter(gidx_v, [_bcast_i(gs[k])], _bcast_i(mi),
                               mask=onelane)
        return 0

    lax.fori_loop(0, G // KG, g_body, 0)

    pltpu.sync_copy(gmax_v, smax.at[pl.ds(wid * 32, 32)])
    pltpu.sync_copy(gidx_v, sidx.at[pl.ds(wid * 32, 32)])
    plsc.subcore_barrier()
    pltpu.sync_copy(smax, allmax_v)
    pltpu.sync_copy(sidx, allidx_v)

    onelane = lane == 0
    for g in range(G):
        gcol = _bcast_i(g)
        fidx = lane * 32 + gcol
        vals = plsc.load_gather(allmax_v, [fidx])
        idxs = plsc.load_gather(allidx_v, [fidx])
        m = jnp.max(vals)
        mi = jnp.min(jnp.where(vals == m, idxs, _bcast_i(NPAD)))
        loc = mi - base
        inr = (loc >= 0) & (loc < PW)
        lc = _bcast_i(jnp.clip(loc, 0, PW - 1))
        msk = onelane & inr
        plsc.store_scatter(accarg, [lc], gcol, mask=msk)
        plsc.store_scatter(accfrc, [lc], _bcast_i(1), mask=msk)

    z = _bcast_f(0.0)

    @plsc.parallel_loop(0, PW, 16, carry=(z, z, z, z, z))
    def sums(off, carry):
        sp, sv, slc, sce, sse = carry
        sl = pl.ds(off, 16)
        am = accmax[sl]
        aa = accarg[sl]
        af = accfrc[sl]
        glob = base + off + lane
        real = glob < N
        pos = ((am >= POS_THRESH) | (af == 1)) & real
        neg = (am < NEG_THRESH) & (af == 0) & real
        valid = pos | neg
        posf = jnp.where(pos, 1.0, 0.0).astype(jnp.float32)
        validf = jnp.where(valid, 1.0, 0.0).astype(jnp.float32)

        x0 = stg[0, sl]; y0 = stg[1, sl]; x1 = stg[2, sl]; y1 = stg[3, sl]
        b4 = aa * 4
        sx0 = plsc.load_gather(bbox_v, [b4])
        sy0 = plsc.load_gather(bbox_v, [b4 + 1])
        sx1 = plsc.load_gather(bbox_v, [b4 + 2])
        sy1 = plsc.load_gather(bbox_v, [b4 + 3])

        w = jnp.maximum(x1 - x0, EPS)
        h = jnp.maximum(y1 - y0, EPS)
        cx = x0 + 0.5 * (x1 - x0)
        cy = y0 + 0.5 * (y1 - y0)
        bw = sx1 - sx0
        bh = sy1 - sy0
        bcx = sx0 + 0.5 * bw
        bcy = sy0 + 0.5 * bh
        d0 = (bcx - cx) / w
        d1 = (bcy - cy) / h
        d2 = _log16(bw / w)
        d3 = _log16(bh / h)

        lsum = _bcast_f(0.0)
        for dv, j in ((d0, 4), (d1, 5), (d2, 6), (d3, 7)):
            ad = jnp.abs(dv - stg[j, sl])
            lsum = lsum + jnp.where(ad < 1.0, 0.5 * ad * ad, ad - 0.5)

        a0 = stg[8, sl]
        a1 = stg[9, sl]
        mx = jnp.maximum(a0, a1)
        lz = mx + _log16(1.0 + jnp.exp(jnp.minimum(a0, a1) - mx))
        ce = lz - jnp.where(pos, a1, a0)

        fgd = stg[10, sl] - am
        se = fgd * fgd
        return (sp + posf, sv + validf, slc + lsum * posf,
                sce + ce * validf, sse + se * posf)

    sp, sv, slc, sce, sse = sums

    pv = jnp.where(lane == 0, _bcast_f(jnp.sum(sp)),
         jnp.where(lane == 1, _bcast_f(jnp.sum(sv)),
         jnp.where(lane == 2, _bcast_f(jnp.sum(slc)),
         jnp.where(lane == 3, _bcast_f(jnp.sum(sce)),
         jnp.where(lane == 4, _bcast_f(jnp.sum(sse)), _bcast_f(0.0))))))
    parts_v[...] = pv
    pltpu.sync_copy(parts_v, sparts.at[pl.ds(wid * 16, 16)])
    plsc.subcore_barrier()

    @pl.when(wid == 0)
    def _():
        pltpu.sync_copy(sparts, allparts_v)
        tot_p = jnp.sum(plsc.load_gather(allparts_v, [lane * 16 + _bcast_i(0)]))
        tot_v = jnp.sum(plsc.load_gather(allparts_v, [lane * 16 + _bcast_i(1)]))
        tot_l = jnp.sum(plsc.load_gather(allparts_v, [lane * 16 + _bcast_i(2)]))
        tot_c = jnp.sum(plsc.load_gather(allparts_v, [lane * 16 + _bcast_i(3)]))
        tot_s = jnp.sum(plsc.load_gather(allparts_v, [lane * 16 + _bcast_i(4)]))
        npos = jnp.maximum(_bcast_f(tot_p), 1.0)
        nval = jnp.maximum(_bcast_f(tot_v), 1.0)
        loc_l = _bcast_f(tot_l) / npos
        cls_l = _bcast_f(tot_c) / nval
        reg_l = _bcast_f(tot_s) / npos
        outvec = jnp.where(lane == 0, loc_l,
                 jnp.where(lane == 1, cls_l,
                 jnp.where(lane == 2, reg_l,
                 loc_l + cls_l + reg_l)))
        outv[...] = outvec
        pltpu.sync_copy(outv, out_h)


_vm = lambda shp, dt: pltpu.VMEM(shp, dt)
_sc_call = pl.kernel(
    _sc_body,
    out_type=jax.ShapeDtypeStruct((16,), jnp.float32),
    mesh=plsc.VectorSubcoreMesh(core_axis_name="c", subcore_axis_name="s",
                                num_cores=1),
    scratch_types=[
        _vm((11, PW), jnp.float32),
        _vm((96,), jnp.float32),
        _vm((PW,), jnp.float32),
        _vm((PW,), jnp.float32), _vm((PW,), jnp.int32), _vm((PW,), jnp.int32),
        _vm((32,), jnp.float32), _vm((32,), jnp.int32),
        _vm((NW * 32,), jnp.float32), _vm((NW * 32,), jnp.int32),
        _vm((16,), jnp.float32), _vm((NW * 16,), jnp.float32),
        _vm((16,), jnp.float32),
        pltpu.VMEM_SHARED((NW * 32,), jnp.float32),
        pltpu.VMEM_SHARED((NW * 32,), jnp.int32),
        pltpu.VMEM_SHARED((NW * 16,), jnp.float32),
    ],
    compiler_params=pltpu.CompilerParams(needs_layout_passes=False),
)


def kernel(anchor, bbox, gt_label, rpn_loc, rpn_score, rpn_fg_score):
    allc = jnp.concatenate(
        [anchor, rpn_loc, rpn_score, rpn_fg_score[:, None]], axis=1)
    inp = jnp.pad(allc, ((0, NPAD - N), (0, 0))).T
    bboxf = jnp.pad(bbox.reshape(-1), (0, 16))
    out = _sc_call(inp, bboxf)
    return (out[0], out[1], out[2], out[3])

# --- scband reference (transcript-rebuilt; emitter-appended) ---
"""Pipeline reference for scband-rpntrainer-44066364457569 (READ-ONLY COPY).

The authoritative reference and input builder live on the scoring server;
editing this copy changes nothing except your own understanding.
"""

import jax, jax.numpy as jnp
import numpy as np

N = 20000
G = 20
NEG_THRESH = 0.3
POS_THRESH = 0.7
SIGMA = 1.0


def _make_boxes(key, n, lo_sz, hi_sz):
    k1, k2 = jax.random.split(key)
    cxy = jax.random.uniform(k1, (n, 2), minval=0.0, maxval=600.0)
    wh = jax.random.uniform(k2, (n, 2), minval=lo_sz, maxval=hi_sz)
    return jnp.concatenate([cxy - 0.5 * wh, cxy + 0.5 * wh], axis=1).astype(jnp.float32)


def setup_inputs(seed: int = 0) -> dict:
    key = jax.random.key(seed)
    ks = jax.random.split(key, 6)
    anchor = _make_boxes(ks[0], N, 16.0, 256.0)
    bbox = _make_boxes(ks[1], G, 32.0, 300.0)
    gt_label = jax.random.randint(ks[2], (G,), 0, 20, dtype=jnp.int32)
    rpn_loc = jax.random.normal(ks[3], (N, 4), dtype=jnp.float32) * 0.1
    rpn_score = jax.random.normal(ks[4], (N, 2), dtype=jnp.float32)
    rpn_fg_score = jax.random.uniform(ks[5], (N,), dtype=jnp.float32)
    return {"anchor": anchor, "bbox": bbox, "gt_label": gt_label,
            "rpn_loc": rpn_loc, "rpn_score": rpn_score, "rpn_fg_score": rpn_fg_score}


def bbox_iou(a, b):
    tl = jnp.maximum(a[:, None, :2], b[None, :, :2])
    br = jnp.minimum(a[:, None, 2:], b[None, :, 2:])
    area_i = jnp.prod(br - tl, axis=2) * jnp.all(tl < br, axis=2)
    area_a = jnp.prod(a[:, 2:] - a[:, :2], axis=1)
    area_b = jnp.prod(b[:, 2:] - b[:, :2], axis=1)
    return area_i / (area_a[:, None] + area_b[None, :] - area_i)


def bbox2loc(src, dst):
    eps = jnp.asarray(np.finfo(np.float32).eps, jnp.float32)
    w = jnp.maximum(src[:, 2] - src[:, 0], eps)
    h = jnp.maximum(src[:, 3] - src[:, 1], eps)
    cx = src[:, 0] + 0.5 * (src[:, 2] - src[:, 0])
    cy = src[:, 1] + 0.5 * (src[:, 3] - src[:, 1])
    bw = dst[:, 2] - dst[:, 0]
    bh = dst[:, 3] - dst[:, 1]
    bcx = dst[:, 0] + 0.5 * bw
    bcy = dst[:, 1] + 0.5 * bh
    dx = (bcx - cx) / w
    dy = (bcy - cy) / h
    dw = jnp.log(bw / w)
    dh = jnp.log(bh / h)
    return jnp.stack([dx, dy, dw, dh], axis=1)


def _assign(anchor, bbox, gt_label):
    ious = bbox_iou(anchor, bbox)                      # [N, G]
    argmax_ious = jnp.argmax(ious, axis=1)             # [N]
    max_ious = jnp.max(ious, axis=1)                   # [N]
    gt_argmax_ious = jnp.argmax(ious, axis=0)          # [G]
    argmax_ious = argmax_ious.at[gt_argmax_ious].set(jnp.arange(G))
    label = jnp.full((anchor.shape[0],), -1, dtype=jnp.int32)
    label = jnp.where(max_ious < NEG_THRESH, 0, label)
    label = jnp.where(max_ious >= POS_THRESH, gt_label[argmax_ious] + 1, label)
    label = label.at[gt_argmax_ious].set(1)
    gt_loc = bbox2loc(anchor, bbox[argmax_ious])
    return gt_loc, label, max_ious


def reference(anchor, bbox, gt_label, rpn_loc, rpn_score, rpn_fg_score):
    gt_rpn_loc, gt_rpn_label, max_ious = _assign(anchor, bbox, gt_label)
    pos_mask = (gt_rpn_label > 0).astype(jnp.float32)
    num_pos = jnp.maximum(jnp.sum(pos_mask), 1.0)

    # smooth-L1 loc loss over positive anchors (sigma = 1)
    sigma_sq = SIGMA ** 2
    diff = jnp.abs(gt_rpn_loc - rpn_loc)
    reg = jnp.where(diff < 1.0 / sigma_sq, 0.5 * sigma_sq * diff ** 2, diff - 0.5 / sigma_sq)
    loc_loss = jnp.sum(reg * pos_mask[:, None]) / num_pos

    # binary cls loss with ignore_index = -1
    label_bg = jnp.where(gt_rpn_label > 0, 1, gt_rpn_label)
    valid = (label_bg >= 0).astype(jnp.float32)
    idx = jnp.clip(label_bg, 0, 1)
    log_z = jax.nn.logsumexp(rpn_score, axis=1)
    picked = jnp.take_along_axis(rpn_score, idx[:, None], axis=1)[:, 0]
    ce = -(picked - log_z)
    cls_loss = jnp.sum(ce * valid) / jnp.maximum(jnp.sum(valid), 1.0)

    # fg-score regression (MSE vs max IoU) over positive anchors
    se = (rpn_fg_score - max_ious) ** 2
    reg_loss = jnp.sum(se * pos_mask) / num_pos

    total = loc_loss + cls_loss + reg_loss
    return (loc_loss, cls_loss, reg_loss, total)

if __name__ == "__main__":
    import jax
    _d = setup_inputs()
    print(jax.jit(kernel)(*tuple(_d.values())))

</pallas_src>

<mosaic_0001>
#map = affine_map<(d0, d1) -> (0, 0)>
#map1 = affine_map<(d0, d1) -> (0)>
module attributes {stable_mosaic.version = 14 : i64} {
  func.func @_sc_body(%arg0: i32, %arg1: i32, %arg2: memref<11x20480xf32, #tpu.memory_space<hbm>>, %arg3: memref<96xf32, #tpu.memory_space<hbm>>, %arg4: memref<16xf32, #tpu.memory_space<hbm>>, %arg5: memref<11x1280xf32, #tpu.memory_space<vmem>>, %arg6: memref<96xf32, #tpu.memory_space<vmem>>, %arg7: memref<1280xf32, #tpu.memory_space<vmem>>, %arg8: memref<1280xf32, #tpu.memory_space<vmem>>, %arg9: memref<1280xi32, #tpu.memory_space<vmem>>, %arg10: memref<1280xi32, #tpu.memory_space<vmem>>, %arg11: memref<32xf32, #tpu.memory_space<vmem>>, %arg12: memref<32xi32, #tpu.memory_space<vmem>>, %arg13: memref<512xf32, #tpu.memory_space<vmem>>, %arg14: memref<512xi32, #tpu.memory_space<vmem>>, %arg15: memref<16xf32, #tpu.memory_space<vmem>>, %arg16: memref<256xf32, #tpu.memory_space<vmem>>, %arg17: memref<16xf32, #tpu.memory_space<vmem>>, %arg18: memref<512xf32, #tpu.memory_space<vmem_shared>>, %arg19: memref<512xi32, #tpu.memory_space<vmem_shared>>, %arg20: memref<256xf32, #tpu.memory_space<vmem_shared>>) attributes {dimension_semantics = [#tpu.dimension_semantics<core_parallel>, #tpu.dimension_semantics<subcore_parallel>], iteration_bounds = array<i64: 1, 16>, scalar_prefetch = 0 : i64, scratch_operands = 16 : i64, tpu.core_type = #tpu.core_type<sc_vector_subcore>, window_params = [{transform_indices = #map}, {transform_indices = #map1}, {transform_indices = #map1}]} {
    %mul3A = arith.constant 16 : i32
    %mul3A_0 = arith.muli %arg0, %mul3A : i32
    %add3A = arith.addi %arg1, %mul3A_0 : i32
    %mul3A_1 = arith.constant 1280 : i32
    %mul3A_2 = arith.muli %add3A, %mul3A_1 : i32
    %iota3A = tpu.iota {dimensions = array<i32: 0>} : vector<16xi32>
    "tpu.region"() ({
      %run_scoped3A = tpu.sem_alloc : memref<!tpu.dma_semaphore, #tpu.memory_space<semaphore_mem>>
      %dma_start3A = arith.constant 0 : i32
      %dma_start3A_864 = tpu.memref_slice %arg2[%dma_start3A, %mul3A_2] : memref<11x20480xf32, #tpu.memory_space<hbm>> -> memref<11x1280xf32, #tpu.memory_space<hbm>>
      %dma_start3A_865 = arith.constant 0 : i32
      %dma_start3A_866 = tpu.memref_slice %arg2[%dma_start3A_865, %mul3A_2] : memref<11x20480xf32, #tpu.memory_space<hbm>> -> memref<11x1280xf32, #tpu.memory_space<hbm>>
      tpu.enqueue_dma source(%dma_start3A_866 : memref<11x1280xf32, #tpu.memory_space<hbm>>) target(%arg5 : memref<11x1280xf32, #tpu.memory_space<vmem>>) target_semaphore(%run_scoped3A : memref<!tpu.dma_semaphore, #tpu.memory_space<semaphore_mem>>)
      %dma_wait3A = arith.constant 0 : i32
      %dma_wait3A_867 = tpu.memref_slice %arg2[%dma_wait3A, %mul3A_2] : memref<11x20480xf32, #tpu.memory_space<hbm>> -> memref<11x1280xf32, #tpu.memory_space<hbm>>
      %dma_wait3A_868 = arith.constant 0 : i32
      %dma_wait3A_869 = tpu.memref_slice %arg2[%dma_wait3A_868, %mul3A_2] : memref<11x20480xf32, #tpu.memory_space<hbm>> -> memref<11x1280xf32, #tpu.memory_space<hbm>>
      tpu.wait_dma2 semaphore(%run_scoped3A : memref<!tpu.dma_semaphore, #tpu.memory_space<semaphore_mem>>) src(%dma_wait3A_869 : memref<11x1280xf32, #tpu.memory_space<hbm>>) dst(%arg5 : memref<11x1280xf32, #tpu.memory_space<vmem>>)
      tpu.yield
    }) : () -> ()
    "tpu.region"() ({
      %run_scoped3A = tpu.sem_alloc : memref<!tpu.dma_semaphore, #tpu.memory_space<semaphore_mem>>
      tpu.enqueue_dma source(%arg3 : memref<96xf32, #tpu.memory_space<hbm>>) target(%arg6 : memref<96xf32, #tpu.memory_space<vmem>>) target_semaphore(%run_scoped3A : memref<!tpu.dma_semaphore, #tpu.memory_space<semaphore_mem>>)
      tpu.wait_dma2 semaphore(%run_scoped3A : memref<!tpu.dma_semaphore, #tpu.memory_space<semaphore_mem>>) src(%arg3 : memref<96xf32, #tpu.memory_space<hbm>>) dst(%arg6 : memref<96xf32, #tpu.memory_space<vmem>>)
      tpu.yield
    }) : () -> ()
    %parallel_loop3A = arith.constant 0 : i32
    %parallel_loop3A_3 = arith.constant 1280 : i32
    %parallel_loop3A_4 = arith.constant 16 : i32
    scf.for %parallel_loop3A_864 = %parallel_loop3A to %parallel_loop3A_3 step %parallel_loop3A_4  : i32 {
      %parallel_loop3A_865 = arith.constant -1.000000e+00 : f32
      %parallel_loop3A_866 = vector.broadcast %parallel_loop3A_865 : f32 to vector<16xf32>
      %parallel_loop3A_867 = arith.index_cast %parallel_loop3A_864 : i32 to index
      %parallel_loop3A_868 = tpu.vector_load %arg8[%parallel_loop3A_867] {strides = array<i32>} : memref<1280xf32, #tpu.memory_space<vmem>>, vector<16xf32>,
      tpu.vector_store %arg8[%parallel_loop3A_867], %parallel_loop3A_866 {strides = array<i32>} : memref<1280xf32, #tpu.memory_space<vmem>>, vector<16xf32>,
      %parallel_loop3A_869 = arith.constant 0 : i32
      %parallel_loop3A_870 = vector.broadcast %parallel_loop3A_869 : i32 to vector<16xi32>
      %parallel_loop3A_871 = arith.index_cast %parallel_loop3A_864 : i32 to index
      %parallel_loop3A_872 = tpu.vector_load %arg9[%parallel_loop3A_871] {strides = array<i32>} : memref<1280xi32, #tpu.memory_space<vmem>>, vector<16xi32>,
      tpu.vector_store %arg9[%parallel_loop3A_871], %parallel_loop3A_870 {strides = array<i32>} : memref<1280xi32, #tpu.memory_space<vmem>>, vector<16xi32>,
      %parallel_loop3A_873 = arith.constant 0 : i32
      %parallel_loop3A_874 = vector.broadcast %parallel_loop3A_873 : i32 to vector<16xi32>
      %parallel_loop3A_875 = arith.index_cast %parallel_loop3A_864 : i32 to index
      %parallel_loop3A_876 = tpu.vector_load %arg10[%parallel_loop3A_875] {strides = array<i32>} : memref<1280xi32, #tpu.memory_space<vmem>>, vector<16xi32>,
      tpu.vector_store %arg10[%parallel_loop3A_875], %parallel_loop3A_874 {strides = array<i32>} : memref<1280xi32, #tpu.memory_space<vmem>>, vector<16xi32>,
      %parallel_loop3A_877 = arith.constant 2 : i32
      %parallel_loop3A_878 = arith.index_cast %parallel_loop3A_877 : i32 to index
      %parallel_loop3A_879 = arith.index_cast %parallel_loop3A_864 : i32 to index
      %parallel_loop3A_880 = tpu.vector_load %arg5[%parallel_loop3A_878, %parallel_loop3A_879] {strides = array<i32>} : memref<11x1280xf32, #tpu.memory_space<vmem>>, vector<16xf32>,
      %parallel_loop3A_881 = arith.constant 0 : i32
      %parallel_loop3A_882 = arith.index_cast %parallel_loop3A_881 : i32 to index
      %parallel_loop3A_883 = arith.index_cast %parallel_loop3A_864 : i32 to index
      %parallel_loop3A_884 = tpu.vector_load %arg5[%parallel_loop3A_882, %parallel_loop3A_883] {strides = array<i32>} : memref<11x1280xf32, #tpu.memory_space<vmem>>, vector<16xf32>,
      %parallel_loop3A_885 = arith.subf %parallel_loop3A_880, %parallel_loop3A_884 : vector<16xf32>
      %parallel_loop3A_886 = arith.constant 3 : i32
      %parallel_loop3A_887 = arith.index_cast %parallel_loop3A_886 : i32 to index
      %parallel_loop3A_888 = arith.index_cast %parallel_loop3A_864 : i32 to index
      %parallel_loop3A_889 = tpu.vector_load %arg5[%parallel_loop3A_887, %parallel_loop3A_888] {strides = array<i32>} : memref<11x1280xf32, #tpu.memory_space<vmem>>, vector<16xf32>,
      %parallel_loop3A_890 = arith.constant 1 : i32
      %parallel_loop3A_891 = arith.index_cast %parallel_loop3A_890 : i32 to index
      %parallel_loop3A_892 = arith.index_cast %parallel_loop3A_864 : i32 to index
      %parallel_loop3A_893 = tpu.vector_load %arg5[%parallel_loop3A_891, %parallel_loop3A_892] {strides = array<i32>} : memref<11x1280xf32, #tpu.memory_space<vmem>>, vector<16xf32>,
      %parallel_loop3A_894 = arith.subf %parallel_loop3A_889, %parallel_loop3A_893 : vector<16xf32>
      %parallel_loop3A_895 = arith.mulf %parallel_loop3A_885, %parallel_loop3A_894 : vector<16xf32>
      %parallel_loop3A_896 = arith.index_cast %parallel_loop3A_864 : i32 to index
      %parallel_loop3A_897 = tpu.vector_load %arg7[%parallel_loop3A_896] {strides = array<i32>} : memref<1280xf32, #tpu.memory_space<vmem>>, vector<16xf32>,
      tpu.vector_store %arg7[%parallel_loop3A_896], %parallel_loop3A_895 {strides = array<i32>} : memref<1280xf32, #tpu.memory_space<vmem>>, vector<16xf32>,
    } {sc.loop_unroll_factor = 1 : i64, sc.parallel_access}
    %scan3A = arith.constant 0 : i32
    %scan3A_5 = arith.constant 0 : i32
    %scan3A_6 = arith.constant 10 : i32
    %scan3A_7 = arith.addi %scan3A_5, %scan3A_6 : i32
    %scan3A_8 = arith.constant 1 : i32
    %scan3A_9 = scf.for %scan3A_864 = %scan3A_5 to %scan3A_7 step %scan3A_8 iter_args(%scan3A_865 = %scan3A) -> (i32)  : i32 {
      %mul3A_866 = arith.constant 2 : i32
      %mul3A_867 = arith.muli %scan3A_864, %mul3A_866 : i32
      %add3A_868 = arith.constant 0 : i32
      %add3A_869 = arith.addi %mul3A_867, %add3A_868 : i32
      %mul3A_870 = arith.constant 2 : i32
      %mul3A_871 = arith.muli %scan3A_864, %mul3A_870 : i32
      %add3A_872 = arith.constant 1 : i32
      %add3A_873 = arith.addi %mul3A_871, %add3A_872 : i32
      %mul3A_874 = arith.constant 4 : i32
      %mul3A_875 = arith.muli %mul3A_874, %add3A_869 : i32
      %add3A_876 = arith.constant 0 : i32
      %add3A_877 = arith.addi %mul3A_875, %add3A_876 : i32
      %broadcast_in_dim3A_878 = vector.broadcast %add3A_877 : i32 to vector<16xi32>
      %gather3A_879 = tpu.vector_load_idx %arg6[%broadcast_in_dim3A_878] : memref<96xf32, #tpu.memory_space<vmem>>[vector<16xi32>], vector<16xf32>,
      %mul3A_880 = arith.constant 4 : i32
      %mul3A_881 = arith.muli %mul3A_880, %add3A_869 : i32
      %add3A_882 = arith.constant 1 : i32
      %add3A_883 = arith.addi %mul3A_881, %add3A_882 : i32
      %broadcast_in_dim3A_884 = vector.broadcast %add3A_883 : i32 to vector<16xi32>
      %gather3A_885 = tpu.vector_load_idx %arg6[%broadcast_in_dim3A_884] : memref<96xf32, #tpu.memory_space<vmem>>[vector<16xi32>], vector<16xf32>,
      %mul3A_886 = arith.constant 4 : i32
      %mul3A_887 = arith.muli %mul3A_886, %add3A_869 : i32
      %add3A_888 = arith.constant 2 : i32
      %add3A_889 = arith.addi %mul3A_887, %add3A_888 : i32
      %broadcast_in_dim3A_890 = vector.broadcast %add3A_889 : i32 to vector<16xi32>
      %gather3A_891 = tpu.vector_load_idx %arg6[%broadcast_in_dim3A_890] : memref<96xf32, #tpu.memory_space<vmem>>[vector<16xi32>], vector<16xf32>,
      %mul3A_892 = arith.constant 4 : i32
      %mul3A_893 = arith.muli %mul3A_892, %add3A_869 : i32
      %add3A_894 = arith.constant 3 : i32
      %add3A_895 = arith.addi %mul3A_893, %add3A_894 : i32
      %broadcast_in_dim3A_896 = vector.broadcast %add3A_895 : i32 to vector<16xi32>
      %gather3A_897 = tpu.vector_load_idx %arg6[%broadcast_in_dim3A_896] : memref<96xf32, #tpu.memory_space<vmem>>[vector<16xi32>], vector<16xf32>,
      %mul3A_898 = arith.constant 4 : i32
      %mul3A_899 = arith.muli %mul3A_898, %add3A_873 : i32
      %add3A_900 = arith.constant 0 : i32
      %add3A_901 = arith.addi %mul3A_899, %add3A_900 : i32
      %broadcast_in_dim3A_902 = vector.broadcast %add3A_901 : i32 to vector<16xi32>
      %gather3A_903 = tpu.vector_load_idx %arg6[%broadcast_in_dim3A_902] : memref<96xf32, #tpu.memory_space<vmem>>[vector<16xi32>], vector<16xf32>,
      %mul3A_904 = arith.constant 4 : i32
      %mul3A_905 = arith.muli %mul3A_904, %add3A_873 : i32
      %add3A_906 = arith.constant 1 : i32
      %add3A_907 = arith.addi %mul3A_905, %add3A_906 : i32
      %broadcast_in_dim3A_908 = vector.broadcast %add3A_907 : i32 to vector<16xi32>
      %gather3A_909 = tpu.vector_load_idx %arg6[%broadcast_in_dim3A_908] : memref<96xf32, #tpu.memory_space<vmem>>[vector<16xi32>], vector<16xf32>,
      %mul3A_910 = arith.constant 4 : i32
      %mul3A_911 = arith.muli %mul3A_910, %add3A_873 : i32
      %add3A_912 = arith.constant 2 : i32
      %add3A_913 = arith.addi %mul3A_911, %add3A_912 : i32
      %broadcast_in_dim3A_914 = vector.broadcast %add3A_913 : i32 to vector<16xi32>
      %gather3A_915 = tpu.vector_load_idx %arg6[%broadcast_in_dim3A_914] : memref<96xf32, #tpu.memory_space<vmem>>[vector<16xi32>], vector<16xf32>,
      %mul3A_916 = arith.constant 4 : i32
      %mul3A_917 = arith.muli %mul3A_916, %add3A_873 : i32
      %add3A_918 = arith.constant 3 : i32
      %add3A_919 = arith.addi %mul3A_917, %add3A_918 : i32
      %broadcast_in_dim3A_920 = vector.broadcast %add3A_919 : i32 to vector<16xi32>
      %gather3A_921 = tpu.vector_load_idx %arg6[%broadcast_in_dim3A_920] : memref<96xf32, #tpu.memory_space<vmem>>[vector<16xi32>], vector<16xf32>,
      %sub3A_922 = arith.subf %gather3A_891, %gather3A_879 : vector<16xf32>
      %sub3A_923 = arith.subf %gather3A_897, %gather3A_885 : vector<16xf32>
      %mul3A_924 = arith.mulf %sub3A_922, %sub3A_923 : vector<16xf32>
      %sub3A_925 = arith.subf %gather3A_915, %gather3A_903 : vector<16xf32>
      %sub3A_926 = arith.subf %gather3A_921, %gather3A_909 : vector<16xf32>
      %mul3A_927 = arith.mulf %sub3A_925, %sub3A_926 : vector<16xf32>
      %broadcast_in_dim3A_928 = arith.constant -2.000000e+00 : f32
      %broadcast_in_dim3A_929 = vector.broadcast %broadcast_in_dim3A_928 : f32 to vector<16xf32>
      %broadcast_in_dim3A_930 = arith.constant 20480 : i32
      %broadcast_in_dim3A_931 = vector.broadcast %broadcast_in_dim3A_930 : i32 to vector<16xi32>
      %broadcast_in_dim3A_932 = arith.constant -2.000000e+00 : f32
      %broadcast_in_dim3A_933 = vector.broadcast %broadcast_in_dim3A_932 : f32 to vector<16xf32>
      %broadcast_in_dim3A_934 = arith.constant 20480 : i32
      %broadcast_in_dim3A_935 = vector.broadcast %broadcast_in_dim3A_934 : i32 to vector<16xi32>
      %parallel_loop3A_936 = arith.constant 0 : i32
      %parallel_loop3A_937 = arith.constant 1280 : i32
      %parallel_loop3A_938 = arith.constant 16 : i32
      %parallel_loop3A_939:4 = scf.for %parallel_loop3A_986 = %parallel_loop3A_936 to %parallel_loop3A_937 step %parallel_loop3A_938 iter_args(%parallel_loop3A_987 = %broadcast_in_dim3A_929, %parallel_loop3A_988 = %broadcast_in_dim3A_931, %parallel_loop3A_989 = %broadcast_in_dim3A_933, %parallel_loop3A_990 = %broadcast_in_dim3A_935) -> (vector<16xf32>, vector<16xi32>, vector<16xf32>, vector<16xi32>)  : i32 {
        %parallel_loop3A_991 = arith.constant 0 : i32
        %parallel_loop3A_992 = arith.index_cast %parallel_loop3A_991 : i32 to index
        %parallel_loop3A_993 = arith.index_cast %parallel_loop3A_986 : i32 to index
        %parallel_loop3A_994 = tpu.vector_load %arg5[%parallel_loop3A_992, %parallel_loop3A_993] {strides = array<i32>} : memref<11x1280xf32, #tpu.memory_space<vmem>>, vector<16xf32>,
        %parallel_loop3A_995 = arith.constant 1 : i32
        %parallel_loop3A_996 = arith.index_cast %parallel_loop3A_995 : i32 to index
        %parallel_loop3A_997 = arith.index_cast %parallel_loop3A_986 : i32 to index
        %parallel_loop3A_998 = tpu.vector_load %arg5[%parallel_loop3A_996, %parallel_loop3A_997] {strides = array<i32>} : memref<11x1280xf32, #tpu.memory_space<vmem>>, vector<16xf32>,
        %parallel_loop3A_999 = arith.constant 2 : i32
        %parallel_loop3A_1000 = arith.index_cast %parallel_loop3A_999 : i32 to index
        %parallel_loop3A_1001 = arith.index_cast %parallel_loop3A_986 : i32 to index
        %parallel_loop3A_1002 = tpu.vector_load %arg5[%parallel_loop3A_1000, %parallel_loop3A_1001] {strides = array<i32>} : memref<11x1280xf32, #tpu.memory_space<vmem>>, vector<16xf32>,
        %parallel_loop3A_1003 = arith.constant 3 : i32
        %parallel_loop3A_1004 = arith.index_cast %parallel_loop3A_1003 : i32 to index
        %parallel_loop3A_1005 = arith.index_cast %parallel_loop3A_986 : i32 to index
        %parallel_loop3A_1006 = tpu.vector_load %arg5[%parallel_loop3A_1004, %parallel_loop3A_1005] {strides = array<i32>} : memref<11x1280xf32, #tpu.memory_space<vmem>>, vector<16xf32>,
        %parallel_loop3A_1007 = arith.index_cast %parallel_loop3A_986 : i32 to index
        %parallel_loop3A_1008 = tpu.vector_load %arg7[%parallel_loop3A_1007] {strides = array<i32>} : memref<1280xf32, #tpu.memory_space<vmem>>, vector<16xf32>,
        %parallel_loop3A_1009 = arith.addi %mul3A_2, %parallel_loop3A_986 : i32
        %parallel_loop3A_1010 = vector.broadcast %parallel_loop3A_1009 : i32 to vector<16xi32>
        %parallel_loop3A_1011 = arith.addi %parallel_loop3A_1010, %iota3A : vector<16xi32>
        %parallel_loop3A_1012 = arith.index_cast %parallel_loop3A_986 : i32 to index
        %parallel_loop3A_1013 = tpu.vector_load %arg8[%parallel_loop3A_1012] {strides = array<i32>} : memref<1280xf32, #tpu.memory_space<vmem>>, vector<16xf32>,
        %parallel_loop3A_1014 = arith.index_cast %parallel_loop3A_986 : i32 to index
        %parallel_loop3A_1015 = tpu.vector_load %arg9[%parallel_loop3A_1014] {strides = array<i32>} : memref<1280xi32, #tpu.memory_space<vmem>>, vector<16xi32>,
        %parallel_loop3A_1016 = arith.minimumf %parallel_loop3A_1002, %gather3A_891 : vector<16xf32>
        %parallel_loop3A_1017 = arith.maximumf %parallel_loop3A_994, %gather3A_879 : vector<16xf32>
        %parallel_loop3A_1018 = arith.subf %parallel_loop3A_1016, %parallel_loop3A_1017 : vector<16xf32>
        %parallel_loop3A_1019 = arith.constant 0.000000e+00 : f32
        %parallel_loop3A_1020 = vector.broadcast %parallel_loop3A_1019 : f32 to vector<16xf32>
        %parallel_loop3A_1021 = arith.maximumf %parallel_loop3A_1018, %parallel_loop3A_1020 : vector<16xf32>
        %parallel_loop3A_1022 = arith.minimumf %parallel_loop3A_1006, %gather3A_897 : vector<16xf32>
        %parallel_loop3A_1023 = arith.maximumf %parallel_loop3A_998, %gather3A_885 : vector<16xf32>
        %parallel_loop3A_1024 = arith.subf %parallel_loop3A_1022, %parallel_loop3A_1023 : vector<16xf32>
        %parallel_loop3A_1025 = arith.constant 0.000000e+00 : f32
        %parallel_loop3A_1026 = vector.broadcast %parallel_loop3A_1025 : f32 to vector<16xf32>
        %parallel_loop3A_1027 = arith.maximumf %parallel_loop3A_1024, %parallel_loop3A_1026 : vector<16xf32>
        %parallel_loop3A_1028 = arith.mulf %parallel_loop3A_1021, %parallel_loop3A_1027 : vector<16xf32>
        %parallel_loop3A_1029 = arith.addf %parallel_loop3A_1008, %mul3A_924 : vector<16xf32>
        %parallel_loop3A_1030 = arith.subf %parallel_loop3A_1029, %parallel_loop3A_1028 : vector<16xf32>
        %parallel_loop3A_1031 = arith.divf %parallel_loop3A_1028, %parallel_loop3A_1030 : vector<16xf32>
        %parallel_loop3A_1032 = arith.cmpf ogt, %parallel_loop3A_1031, %parallel_loop3A_1013 : vector<16xf32>
        %parallel_loop3A_1033 = arith.select %parallel_loop3A_1032, %parallel_loop3A_1031, %parallel_loop3A_1013 : vector<16xi1>, vector<16xf32>
        %parallel_loop3A_1034 = vector.broadcast %add3A_869 : i32 to vector<16xi32>
        %parallel_loop3A_1035 = arith.select %parallel_loop3A_1032, %parallel_loop3A_1034, %parallel_loop3A_1015 : vector<16xi1>, vector<16xi32>
        %parallel_loop3A_1036 = arith.cmpf ogt, %parallel_loop3A_1031, %parallel_loop3A_987 : vector<16xf32>
        %parallel_loop3A_1037 = arith.select %parallel_loop3A_1036, %parallel_loop3A_1031, %parallel_loop3A_987 : vector<16xi1>, vector<16xf32>
        %parallel_loop3A_1038 = arith.select %parallel_loop3A_1036, %parallel_loop3A_1011, %parallel_loop3A_988 : vector<16xi1>, vector<16xi32>
        %parallel_loop3A_1039 = arith.minimumf %parallel_loop3A_1002, %gather3A_915 : vector<16xf32>
        %parallel_loop3A_1040 = arith.maximumf %parallel_loop3A_994, %gather3A_903 : vector<16xf32>
        %parallel_loop3A_1041 = arith.subf %parallel_loop3A_1039, %parallel_loop3A_1040 : vector<16xf32>
        %parallel_loop3A_1042 = arith.constant 0.000000e+00 : f32
        %parallel_loop3A_1043 = vector.broadcast %parallel_loop3A_1042 : f32 to vector<16xf32>
        %parallel_loop3A_1044 = arith.maximumf %parallel_loop3A_1041, %parallel_loop3A_1043 : vector<16xf32>
        %parallel_loop3A_1045 = arith.minimumf %parallel_loop3A_1006, %gather3A_921 : vector<16xf32>
        %parallel_loop3A_1046 = arith.maximumf %parallel_loop3A_998, %gather3A_909 : vector<16xf32>
        %parallel_loop3A_1047 = arith.subf %parallel_loop3A_1045, %parallel_loop3A_1046 : vector<16xf32>
        %parallel_loop3A_1048 = arith.constant 0.000000e+00 : f32
        %parallel_loop3A_1049 = vector.broadcast %parallel_loop3A_1048 : f32 to vector<16xf32>
        %parallel_loop3A_1050 = arith.maximumf %parallel_loop3A_1047, %parallel_loop3A_1049 : vector<16xf32>
        %parallel_loop3A_1051 = arith.mulf %parallel_loop3A_1044, %parallel_loop3A_1050 : vector<16xf32>
        %parallel_loop3A_1052 = arith.addf %parallel_loop3A_1008, %mul3A_927 : vector<16xf32>
        %parallel_loop3A_1053 = arith.subf %parallel_loop3A_1052, %parallel_loop3A_1051 : vector<16xf32>
        %parallel_loop3A_1054 = arith.divf %parallel_loop3A_1051, %parallel_loop3A_1053 : vector<16xf32>
        %parallel_loop3A_1055 = arith.cmpf ogt, %parallel_loop3A_1054, %parallel_loop3A_1033 : vector<16xf32>
        %parallel_loop3A_1056 = arith.select %parallel_loop3A_1055, %parallel_loop3A_1054, %parallel_loop3A_1033 : vector<16xi1>, vector<16xf32>
        %parallel_loop3A_1057 = vector.broadcast %add3A_873 : i32 to vector<16xi32>
        %parallel_loop3A_1058 = arith.select %parallel_loop3A_1055, %parallel_loop3A_1057, %parallel_loop3A_1035 : vector<16xi1>, vector<16xi32>
        %parallel_loop3A_1059 = arith.cmpf ogt, %parallel_loop3A_1054, %parallel_loop3A_989 : vector<16xf32>
        %parallel_loop3A_1060 = arith.select %parallel_loop3A_1059, %parallel_loop3A_1054, %parallel_loop3A_989 : vector<16xi1>, vector<16xf32>
        %parallel_loop3A_1061 = arith.select %parallel_loop3A_1059, %parallel_loop3A_1011, %parallel_loop3A_990 : vector<16xi1>, vector<16xi32>
        %parallel_loop3A_1062 = arith.index_cast %parallel_loop3A_986 : i32 to index
        %parallel_loop3A_1063 = tpu.vector_load %arg8[%parallel_loop3A_1062] {strides = array<i32>} : memref<1280xf32, #tpu.memory_space<vmem>>, vector<16xf32>,
        tpu.vector_store %arg8[%parallel_loop3A_1062], %parallel_loop3A_1056 {strides = array<i32>} : memref<1280xf32, #tpu.memory_space<vmem>>, vector<16xf32>,
        %parallel_loop3A_1064 = arith.index_cast %parallel_loop3A_986 : i32 to index
        %parallel_loop3A_1065 = tpu.vector_load %arg9[%parallel_loop3A_1064] {strides = array<i32>} : memref<1280xi32, #tpu.memory_space<vmem>>, vector<16xi32>,
        tpu.vector_store %arg9[%parallel_loop3A_1064], %parallel_loop3A_1058 {strides = array<i32>} : memref<1280xi32, #tpu.memory_space<vmem>>, vector<16xi32>,
        scf.yield %parallel_loop3A_1037, %parallel_loop3A_1038, %parallel_loop3A_1060, %parallel_loop3A_1061 : vector<16xf32>, vector<16xi32>, vector<16xf32>, vector<16xi32>
      } {sc.loop_unroll_factor = 2 : i64, sc.parallel_access}
      %eq3A_940 = arith.constant 0 : i32
      %eq3A_941 = vector.broadcast %eq3A_940 : i32 to vector<16xi32>
      %eq3A_942 = arith.cmpi eq, %iota3A, %eq3A_941 : vector<16xi32>
      %reduce_max3A_943 = arith.constant true
      %reduce_max3A_944 = vector.broadcast %reduce_max3A_943 : i1 to vector<16xi1>
      %reduce_max3A_945 = tpu.scan <max>, %parallel_loop3A_939#0 masked %reduce_max3A_944 : vector<16xf32>, vector<16xi1> -> vector<16xf32>
      %reduce_max3A_946 = vector.extract %reduce_max3A_945[15] : f32 from vector<16xf32>
      %eq3A_947 = vector.broadcast %reduce_max3A_946 : f32 to vector<16xf32>
      %eq3A_948 = arith.cmpf oeq, %parallel_loop3A_939#0, %eq3A_947 : vector<16xf32>
      %broadcast_in_dim3A_949 = arith.constant 20480 : i32
      %broadcast_in_dim3A_950 = vector.broadcast %broadcast_in_dim3A_949 : i32 to vector<16xi32>
      %select_n3A_951 = arith.select %eq3A_948, %parallel_loop3A_939#1, %broadcast_in_dim3A_950 : vector<16xi1>, vector<16xi32>
      %reduce_min3A_952 = arith.constant true
      %reduce_min3A_953 = vector.broadcast %reduce_min3A_952 : i1 to vector<16xi1>
      %reduce_min3A_954 = arith.constant -2147483648 : i32
      %reduce_min3A_955 = vector.broadcast %reduce_min3A_954 : i32 to vector<16xi32>
      %reduce_min3A_956 = arith.xori %select_n3A_951, %reduce_min3A_955 : vector<16xi32>
      %reduce_min3A_957 = tpu.scan <min>, %reduce_min3A_956 masked %reduce_min3A_953 : vector<16xi32>, vector<16xi1> -> vector<16xi32>
      %reduce_min3A_958 = arith.xori %reduce_min3A_957, %reduce_min3A_955 : vector<16xi32>
      %reduce_min3A_959 = vector.extract %reduce_min3A_958[15] : i32 from vector<16xi32>
      %broadcast_in_dim3A_960 = vector.broadcast %add3A_869 : i32 to vector<16xi32>
      %broadcast_in_dim3A_961 = vector.broadcast %reduce_max3A_946 : f32 to vector<16xf32>
      tpu.vector_store_idx %arg11[%broadcast_in_dim3A_960], %broadcast_in_dim3A_961 masked %eq3A_942 : memref<32xf32, #tpu.memory_space<vmem>>[vector<16xi32>], vector<16xf32>, vector<16xi1>
      %broadcast_in_dim3A_962 = vector.broadcast %add3A_869 : i32 to vector<16xi32>
      %broadcast_in_dim3A_963 = vector.broadcast %reduce_min3A_959 : i32 to vector<16xi32>
      tpu.vector_store_idx %arg12[%broadcast_in_dim3A_962], %broadcast_in_dim3A_963 masked %eq3A_942 : memref<32xi32, #tpu.memory_space<vmem>>[vector<16xi32>], vector<16xi32>, vector<16xi1>
      %reduce_max3A_964 = arith.constant true
      %reduce_max3A_965 = vector.broadcast %reduce_max3A_964 : i1 to vector<16xi1>
      %reduce_max3A_966 = tpu.scan <max>, %parallel_loop3A_939#2 masked %reduce_max3A_965 : vector<16xf32>, vector<16xi1> -> vector<16xf32>
      %reduce_max3A_967 = vector.extract %reduce_max3A_966[15] : f32 from vector<16xf32>
      %eq3A_968 = vector.broadcast %reduce_max3A_967 : f32 to vector<16xf32>
      %eq3A_969 = arith.cmpf oeq, %parallel_loop3A_939#2, %eq3A_968 : vector<16xf32>
      %broadcast_in_dim3A_970 = arith.constant 20480 : i32
      %broadcast_in_dim3A_971 = vector.broadcast %broadcast_in_dim3A_970 : i32 to vector<16xi32>
      %select_n3A_972 = arith.select %eq3A_969, %parallel_loop3A_939#3, %broadcast_in_dim3A_971 : vector<16xi1>, vector<16xi32>
      %reduce_min3A_973 = arith.constant true
      %reduce_min3A_974 = vector.broadcast %reduce_min3A_973 : i1 to vector<16xi1>
      %reduce_min3A_975 = arith.constant -2147483648 : i32
      %reduce_min3A_976 = vector.broadcast %reduce_min3A_975 : i32 to vector<16xi32>
      %reduce_min3A_977 = arith.xori %select_n3A_972, %reduce_min3A_976 : vector<16xi32>
      %reduce_min3A_978 = tpu.scan <min>, %reduce_min3A_977 masked %reduce_min3A_974 : vector<16xi32>, vector<16xi1> -> vector<16xi32>
      %reduce_min3A_979 = arith.xori %reduce_min3A_978, %reduce_min3A_976 : vector<16xi32>
      %reduce_min3A_980 = vector.extract %reduce_min3A_979[15] : i32 from vector<16xi32>
      %broadcast_in_dim3A_981 = vector.broadcast %add3A_873 : i32 to vector<16xi32>
      %broadcast_in_dim3A_982 = vector.broadcast %reduce_max3A_967 : f32 to vector<16xf32>
      tpu.vector_store_idx %arg11[%broadcast_in_dim3A_981], %broadcast_in_dim3A_982 masked %eq3A_942 : memref<32xf32, #tpu.memory_space<vmem>>[vector<16xi32>], vector<16xf32>, vector<16xi1>
      %broadcast_in_dim3A_983 = vector.broadcast %add3A_873 : i32 to vector<16xi32>
      %broadcast_in_dim3A_984 = vector.broadcast %reduce_min3A_980 : i32 to vector<16xi32>
      tpu.vector_store_idx %arg12[%broadcast_in_dim3A_983], %broadcast_in_dim3A_984 masked %eq3A_942 : memref<32xi32, #tpu.memory_space<vmem>>[vector<16xi32>], vector<16xi32>, vector<16xi1>
      %scan3A_985 = arith.constant 0 : i32
      scf.yield %scan3A_985 : i32
    }
    %scan3A_10 = arith.constant 10 : i32
    %mul3A_11 = arith.constant 32 : i32
    %mul3A_12 = arith.muli %add3A, %mul3A_11 : i32
    "tpu.region"() ({
      %run_scoped3A = tpu.sem_alloc : memref<!tpu.dma_semaphore, #tpu.memory_space<semaphore_mem>>
      %dma_start3A = tpu.memref_slice %arg18[%mul3A_12] : memref<512xf32, #tpu.memory_space<vmem_shared>> -> memref<32xf32, #tpu.memory_space<vmem_shared>>
      %dma_start3A_864 = tpu.memref_slice %arg18[%mul3A_12] : memref<512xf32, #tpu.memory_space<vmem_shared>> -> memref<32xf32, #tpu.memory_space<vmem_shared>>
      tpu.enqueue_dma source(%arg11 : memref<32xf32, #tpu.memory_space<vmem>>) target(%dma_start3A_864 : memref<32xf32, #tpu.memory_space<vmem_shared>>) target_semaphore(%run_scoped3A : memref<!tpu.dma_semaphore, #tpu.memory_space<semaphore_mem>>)
      %dma_wait3A = tpu.memref_slice %arg18[%mul3A_12] : memref<512xf32, #tpu.memory_space<vmem_shared>> -> memref<32xf32, #tpu.memory_space<vmem_shared>>
      %dma_wait3A_865 = tpu.memref_slice %arg18[%mul3A_12] : memref<512xf32, #tpu.memory_space<vmem_shared>> -> memref<32xf32, #tpu.memory_space<vmem_shared>>
      tpu.wait_dma2 semaphore(%run_scoped3A : memref<!tpu.dma_semaphore, #tpu.memory_space<semaphore_mem>>) src(%arg11 : memref<32xf32, #tpu.memory_space<vmem>>) dst(%dma_wait3A_865 : memref<32xf32, #tpu.memory_space<vmem_shared>>)
      tpu.yield
    }) : () -> ()
    %mul3A_13 = arith.constant 32 : i32
    %mul3A_14 = arith.muli %add3A, %mul3A_13 : i32
    "tpu.region"() ({
      %run_scoped3A = tpu.sem_alloc : memref<!tpu.dma_semaphore, #tpu.memory_space<semaphore_mem>>
      %dma_start3A = tpu.memref_slice %arg19[%mul3A_14] : memref<512xi32, #tpu.memory_space<vmem_shared>> -> memref<32xi32, #tpu.memory_space<vmem_shared>>
      %dma_start3A_864 = tpu.memref_slice %arg19[%mul3A_14] : memref<512xi32, #tpu.memory_space<vmem_shared>> -> memref<32xi32, #tpu.memory_space<vmem_shared>>
      tpu.enqueue_dma source(%arg12 : memref<32xi32, #tpu.memory_space<vmem>>) target(%dma_start3A_864 : memref<32xi32, #tpu.memory_space<vmem_shared>>) target_semaphore(%run_scoped3A : memref<!tpu.dma_semaphore, #tpu.memory_space<semaphore_mem>>)
      %dma_wait3A = tpu.memref_slice %arg19[%mul3A_14] : memref<512xi32, #tpu.memory_space<vmem_shared>> -> memref<32xi32, #tpu.memory_space<vmem_shared>>
      %dma_wait3A_865 = tpu.memref_slice %arg19[%mul3A_14] : memref<512xi32, #tpu.memory_space<vmem_shared>> -> memref<32xi32, #tpu.memory_space<vmem_shared>>
      tpu.wait_dma2 semaphore(%run_scoped3A : memref<!tpu.dma_semaphore, #tpu.memory_space<semaphore_mem>>) src(%arg12 : memref<32xi32, #tpu.memory_space<vmem>>) dst(%dma_wait3A_865 : memref<32xi32, #tpu.memory_space<vmem_shared>>)
      tpu.yield
    }) : () -> ()
    %barrier3A = arith.constant 0 : index
    tpu.barrier barrier_id(%barrier3A)
    "tpu.region"() ({
      %run_scoped3A = tpu.sem_alloc : memref<!tpu.dma_semaphore, #tpu.memory_space<semaphore_mem>>
      tpu.enqueue_dma source(%arg18 : memref<512xf32, #tpu.memory_space<vmem_shared>>) target(%arg13 : memref<512xf32, #tpu.memory_space<vmem>>) target_semaphore(%run_scoped3A : memref<!tpu.dma_semaphore, #tpu.memory_space<semaphore_mem>>)
      tpu.wait_dma2 semaphore(%run_scoped3A : memref<!tpu.dma_semaphore, #tpu.memory_space<semaphore_mem>>) src(%arg18 : memref<512xf32, #tpu.memory_space<vmem_shared>>) dst(%arg13 : memref<512xf32, #tpu.memory_space<vmem>>)
      tpu.yield
    }) : () -> ()
    "tpu.region"() ({
      %run_scoped3A = tpu.sem_alloc : memref<!tpu.dma_semaphore, #tpu.memory_space<semaphore_mem>>
      tpu.enqueue_dma source(%arg19 : memref<512xi32, #tpu.memory_space<vmem_shared>>) target(%arg14 : memref<512xi32, #tpu.memory_space<vmem>>) target_semaphore(%run_scoped3A : memref<!tpu.dma_semaphore, #tpu.memory_space<semaphore_mem>>)
      tpu.wait_dma2 semaphore(%run_scoped3A : memref<!tpu.dma_semaphore, #tpu.memory_space<semaphore_mem>>) src(%arg19 : memref<512xi32, #tpu.memory_space<vmem_shared>>) dst(%arg14 : memref<512xi32, #tpu.memory_space<vmem>>)
      tpu.yield
    }) : () -> ()
    %eq3A = arith.constant 0 : i32
    %eq3A_15 = vector.broadcast %eq3A : i32 to vector<16xi32>
    %eq3A_16 = arith.cmpi eq, %iota3A, %eq3A_15 : vector<16xi32>
    %broadcast_in_dim3A = arith.constant 0 : i32
    %broadcast_in_dim3A_17 = vector.broadcast %broadcast_in_dim3A : i32 to vector<16xi32>
    %mul3A_18 = arith.constant 32 : i32
    %mul3A_19 = vector.broadcast %mul3A_18 : i32 to vector<16xi32>
    %mul3A_20 = arith.muli %iota3A, %mul3A_19 : vector<16xi32>
    %add3A_21 = arith.addi %mul3A_20, %broadcast_in_dim3A_17 : vector<16xi32>
    %gather3A = tpu.vector_load_idx %arg13[%add3A_21] : memref<512xf32, #tpu.memory_space<vmem>>[vector<16xi32>], vector<16xf32>,
    %gather3A_22 = tpu.vector_load_idx %arg14[%add3A_21] : memref<512xi32, #tpu.memory_space<vmem>>[vector<16xi32>], vector<16xi32>,
    %reduce_max3A = arith.constant true
    %reduce_max3A_23 = vector.broadcast %reduce_max3A : i1 to vector<16xi1>
    %reduce_max3A_24 = tpu.scan <max>, %gather3A masked %reduce_max3A_23 : vector<16xf32>, vector<16xi1> -> vector<16xf32>
    %reduce_max3A_25 = vector.extract %reduce_max3A_24[15] : f32 from vector<16xf32>
    %eq3A_26 = vector.broadcast %reduce_max3A_25 : f32 to vector<16xf32>
    %eq3A_27 = arith.cmpf oeq, %gather3A, %eq3A_26 : vector<16xf32>
    %broadcast_in_dim3A_28 = arith.constant 20480 : i32
    %broadcast_in_dim3A_29 = vector.broadcast %broadcast_in_dim3A_28 : i32 to vector<16xi32>
    %select_n3A = arith.select %eq3A_27, %gather3A_22, %broadcast_in_dim3A_29 : vector<16xi1>, vector<16xi32>
    %reduce_min3A = arith.constant true
    %reduce_min3A_30 = vector.broadcast %reduce_min3A : i1 to vector<16xi1>
    %reduce_min3A_31 = arith.constant -2147483648 : i32
    %reduce_min3A_32 = vector.broadcast %reduce_min3A_31 : i32 to vector<16xi32>
    %reduce_min3A_33 = arith.xori %select_n3A, %reduce_min3A_32 : vector<16xi32>
    %reduce_min3A_34 = tpu.scan <min>, %reduce_min3A_33 masked %reduce_min3A_30 : vector<16xi32>, vector<16xi1> -> vector<16xi32>
    %reduce_min3A_35 = arith.xori %reduce_min3A_34, %reduce_min3A_32 : vector<16xi32>
    %reduce_min3A_36 = vector.extract %reduce_min3A_35[15] : i32 from vector<16xi32>
    %sub3A = arith.subi %reduce_min3A_36, %mul3A_2 : i32
    %ge3A = arith.constant 0 : i32
    %ge3A_37 = arith.cmpi sge, %sub3A, %ge3A : i32
    %lt3A = arith.constant 1280 : i32
    %lt3A_38 = arith.cmpi slt, %sub3A, %lt3A : i32
    %and3A = arith.andi %ge3A_37, %lt3A_38 : i1
    %jit3A = arith.constant 0 : i32
    %jit3A_39 = arith.constant 1279 : i32
    %max3A = arith.maxsi %jit3A, %sub3A : i32
    %min3A = arith.minsi %jit3A_39, %max3A : i32
    %broadcast_in_dim3A_40 = vector.broadcast %min3A : i32 to vector<16xi32>
    %and3A_41 = vector.broadcast %and3A : i1 to vector<16xi1>
    %and3A_42 = arith.andi %eq3A_16, %and3A_41 : vector<16xi1>
    tpu.vector_store_idx %arg9[%broadcast_in_dim3A_40], %broadcast_in_dim3A_17 masked %and3A_42 : memref<1280xi32, #tpu.memory_space<vmem>>[vector<16xi32>], vector<16xi32>, vector<16xi1>
    %broadcast_in_dim3A_43 = arith.constant 1 : i32
    %broadcast_in_dim3A_44 = vector.broadcast %broadcast_in_dim3A_43 : i32 to vector<16xi32>
    tpu.vector_store_idx %arg10[%broadcast_in_dim3A_40], %broadcast_in_dim3A_44 masked %and3A_42 : memref<1280xi32, #tpu.memory_space<vmem>>[vector<16xi32>], vector<16xi32>, vector<16xi1>
    %broadcast_in_dim3A_45 = arith.constant 1 : i32
    %broadcast_in_dim3A_46 = vector.broadcast %broadcast_in_dim3A_45 : i32 to vector<16xi32>
    %mul3A_47 = arith.constant 32 : i32
    %mul3A_48 = vector.broadcast %mul3A_47 : i32 to vector<16xi32>
    %mul3A_49 = arith.muli %iota3A, %mul3A_48 : vector<16xi32>
    %add3A_50 = arith.addi %mul3A_49, %broadcast_in_dim3A_46 : vector<16xi32>
    %gather3A_51 = tpu.vector_load_idx %arg13[%add3A_50] : memref<512xf32, #tpu.memory_space<vmem>>[vector<16xi32>], vector<16xf32>,
    %gather3A_52 = tpu.vector_load_idx %arg14[%add3A_50] : memref<512xi32, #tpu.memory_space<vmem>>[vector<16xi32>], vector<16xi32>,
    %reduce_max3A_53 = arith.constant true
    %reduce_max3A_54 = vector.broadcast %reduce_max3A_53 : i1 to vector<16xi1>
    %reduce_max3A_55 = tpu.scan <max>, %gather3A_51 masked %reduce_max3A_54 : vector<16xf32>, vector<16xi1> -> vector<16xf32>
    %reduce_max3A_56 = vector.extract %reduce_max3A_55[15] : f32 from vector<16xf32>
    %eq3A_57 = vector.broadcast %reduce_max3A_56 : f32 to vector<16xf32>
    %eq3A_58 = arith.cmpf oeq, %gather3A_51, %eq3A_57 : vector<16xf32>
    %broadcast_in_dim3A_59 = arith.constant 20480 : i32
    %broadcast_in_dim3A_60 = vector.broadcast %broadcast_in_dim3A_59 : i32 to vector<16xi32>
    %select_n3A_61 = arith.select %eq3A_58, %gather3A_52, %broadcast_in_dim3A_60 : vector<16xi1>, vector<16xi32>
    %reduce_min3A_62 = arith.constant true
    %reduce_min3A_63 = vector.broadcast %reduce_min3A_62 : i1 to vector<16xi1>
    %reduce_min3A_64 = arith.constant -2147483648 : i32
    %reduce_min3A_65 = vector.broadcast %reduce_min3A_64 : i32 to vector<16xi32>
    %reduce_min3A_66 = arith.xori %select_n3A_61, %reduce_min3A_65 : vector<16xi32>
    %reduce_min3A_67 = tpu.scan <min>, %reduce_min3A_66 masked %reduce_min3A_63 : vector<16xi32>, vector<16xi1> -> vector<16xi32>
    %reduce_min3A_68 = arith.xori %reduce_min3A_67, %reduce_min3A_65 : vector<16xi32>
    %reduce_min3A_69 = vector.extract %reduce_min3A_68[15] : i32 from vector<16xi32>
    %sub3A_70 = arith.subi %reduce_min3A_69, %mul3A_2 : i32
    %ge3A_71 = arith.constant 0 : i32
    %ge3A_72 = arith.cmpi sge, %sub3A_70, %ge3A_71 : i32
    %lt3A_73 = arith.constant 1280 : i32
    %lt3A_74 = arith.cmpi slt, %sub3A_70, %lt3A_73 : i32
    %and3A_75 = arith.andi %ge3A_72, %lt3A_74 : i1
    %jit3A_76 = arith.constant 0 : i32
    %jit3A_77 = arith.constant 1279 : i32
    %max3A_78 = arith.maxsi %jit3A_76, %sub3A_70 : i32
    %min3A_79 = arith.minsi %jit3A_77, %max3A_78 : i32
    %broadcast_in_dim3A_80 = vector.broadcast %min3A_79 : i32 to vector<16xi32>
    %and3A_81 = vector.broadcast %and3A_75 : i1 to vector<16xi1>
    %and3A_82 = arith.andi %eq3A_16, %and3A_81 : vector<16xi1>
    tpu.vector_store_idx %arg9[%broadcast_in_dim3A_80], %broadcast_in_dim3A_46 masked %and3A_82 : memref<1280xi32, #tpu.memory_space<vmem>>[vector<16xi32>], vector<16xi32>, vector<16xi1>
    %broadcast_in_dim3A_83 = arith.constant 1 : i32
    %broadcast_in_dim3A_84 = vector.broadcast %broadcast_in_dim3A_83 : i32 to vector<16xi32>
    tpu.vector_store_idx %arg10[%broadcast_in_dim3A_80], %broadcast_in_dim3A_84 masked %and3A_82 : memref<1280xi32, #tpu.memory_space<vmem>>[vector<16xi32>], vector<16xi32>, vector<16xi1>
    %broadcast_in_dim3A_85 = arith.constant 2 : i32
    %broadcast_in_dim3A_86 = vector.broadcast %broadcast_in_dim3A_85 : i32 to vector<16xi32>
    %mul3A_87 = arith.constant 32 : i32
    %mul3A_88 = vector.broadcast %mul3A_87 : i32 to vector<16xi32>
    %mul3A_89 = arith.muli %iota3A, %mul3A_88 : vector<16xi32>
    %add3A_90 = arith.addi %mul3A_89, %broadcast_in_dim3A_86 : vector<16xi32>
    %gather3A_91 = tpu.vector_load_idx %arg13[%add3A_90] : memref<512xf32, #tpu.memory_space<vmem>>[vector<16xi32>], vector<16xf32>,
    %gather3A_92 = tpu.vector_load_idx %arg14[%add3A_90] : memref<512xi32, #tpu.memory_space<vmem>>[vector<16xi32>], vector<16xi32>,
    %reduce_max3A_93 = arith.constant true
    %reduce_max3A_94 = vector.broadcast %reduce_max3A_93 : i1 to vector<16xi1>
    %reduce_max3A_95 = tpu.scan <max>, %gather3A_91 masked %reduce_max3A_94 : vector<16xf32>, vector<16xi1> -> vector<16xf32>
    %reduce_max3A_96 = vector.extract %reduce_max3A_95[15] : f32 from vector<16xf32>
    %eq3A_97 = vector.broadcast %reduce_max3A_96 : f32 to vector<16xf32>
    %eq3A_98 = arith.cmpf oeq, %gather3A_91, %eq3A_97 : vector<16xf32>
    %broadcast_in_dim3A_99 = arith.constant 20480 : i32
    %broadcast_in_dim3A_100 = vector.broadcast %broadcast_in_dim3A_99 : i32 to vector<16xi32>
    %select_n3A_101 = arith.select %eq3A_98, %gather3A_92, %broadcast_in_dim3A_100 : vector<16xi1>, vector<16xi32>
    %reduce_min3A_102 = arith.constant true
    %reduce_min3A_103 = vector.broadcast %reduce_min3A_102 : i1 to vector<16xi1>
    %reduce_min3A_104 = arith.constant -2147483648 : i32
    %reduce_min3A_105 = vector.broadcast %reduce_min3A_104 : i32 to vector<16xi32>
    %reduce_min3A_106 = arith.xori %select_n3A_101, %reduce_min3A_105 : vector<16xi32>
    %reduce_min3A_107 = tpu.scan <min>, %reduce_min3A_106 masked %reduce_min3A_103 : vector<16xi32>, vector<16xi1> -> vector<16xi32>
    %reduce_min3A_108 = arith.xori %reduce_min3A_107, %reduce_min3A_105 : vector<16xi32>
    %reduce_min3A_109 = vector.extract %reduce_min3A_108[15] : i32 from vector<16xi32>
    %sub3A_110 = arith.subi %reduce_min3A_109, %mul3A_2 : i32
    %ge3A_111 = arith.constant 0 : i32
    %ge3A_112 = arith.cmpi sge, %sub3A_110, %ge3A_111 : i32
    %lt3A_113 = arith.constant 1280 : i32
    %lt3A_114 = arith.cmpi slt, %sub3A_110, %lt3A_113 : i32
    %and3A_115 = arith.andi %ge3A_112, %lt3A_114 : i1
    %jit3A_116 = arith.constant 0 : i32
    %jit3A_117 = arith.constant 1279 : i32
    %max3A_118 = arith.maxsi %jit3A_116, %sub3A_110 : i32
    %min3A_119 = arith.minsi %jit3A_117, %max3A_118 : i32
    %broadcast_in_dim3A_120 = vector.broadcast %min3A_119 : i32 to vector<16xi32>
    %and3A_121 = vector.broadcast %and3A_115 : i1 to vector<16xi1>
    %and3A_122 = arith.andi %eq3A_16, %and3A_121 : vector<16xi1>
    tpu.vector_store_idx %arg9[%broadcast_in_dim3A_120], %broadcast_in_dim3A_86 masked %and3A_122 : memref<1280xi32, #tpu.memory_space<vmem>>[vector<16xi32>], vector<16xi32>, vector<16xi1>
    %broadcast_in_dim3A_123 = arith.constant 1 : i32
    %broadcast_in_dim3A_124 = vector.broadcast %broadcast_in_dim3A_123 : i32 to vector<16xi32>
    tpu.vector_store_idx %arg10[%broadcast_in_dim3A_120], %broadcast_in_dim3A_124 masked %and3A_122 : memref<1280xi32, #tpu.memory_space<vmem>>[vector<16xi32>], vector<16xi32>, vector<16xi1>
    %broadcast_in_dim3A_125 = arith.constant 3 : i32
    %broadcast_in_dim3A_126 = vector.broadcast %broadcast_in_dim3A_125 : i32 to vector<16xi32>
    %mul3A_127 = arith.constant 32 : i32
    %mul3A_128 = vector.broadcast %mul3A_127 : i32 to vector<16xi32>
    %mul3A_129 = arith.muli %iota3A, %mul3A_128 : vector<16xi32>
    %add3A_130 = arith.addi %mul3A_129, %broadcast_in_dim3A_126 : vector<16xi32>
    %gather3A_131 = tpu.vector_load_idx %arg13[%add3A_130] : memref<512xf32, #tpu.memory_space<vmem>>[vector<16xi32>], vector<16xf32>,
    %gather3A_132 = tpu.vector_load_idx %arg14[%add3A_130] : memref<512xi32, #tpu.memory_space<vmem>>[vector<16xi32>], vector<16xi32>,
    %reduce_max3A_133 = arith.constant true
    %reduce_max3A_134 = vector.broadcast %reduce_max3A_133 : i1 to vector<16xi1>
    %reduce_max3A_135 = tpu.scan <max>, %gather3A_131 masked %reduce_max3A_134 : vector<16xf32>, vector<16xi1> -> vector<16xf32>
    %reduce_max3A_136 = vector.extract %reduce_max3A_135[15] : f32 from vector<16xf32>
    %eq3A_137 = vector.broadcast %reduce_max3A_136 : f32 to vector<16xf32>
    %eq3A_138 = arith.cmpf oeq, %gather3A_131, %eq3A_137 : vector<16xf32>
    %broadcast_in_dim3A_139 = arith.constant 20480 : i32
    %broadcast_in_dim3A_140 = vector.broadcast %broadcast_in_dim3A_139 : i32 to vector<16xi32>
    %select_n3A_141 = arith.select %eq3A_138, %gather3A_132, %broadcast_in_dim3A_140 : vector<16xi1>, vector<16xi32>
    %reduce_min3A_142 = arith.constant true
    %reduce_min3A_143 = vector.broadcast %reduce_min3A_142 : i1 to vector<16xi1>
    %reduce_min3A_144 = arith.constant -2147483648 : i32
    %reduce_min3A_145 = vector.broadcast %reduce_min3A_144 : i32 to vector<16xi32>
    %reduce_min3A_146 = arith.xori %select_n3A_141, %reduce_min3A_145 : vector<16xi32>
    %reduce_min3A_147 = tpu.scan <min>, %reduce_min3A_146 masked %reduce_min3A_143 : vector<16xi32>, vector<16xi1> -> vector<16xi32>
    %reduce_min3A_148 = arith.xori %reduce_min3A_147, %reduce_min3A_145 : vector<16xi32>
    %reduce_min3A_149 = vector.extract %reduce_min3A_148[15] : i32 from vector<16xi32>
    %sub3A_150 = arith.subi %reduce_min3A_149, %mul3A_2 : i32
    %ge3A_151 = arith.constant 0 : i32
    %ge3A_152 = arith.cmpi sge, %sub3A_150, %ge3A_151 : i32
    %lt3A_153 = arith.constant 1280 : i32
    %lt3A_154 = arith.cmpi slt, %sub3A_150, %lt3A_153 : i32
    %and3A_155 = arith.andi %ge3A_152, %lt3A_154 : i1
    %jit3A_156 = arith.constant 0 : i32
    %jit3A_157 = arith.constant 1279 : i32
    %max3A_158 = arith.maxsi %jit3A_156, %sub3A_150 : i32
    %min3A_159 = arith.minsi %jit3A_157, %max3A_158 : i32
    %broadcast_in_dim3A_160 = vector.broadcast %min3A_159 : i32 to vector<16xi32>
    %and3A_161 = vector.broadcast %and3A_155 : i1 to vector<16xi1>
    %and3A_162 = arith.andi %eq3A_16, %and3A_161 : vector<16xi1>
    tpu.vector_store_idx %arg9[%broadcast_in_dim3A_160], %broadcast_in_dim3A_126 masked %and3A_162 : memref<1280xi32, #tpu.memory_space<vmem>>[vector<16xi32>], vector<16xi32>, vector<16xi1>
    %broadcast_in_dim3A_163 = arith.constant 1 : i32
    %broadcast_in_dim3A_164 = vector.broadcast %broadcast_in_dim3A_163 : i32 to vector<16xi32>
    tpu.vector_store_idx %arg10[%broadcast_in_dim3A_160], %broadcast_in_dim3A_164 masked %and3A_162 : memref<1280xi32, #tpu.memory_space<vmem>>[vector<16xi32>], vector<16xi32>, vector<16xi1>
    %broadcast_in_dim3A_165 = arith.constant 4 : i32
    %broadcast_in_dim3A_166 = vector.broadcast %broadcast_in_dim3A_165 : i32 to vector<16xi32>
    %mul3A_167 = arith.constant 32 : i32
    %mul3A_168 = vector.broadcast %mul3A_167 : i32 to vector<16xi32>
    %mul3A_169 = arith.muli %iota3A, %mul3A_168 : vector<16xi32>
    %add3A_170 = arith.addi %mul3A_169, %broadcast_in_dim3A_166 : vector<16xi32>
    %gather3A_171 = tpu.vector_load_idx %arg13[%add3A_170] : memref<512xf32, #tpu.memory_space<vmem>>[vector<16xi32>], vector<16xf32>,
    %gather3A_172 = tpu.vector_load_idx %arg14[%add3A_170] : memref<512xi32, #tpu.memory_space<vmem>>[vector<16xi32>], vector<16xi32>,
    %reduce_max3A_173 = arith.constant true
    %reduce_max3A_174 = vector.broadcast %reduce_max3A_173 : i1 to vector<16xi1>
    %reduce_max3A_175 = tpu.scan <max>, %gather3A_171 masked %reduce_max3A_174 : vector<16xf32>, vector<16xi1> -> vector<16xf32>
    %reduce_max3A_176 = vector.extract %reduce_max3A_175[15] : f32 from vector<16xf32>
    %eq3A_177 = vector.broadcast %reduce_max3A_176 : f32 to vector<16xf32>
    %eq3A_178 = arith.cmpf oeq, %gather3A_171, %eq3A_177 : vector<16xf32>
    %broadcast_in_dim3A_179 = arith.constant 20480 : i32
    %broadcast_in_dim3A_180 = vector.broadcast %broadcast_in_dim3A_179 : i32 to vector<16xi32>
    %select_n3A_181 = arith.select %eq3A_178, %gather3A_172, %broadcast_in_dim3A_180 : vector<16xi1>, vector<16xi32>
    %reduce_min3A_182 = arith.constant true
    %reduce_min3A_183 = vector.broadcast %reduce_min3A_182 : i1 to vector<16xi1>
    %reduce_min3A_184 = arith.constant -2147483648 : i32
    %reduce_min3A_185 = vector.broadcast %reduce_min3A_184 : i32 to vector<16xi32>
    %reduce_min3A_186 = arith.xori %select_n3A_181, %reduce_min3A_185 : vector<16xi32>
    %reduce_min3A_187 = tpu.scan <min>, %reduce_min3A_186 masked %reduce_min3A_183 : vector<16xi32>, vector<16xi1> -> vector<16xi32>
    %reduce_min3A_188 = arith.xori %reduce_min3A_187, %reduce_min3A_185 : vector<16xi32>
    %reduce_min3A_189 = vector.extract %reduce_min3A_188[15] : i32 from vector<16xi32>
    %sub3A_190 = arith.subi %reduce_min3A_189, %mul3A_2 : i32
    %ge3A_191 = arith.constant 0 : i32
    %ge3A_192 = arith.cmpi sge, %sub3A_190, %ge3A_191 : i32
    %lt3A_193 = arith.constant 1280 : i32
    %lt3A_194 = arith.cmpi slt, %sub3A_190, %lt3A_193 : i32
    %and3A_195 = arith.andi %ge3A_192, %lt3A_194 : i1
    %jit3A_196 = arith.constant 0 : i32
    %jit3A_197 = arith.constant 1279 : i32
    %max3A_198 = arith.maxsi %jit3A_196, %sub3A_190 : i32
    %min3A_199 = arith.minsi %jit3A_197, %max3A_198 : i32
    %broadcast_in_dim3A_200 = vector.broadcast %min3A_199 : i32 to vector<16xi32>
    %and3A_201 = vector.broadcast %and3A_195 : i1 to vector<16xi1>
    %and3A_202 = arith.andi %eq3A_16, %and3A_201 : vector<16xi1>
    tpu.vector_store_idx %arg9[%broadcast_in_dim3A_200], %broadcast_in_dim3A_166 masked %and3A_202 : memref<1280xi32, #tpu.memory_space<vmem>>[vector<16xi32>], vector<16xi32>, vector<16xi1>
    %broadcast_in_dim3A_203 = arith.constant 1 : i32
    %broadcast_in_dim3A_204 = vector.broadcast %broadcast_in_dim3A_203 : i32 to vector<16xi32>
    tpu.vector_store_idx %arg10[%broadcast_in_dim3A_200], %broadcast_in_dim3A_204 masked %and3A_202 : memref<1280xi32, #tpu.memory_space<vmem>>[vector<16xi32>], vector<16xi32>, vector<16xi1>
    %broadcast_in_dim3A_205 = arith.constant 5 : i32
    %broadcast_in_dim3A_206 = vector.broadcast %broadcast_in_dim3A_205 : i32 to vector<16xi32>
    %mul3A_207 = arith.constant 32 : i32
    %mul3A_208 = vector.broadcast %mul3A_207 : i32 to vector<16xi32>
    %mul3A_209 = arith.muli %iota3A, %mul3A_208 : vector<16xi32>
    %add3A_210 = arith.addi %mul3A_209, %broadcast_in_dim3A_206 : vector<16xi32>
    %gather3A_211 = tpu.vector_load_idx %arg13[%add3A_210] : memref<512xf32, #tpu.memory_space<vmem>>[vector<16xi32>], vector<16xf32>,
    %gather3A_212 = tpu.vector_load_idx %arg14[%add3A_210] : memref<512xi32, #tpu.memory_space<vmem>>[vector<16xi32>], vector<16xi32>,
    %reduce_max3A_213 = arith.constant true
    %reduce_max3A_214 = vector.broadcast %reduce_max3A_213 : i1 to vector<16xi1>
    %reduce_max3A_215 = tpu.scan <max>, %gather3A_211 masked %reduce_max3A_214 : vector<16xf32>, vector<16xi1> -> vector<16xf32>
    %reduce_max3A_216 = vector.extract %reduce_max3A_215[15] : f32 from vector<16xf32>
    %eq3A_217 = vector.broadcast %reduce_max3A_216 : f32 to vector<16xf32>
    %eq3A_218 = arith.cmpf oeq, %gather3A_211, %eq3A_217 : vector<16xf32>
    %broadcast_in_dim3A_219 = arith.constant 20480 : i32
    %broadcast_in_dim3A_220 = vector.broadcast %broadcast_in_dim3A_219 : i32 to vector<16xi32>
    %select_n3A_221 = arith.select %eq3A_218, %gather3A_212, %broadcast_in_dim3A_220 : vector<16xi1>, vector<16xi32>
    %reduce_min3A_222 = arith.constant true
    %reduce_min3A_223 = vector.broadcast %reduce_min3A_222 : i1 to vector<16xi1>
    %reduce_min3A_224 = arith.constant -2147483648 : i32
    %reduce_min3A_225 = vector.broadcast %reduce_min3A_224 : i32 to vector<16xi32>
    %reduce_min3A_226 = arith.xori %select_n3A_221, %reduce_min3A_225 : vector<16xi32>
    %reduce_min3A_227 = tpu.scan <min>, %reduce_min3A_226 masked %reduce_min3A_223 : vector<16xi32>, vector<16xi1> -> vector<16xi32>
    %reduce_min3A_228 = arith.xori %reduce_min3A_227, %reduce_min3A_225 : vector<16xi32>
    %reduce_min3A_229 = vector.extract %reduce_min3A_228[15] : i32 from vector<16xi32>
    %sub3A_230 = arith.subi %reduce_min3A_229, %mul3A_2 : i32
    %ge3A_231 = arith.constant 0 : i32
    %ge3A_232 = arith.cmpi sge, %sub3A_230, %ge3A_231 : i32
    %lt3A_233 = arith.constant 1280 : i32
    %lt3A_234 = arith.cmpi slt, %sub3A_230, %lt3A_233 : i32
    %and3A_235 = arith.andi %ge3A_232, %lt3A_234 : i1
    %jit3A_236 = arith.constant 0 : i32
    %jit3A_237 = arith.constant 1279 : i32
    %max3A_238 = arith.maxsi %jit3A_236, %sub3A_230 : i32
    %min3A_239 = arith.minsi %jit3A_237, %max3A_238 : i32
    %broadcast_in_dim3A_240 = vector.broadcast %min3A_239 : i32 to vector<16xi32>
    %and3A_241 = vector.broadcast %and3A_235 : i1 to vector<16xi1>
    %and3A_242 = arith.andi %eq3A_16, %and3A_241 : vector<16xi1>
    tpu.vector_store_idx %arg9[%broadcast_in_dim3A_240], %broadcast_in_dim3A_206 masked %and3A_242 : memref<1280xi32, #tpu.memory_space<vmem>>[vector<16xi32>], vector<16xi32>, vector<16xi1>
    %broadcast_in_dim3A_243 = arith.constant 1 : i32
    %broadcast_in_dim3A_244 = vector.broadcast %broadcast_in_dim3A_243 : i32 to vector<16xi32>
    tpu.vector_store_idx %arg10[%broadcast_in_dim3A_240], %broadcast_in_dim3A_244 masked %and3A_242 : memref<1280xi32, #tpu.memory_space<vmem>>[vector<16xi32>], vector<16xi32>, vector<16xi1>
    %broadcast_in_dim3A_245 = arith.constant 6 : i32
    %broadcast_in_dim3A_246 = vector.broadcast %broadcast_in_dim3A_245 : i32 to vector<16xi32>
    %mul3A_247 = arith.constant 32 : i32
    %mul3A_248 = vector.broadcast %mul3A_247 : i32 to vector<16xi32>
    %mul3A_249 = arith.muli %iota3A, %mul3A_248 : vector<16xi32>
    %add3A_250 = arith.addi %mul3A_249, %broadcast_in_dim3A_246 : vector<16xi32>
    %gather3A_251 = tpu.vector_load_idx %arg13[%add3A_250] : memref<512xf32, #tpu.memory_space<vmem>>[vector<16xi32>], vector<16xf32>,
    %gather3A_252 = tpu.vector_load_idx %arg14[%add3A_250] : memref<512xi32, #tpu.memory_space<vmem>>[vector<16xi32>], vector<16xi32>,
    %reduce_max3A_253 = arith.constant true
    %reduce_max3A_254 = vector.broadcast %reduce_max3A_253 : i1 to vector<16xi1>
    %reduce_max3A_255 = tpu.scan <max>, %gather3A_251 masked %reduce_max3A_254 : vector<16xf32>, vector<16xi1> -> vector<16xf32>
    %reduce_max3A_256 = vector.extract %reduce_max3A_255[15] : f32 from vector<16xf32>
    %eq3A_257 = vector.broadcast %reduce_max3A_256 : f32 to vector<16xf32>
    %eq3A_258 = arith.cmpf oeq, %gather3A_251, %eq3A_257 : vector<16xf32>
    %broadcast_in_dim3A_259 = arith.constant 20480 : i32
    %broadcast_in_dim3A_260 = vector.broadcast %broadcast_in_dim3A_259 : i32 to vector<16xi32>
    %select_n3A_261 = arith.select %eq3A_258, %gather3A_252, %broadcast_in_dim3A_260 : vector<16xi1>, vector<16xi32>
    %reduce_min3A_262 = arith.constant true
    %reduce_min3A_263 = vector.broadcast %reduce_min3A_262 : i1 to vector<16xi1>
    %reduce_min3A_264 = arith.constant -2147483648 : i32
    %reduce_min3A_265 = vector.broadcast %reduce_min3A_264 : i32 to vector<16xi32>
    %reduce_min3A_266 = arith.xori %select_n3A_261, %reduce_min3A_265 : vector<16xi32>
    %reduce_min3A_267 = tpu.scan <min>, %reduce_min3A_266 masked %reduce_min3A_263 : vector<16xi32>, vector<16xi1> -> vector<16xi32>
    %reduce_min3A_268 = arith.xori %reduce_min3A_267, %reduce_min3A_265 : vector<16xi32>
    %reduce_min3A_269 = vector.extract %reduce_min3A_268[15] : i32 from vector<16xi32>
    %sub3A_270 = arith.subi %reduce_min3A_269, %mul3A_2 : i32
    %ge3A_271 = arith.constant 0 : i32
    %ge3A_272 = arith.cmpi sge, %sub3A_270, %ge3A_271 : i32
    %lt3A_273 = arith.constant 1280 : i32
    %lt3A_274 = arith.cmpi slt, %sub3A_270, %lt3A_273 : i32
    %and3A_275 = arith.andi %ge3A_272, %lt3A_274 : i1
    %jit3A_276 = arith.constant 0 : i32
    %jit3A_277 = arith.constant 1279 : i32
    %max3A_278 = arith.maxsi %jit3A_276, %sub3A_270 : i32
    %min3A_279 = arith.minsi %jit3A_277, %max3A_278 : i32
    %broadcast_in_dim3A_280 = vector.broadcast %min3A_279 : i32 to vector<16xi32>
    %and3A_281 = vector.broadcast %and3A_275 : i1 to vector<16xi1>
    %and3A_282 = arith.andi %eq3A_16, %and3A_281 : vector<16xi1>
    tpu.vector_store_idx %arg9[%broadcast_in_dim3A_280], %broadcast_in_dim3A_246 masked %and3A_282 : memref<1280xi32, #tpu.memory_space<vmem>>[vector<16xi32>], vector<16xi32>, vector<16xi1>
    %broadcast_in_dim3A_283 = arith.constant 1 : i32
    %broadcast_in_dim3A_284 = vector.broadcast %broadcast_in_dim3A_283 : i32 to vector<16xi32>
    tpu.vector_store_idx %arg10[%broadcast_in_dim3A_280], %broadcast_in_dim3A_284 masked %and3A_282 : memref<1280xi32, #tpu.memory_space<vmem>>[vector<16xi32>], vector<16xi32>, vector<16xi1>
    %broadcast_in_dim3A_285 = arith.constant 7 : i32
    %broadcast_in_dim3A_286 = vector.broadcast %broadcast_in_dim3A_285 : i32 to vector<16xi32>
    %mul3A_287 = arith.constant 32 : i32
    %mul3A_288 = vector.broadcast %mul3A_287 : i32 to vector<16xi32>
    %mul3A_289 = arith.muli %iota3A, %mul3A_288 : vector<16xi32>
    %add3A_290 = arith.addi %mul3A_289, %broadcast_in_dim3A_286 : vector<16xi32>
    %gather3A_291 = tpu.vector_load_idx %arg13[%add3A_290] : memref<512xf32, #tpu.memory_space<vmem>>[vector<16xi32>], vector<16xf32>,
    %gather3A_292 = tpu.vector_load_idx %arg14[%add3A_290] : memref<512xi32, #tpu.memory_space<vmem>>[vector<16xi32>], vector<16xi32>,
    %reduce_max3A_293 = arith.constant true
    %reduce_max3A_294 = vector.broadcast %reduce_max3A_293 : i1 to vector<16xi1>
    %reduce_max3A_295 = tpu.scan <max>, %gather3A_291 masked %reduce_max3A_294 : vector<16xf32>, vector<16xi1> -> vector<16xf32>
    %reduce_max3A_296 = vector.extract %reduce_max3A_295[15] : f32 from vector<16xf32>
    %eq3A_297 = vector.broadcast %reduce_max3A_296 : f32 to vector<16xf32>
    %eq3A_298 = arith.cmpf oeq, %gather3A_291, %eq3A_297 : vector<16xf32>
    %broadcast_in_dim3A_299 = arith.constant 20480 : i32
    %broadcast_in_dim3A_300 = vector.broadcast %broadcast_in_dim3A_299 : i32 to vector<16xi32>
    %select_n3A_301 = arith.select %eq3A_298, %gather3A_292, %broadcast_in_dim3A_300 : vector<16xi1>, vector<16xi32>
    %reduce_min3A_302 = arith.constant true
    %reduce_min3A_303 = vector.broadcast %reduce_min3A_302 : i1 to vector<16xi1>
    %reduce_min3A_304 = arith.constant -2147483648 : i32
    %reduce_min3A_305 = vector.broadcast %reduce_min3A_304 : i32 to vector<16xi32>
    %reduce_min3A_306 = arith.xori %select_n3A_301, %reduce_min3A_305 : vector<16xi32>
    %reduce_min3A_307 = tpu.scan <min>, %reduce_min3A_306 masked %reduce_min3A_303 : vector<16xi32>, vector<16xi1> -> vector<16xi32>
    %reduce_min3A_308 = arith.xori %reduce_min3A_307, %reduce_min3A_305 : vector<16xi32>
    %reduce_min3A_309 = vector.extract %reduce_min3A_308[15] : i32 from vector<16xi32>
    %sub3A_310 = arith.subi %reduce_min3A_309, %mul3A_2 : i32
    %ge3A_311 = arith.constant 0 : i32
    %ge3A_312 = arith.cmpi sge, %sub3A_310, %ge3A_311 : i32
    %lt3A_313 = arith.constant 1280 : i32
    %lt3A_314 = arith.cmpi slt, %sub3A_310, %lt3A_313 : i32
    %and3A_315 = arith.andi %ge3A_312, %lt3A_314 : i1
    %jit3A_316 = arith.constant 0 : i32
    %jit3A_317 = arith.constant 1279 : i32
    %max3A_318 = arith.maxsi %jit3A_316, %sub3A_310 : i32
    %min3A_319 = arith.minsi %jit3A_317, %max3A_318 : i32
    %broadcast_in_dim3A_320 = vector.broadcast %min3A_319 : i32 to vector<16xi32>
    %and3A_321 = vector.broadcast %and3A_315 : i1 to vector<16xi1>
    %and3A_322 = arith.andi %eq3A_16, %and3A_321 : vector<16xi1>
    tpu.vector_store_idx %arg9[%broadcast_in_dim3A_320], %broadcast_in_dim3A_286 masked %and3A_322 : memref<1280xi32, #tpu.memory_space<vmem>>[vector<16xi32>], vector<16xi32>, vector<16xi1>
    %broadcast_in_dim3A_323 = arith.constant 1 : i32
    %broadcast_in_dim3A_324 = vector.broadcast %broadcast_in_dim3A_323 : i32 to vector<16xi32>
    tpu.vector_store_idx %arg10[%broadcast_in_dim3A_320], %broadcast_in_dim3A_324 masked %and3A_322 : memref<1280xi32, #tpu.memory_space<vmem>>[vector<16xi32>], vector<16xi32>, vector<16xi1>
    %broadcast_in_dim3A_325 = arith.constant 8 : i32
    %broadcast_in_dim3A_326 = vector.broadcast %broadcast_in_dim3A_325 : i32 to vector<16xi32>
    %mul3A_327 = arith.constant 32 : i32
    %mul3A_328 = vector.broadcast %mul3A_327 : i32 to vector<16xi32>
    %mul3A_329 = arith.muli %iota3A, %mul3A_328 : vector<16xi32>
    %add3A_330 = arith.addi %mul3A_329, %broadcast_in_dim3A_326 : vector<16xi32>
    %gather3A_331 = tpu.vector_load_idx %arg13[%add3A_330] : memref<512xf32, #tpu.memory_space<vmem>>[vector<16xi32>], vector<16xf32>,
    %gather3A_332 = tpu.vector_load_idx %arg14[%add3A_330] : memref<512xi32, #tpu.memory_space<vmem>>[vector<16xi32>], vector<16xi32>,
    %reduce_max3A_333 = arith.constant true
    %reduce_max3A_334 = vector.broadcast %reduce_max3A_333 : i1 to vector<16xi1>
    %reduce_max3A_335 = tpu.scan <max>, %gather3A_331 masked %reduce_max3A_334 : vector<16xf32>, vector<16xi1> -> vector<16xf32>
    %reduce_max3A_336 = vector.extract %reduce_max3A_335[15] : f32 from vector<16xf32>
    %eq3A_337 = vector.broadcast %reduce_max3A_336 : f32 to vector<16xf32>
    %eq3A_338 = arith.cmpf oeq, %gather3A_331, %eq3A_337 : vector<16xf32>
    %broadcast_in_dim3A_339 = arith.constant 20480 : i32
    %broadcast_in_dim3A_340 = vector.broadcast %broadcast_in_dim3A_339 : i32 to vector<16xi32>
    %select_n3A_341 = arith.select %eq3A_338, %gather3A_332, %broadcast_in_dim3A_340 : vector<16xi1>, vector<16xi32>
    %reduce_min3A_342 = arith.constant true
    %reduce_min3A_343 = vector.broadcast %reduce_min3A_342 : i1 to vector<16xi1>
    %reduce_min3A_344 = arith.constant -2147483648 : i32
    %reduce_min3A_345 = vector.broadcast %reduce_min3A_344 : i32 to vector<16xi32>
    %reduce_min3A_346 = arith.xori %select_n3A_341, %reduce_min3A_345 : vector<16xi32>
    %reduce_min3A_347 = tpu.scan <min>, %reduce_min3A_346 masked %reduce_min3A_343 : vector<16xi32>, vector<16xi1> -> vector<16xi32>
    %reduce_min3A_348 = arith.xori %reduce_min3A_347, %reduce_min3A_345 : vector<16xi32>
    %reduce_min3A_349 = vector.extract %reduce_min3A_348[15] : i32 from vector<16xi32>
    %sub3A_350 = arith.subi %reduce_min3A_349, %mul3A_2 : i32
    %ge3A_351 = arith.constant 0 : i32
    %ge3A_352 = arith.cmpi sge, %sub3A_350, %ge3A_351 : i32
    %lt3A_353 = arith.constant 1280 : i32
    %lt3A_354 = arith.cmpi slt, %sub3A_350, %lt3A_353 : i32
    %and3A_355 = arith.andi %ge3A_352, %lt3A_354 : i1
    %jit3A_356 = arith.constant 0 : i32
    %jit3A_357 = arith.constant 1279 : i32
    %max3A_358 = arith.maxsi %jit3A_356, %sub3A_350 : i32
    %min3A_359 = arith.minsi %jit3A_357, %max3A_358 : i32
    %broadcast_in_dim3A_360 = vector.broadcast %min3A_359 : i32 to vector<16xi32>
    %and3A_361 = vector.broadcast %and3A_355 : i1 to vector<16xi1>
    %and3A_362 = arith.andi %eq3A_16, %and3A_361 : vector<16xi1>
    tpu.vector_store_idx %arg9[%broadcast_in_dim3A_360], %broadcast_in_dim3A_326 masked %and3A_362 : memref<1280xi32, #tpu.memory_space<vmem>>[vector<16xi32>], vector<16xi32>, vector<16xi1>
    %broadcast_in_dim3A_363 = arith.constant 1 : i32
    %broadcast_in_dim3A_364 = vector.broadcast %broadcast_in_dim3A_363 : i32 to vector<16xi32>
    tpu.vector_store_idx %arg10[%broadcast_in_dim3A_360], %broadcast_in_dim3A_364 masked %and3A_362 : memref<1280xi32, #tpu.memory_space<vmem>>[vector<16xi32>], vector<16xi32>, vector<16xi1>
    %broadcast_in_dim3A_365 = arith.constant 9 : i32
    %broadcast_in_dim3A_366 = vector.broadcast %broadcast_in_dim3A_365 : i32 to vector<16xi32>
    %mul3A_367 = arith.constant 32 : i32
    %mul3A_368 = vector.broadcast %mul3A_367 : i32 to vector<16xi32>
    %mul3A_369 = arith.muli %iota3A, %mul3A_368 : vector<16xi32>
    %add3A_370 = arith.addi %mul3A_369, %broadcast_in_dim3A_366 : vector<16xi32>
    %gather3A_371 = tpu.vector_load_idx %arg13[%add3A_370] : memref<512xf32, #tpu.memory_space<vmem>>[vector<16xi32>], vector<16xf32>,
    %gather3A_372 = tpu.vector_load_idx %arg14[%add3A_370] : memref<512xi32, #tpu.memory_space<vmem>>[vector<16xi32>], vector<16xi32>,
    %reduce_max3A_373 = arith.constant true
    %reduce_max3A_374 = vector.broadcast %reduce_max3A_373 : i1 to vector<16xi1>
    %reduce_max3A_375 = tpu.scan <max>, %gather3A_371 masked %reduce_max3A_374 : vector<16xf32>, vector<16xi1> -> vector<16xf32>
    %reduce_max3A_376 = vector.extract %reduce_max3A_375[15] : f32 from vector<16xf32>
    %eq3A_377 = vector.broadcast %reduce_max3A_376 : f32 to vector<16xf32>
    %eq3A_378 = arith.cmpf oeq, %gather3A_371, %eq3A_377 : vector<16xf32>
    %broadcast_in_dim3A_379 = arith.constant 20480 : i32
    %broadcast_in_dim3A_380 = vector.broadcast %broadcast_in_dim3A_379 : i32 to vector<16xi32>
    %select_n3A_381 = arith.select %eq3A_378, %gather3A_372, %broadcast_in_dim3A_380 : vector<16xi1>, vector<16xi32>
    %reduce_min3A_382 = arith.constant true
    %reduce_min3A_383 = vector.broadcast %reduce_min3A_382 : i1 to vector<16xi1>
    %reduce_min3A_384 = arith.constant -2147483648 : i32
    %reduce_min3A_385 = vector.broadcast %reduce_min3A_384 : i32 to vector<16xi32>
    %reduce_min3A_386 = arith.xori %select_n3A_381, %reduce_min3A_385 : vector<16xi32>
    %reduce_min3A_387 = tpu.scan <min>, %reduce_min3A_386 masked %reduce_min3A_383 : vector<16xi32>, vector<16xi1> -> vector<16xi32>
    %reduce_min3A_388 = arith.xori %reduce_min3A_387, %reduce_min3A_385 : vector<16xi32>
    %reduce_min3A_389 = vector.extract %reduce_min3A_388[15] : i32 from vector<16xi32>
    %sub3A_390 = arith.subi %reduce_min3A_389, %mul3A_2 : i32
    %ge3A_391 = arith.constant 0 : i32
    %ge3A_392 = arith.cmpi sge, %sub3A_390, %ge3A_391 : i32
    %lt3A_393 = arith.constant 1280 : i32
    %lt3A_394 = arith.cmpi slt, %sub3A_390, %lt3A_393 : i32
    %and3A_395 = arith.andi %ge3A_392, %lt3A_394 : i1
    %jit3A_396 = arith.constant 0 : i32
    %jit3A_397 = arith.constant 1279 : i32
    %max3A_398 = arith.maxsi %jit3A_396, %sub3A_390 : i32
    %min3A_399 = arith.minsi %jit3A_397, %max3A_398 : i32
    %broadcast_in_dim3A_400 = vector.broadcast %min3A_399 : i32 to vector<16xi32>
    %and3A_401 = vector.broadcast %and3A_395 : i1 to vector<16xi1>
    %and3A_402 = arith.andi %eq3A_16, %and3A_401 : vector<16xi1>
    tpu.vector_store_idx %arg9[%broadcast_in_dim3A_400], %broadcast_in_dim3A_366 masked %and3A_402 : memref<1280xi32, #tpu.memory_space<vmem>>[vector<16xi32>], vector<16xi32>, vector<16xi1>
    %broadcast_in_dim3A_403 = arith.constant 1 : i32
    %broadcast_in_dim3A_404 = vector.broadcast %broadcast_in_dim3A_403 : i32 to vector<16xi32>
    tpu.vector_store_idx %arg10[%broadcast_in_dim3A_400], %broadcast_in_dim3A_404 masked %and3A_402 : memref<1280xi32, #tpu.memory_space<vmem>>[vector<16xi32>], vector<16xi32>, vector<16xi1>
    %broadcast_in_dim3A_405 = arith.constant 10 : i32
    %broadcast_in_dim3A_406 = vector.broadcast %broadcast_in_dim3A_405 : i32 to vector<16xi32>
    %mul3A_407 = arith.constant 32 : i32
    %mul3A_408 = vector.broadcast %mul3A_407 : i32 to vector<16xi32>
    %mul3A_409 = arith.muli %iota3A, %mul3A_408 : vector<16xi32>
    %add3A_410 = arith.addi %mul3A_409, %broadcast_in_dim3A_406 : vector<16xi32>
    %gather3A_411 = tpu.vector_load_idx %arg13[%add3A_410] : memref<512xf32, #tpu.memory_space<vmem>>[vector<16xi32>], vector<16xf32>,
    %gather3A_412 = tpu.vector_load_idx %arg14[%add3A_410] : memref<512xi32, #tpu.memory_space<vmem>>[vector<16xi32>], vector<16xi32>,
    %reduce_max3A_413 = arith.constant true
    %reduce_max3A_414 = vector.broadcast %reduce_max3A_413 : i1 to vector<16xi1>
    %reduce_max3A_415 = tpu.scan <max>, %gather3A_411 masked %reduce_max3A_414 : vector<16xf32>, vector<16xi1> -> vector<16xf32>
    %reduce_max3A_416 = vector.extract %reduce_max3A_415[15] : f32 from vector<16xf32>
    %eq3A_417 = vector.broadcast %reduce_max3A_416 : f32 to vector<16xf32>
    %eq3A_418 = arith.cmpf oeq, %gather3A_411, %eq3A_417 : vector<16xf32>
    %broadcast_in_dim3A_419 = arith.constant 20480 : i32
    %broadcast_in_dim3A_420 = vector.broadcast %broadcast_in_dim3A_419 : i32 to vector<16xi32>
    %select_n3A_421 = arith.select %eq3A_418, %gather3A_412, %broadcast_in_dim3A_420 : vector<16xi1>, vector<16xi32>
    %reduce_min3A_422 = arith.constant true
    %reduce_min3A_423 = vector.broadcast %reduce_min3A_422 : i1 to vector<16xi1>
    %reduce_min3A_424 = arith.constant -2147483648 : i32
    %reduce_min3A_425 = vector.broadcast %reduce_min3A_424 : i32 to vector<16xi32>
    %reduce_min3A_426 = arith.xori %select_n3A_421, %reduce_min3A_425 : vector<16xi32>
    %reduce_min3A_427 = tpu.scan <min>, %reduce_min3A_426 masked %reduce_min3A_423 : vector<16xi32>, vector<16xi1> -> vector<16xi32>
    %reduce_min3A_428 = arith.xori %reduce_min3A_427, %reduce_min3A_425 : vector<16xi32>
    %reduce_min3A_429 = vector.extract %reduce_min3A_428[15] : i32 from vector<16xi32>
    %sub3A_430 = arith.subi %reduce_min3A_429, %mul3A_2 : i32
    %ge3A_431 = arith.constant 0 : i32
    %ge3A_432 = arith.cmpi sge, %sub3A_430, %ge3A_431 : i32
    %lt3A_433 = arith.constant 1280 : i32
    %lt3A_434 = arith.cmpi slt, %sub3A_430, %lt3A_433 : i32
    %and3A_435 = arith.andi %ge3A_432, %lt3A_434 : i1
    %jit3A_436 = arith.constant 0 : i32
    %jit3A_437 = arith.constant 1279 : i32
    %max3A_438 = arith.maxsi %jit3A_436, %sub3A_430 : i32
    %min3A_439 = arith.minsi %jit3A_437, %max3A_438 : i32
    %broadcast_in_dim3A_440 = vector.broadcast %min3A_439 : i32 to vector<16xi32>
    %and3A_441 = vector.broadcast %and3A_435 : i1 to vector<16xi1>
    %and3A_442 = arith.andi %eq3A_16, %and3A_441 : vector<16xi1>
    tpu.vector_store_idx %arg9[%broadcast_in_dim3A_440], %broadcast_in_dim3A_406 masked %and3A_442 : memref<1280xi32, #tpu.memory_space<vmem>>[vector<16xi32>], vector<16xi32>, vector<16xi1>
    %broadcast_in_dim3A_443 = arith.constant 1 : i32
    %broadcast_in_dim3A_444 = vector.broadcast %broadcast_in_dim3A_443 : i32 to vector<16xi32>
    tpu.vector_store_idx %arg10[%broadcast_in_dim3A_440], %broadcast_in_dim3A_444 masked %and3A_442 : memref<1280xi32, #tpu.memory_space<vmem>>[vector<16xi32>], vector<16xi32>, vector<16xi1>
    %broadcast_in_dim3A_445 = arith.constant 11 : i32
    %broadcast_in_dim3A_446 = vector.broadcast %broadcast_in_dim3A_445 : i32 to vector<16xi32>
    %mul3A_447 = arith.constant 32 : i32
    %mul3A_448 = vector.broadcast %mul3A_447 : i32 to vector<16xi32>
    %mul3A_449 = arith.muli %iota3A, %mul3A_448 : vector<16xi32>
    %add3A_450 = arith.addi %mul3A_449, %broadcast_in_dim3A_446 : vector<16xi32>
    %gather3A_451 = tpu.vector_load_idx %arg13[%add3A_450] : memref<512xf32, #tpu.memory_space<vmem>>[vector<16xi32>], vector<16xf32>,
    %gather3A_452 = tpu.vector_load_idx %arg14[%add3A_450] : memref<512xi32, #tpu.memory_space<vmem>>[vector<16xi32>], vector<16xi32>,
    %reduce_max3A_453 = arith.constant true
    %reduce_max3A_454 = vector.broadcast %reduce_max3A_453 : i1 to vector<16xi1>
    %reduce_max3A_455 = tpu.scan <max>, %gather3A_451 masked %reduce_max3A_454 : vector<16xf32>, vector<16xi1> -> vector<16xf32>
    %reduce_max3A_456 = vector.extract %reduce_max3A_455[15] : f32 from vector<16xf32>
    %eq3A_457 = vector.broadcast %reduce_max3A_456 : f32 to vector<16xf32>
    %eq3A_458 = arith.cmpf oeq, %gather3A_451, %eq3A_457 : vector<16xf32>
    %broadcast_in_dim3A_459 = arith.constant 20480 : i32
    %broadcast_in_dim3A_460 = vector.broadcast %broadcast_in_dim3A_459 : i32 to vector<16xi32>
    %select_n3A_461 = arith.select %eq3A_458, %gather3A_452, %broadcast_in_dim3A_460 : vector<16xi1>, vector<16xi32>
    %reduce_min3A_462 = arith.constant true
    %reduce_min3A_463 = vector.broadcast %reduce_min3A_462 : i1 to vector<16xi1>
    %reduce_min3A_464 = arith.constant -2147483648 : i32
    %reduce_min3A_465 = vector.broadcast %reduce_min3A_464 : i32 to vector<16xi32>
    %reduce_min3A_466 = arith.xori %select_n3A_461, %reduce_min3A_465 : vector<16xi32>
    %reduce_min3A_467 = tpu.scan <min>, %reduce_min3A_466 masked %reduce_min3A_463 : vector<16xi32>, vector<16xi1> -> vector<16xi32>
    %reduce_min3A_468 = arith.xori %reduce_min3A_467, %reduce_min3A_465 : vector<16xi32>
    %reduce_min3A_469 = vector.extract %reduce_min3A_468[15] : i32 from vector<16xi32>
    %sub3A_470 = arith.subi %reduce_min3A_469, %mul3A_2 : i32
    %ge3A_471 = arith.constant 0 : i32
    %ge3A_472 = arith.cmpi sge, %sub3A_470, %ge3A_471 : i32
    %lt3A_473 = arith.constant 1280 : i32
    %lt3A_474 = arith.cmpi slt, %sub3A_470, %lt3A_473 : i32
    %and3A_475 = arith.andi %ge3A_472, %lt3A_474 : i1
    %jit3A_476 = arith.constant 0 : i32
    %jit3A_477 = arith.constant 1279 : i32
    %max3A_478 = arith.maxsi %jit3A_476, %sub3A_470 : i32
    %min3A_479 = arith.minsi %jit3A_477, %max3A_478 : i32
    %broadcast_in_dim3A_480 = vector.broadcast %min3A_479 : i32 to vector<16xi32>
    %and3A_481 = vector.broadcast %and3A_475 : i1 to vector<16xi1>
    %and3A_482 = arith.andi %eq3A_16, %and3A_481 : vector<16xi1>
    tpu.vector_store_idx %arg9[%broadcast_in_dim3A_480], %broadcast_in_dim3A_446 masked %and3A_482 : memref<1280xi32, #tpu.memory_space<vmem>>[vector<16xi32>], vector<16xi32>, vector<16xi1>
    %broadcast_in_dim3A_483 = arith.constant 1 : i32
    %broadcast_in_dim3A_484 = vector.broadcast %broadcast_in_dim3A_483 : i32 to vector<16xi32>
    tpu.vector_store_idx %arg10[%broadcast_in_dim3A_480], %broadcast_in_dim3A_484 masked %and3A_482 : memref<1280xi32, #tpu.memory_space<vmem>>[vector<16xi32>], vector<16xi32>, vector<16xi1>
    %broadcast_in_dim3A_485 = arith.constant 12 : i32
    %broadcast_in_dim3A_486 = vector.broadcast %broadcast_in_dim3A_485 : i32 to vector<16xi32>
    %mul3A_487 = arith.constant 32 : i32
    %mul3A_488 = vector.broadcast %mul3A_487 : i32 to vector<16xi32>
    %mul3A_489 = arith.muli %iota3A, %mul3A_488 : vector<16xi32>
    %add3A_490 = arith.addi %mul3A_489, %broadcast_in_dim3A_486 : vector<16xi32>
    %gather3A_491 = tpu.vector_load_idx %arg13[%add3A_490] : memref<512xf32, #tpu.memory_space<vmem>>[vector<16xi32>], vector<16xf32>,
    %gather3A_492 = tpu.vector_load_idx %arg14[%add3A_490] : memref<512xi32, #tpu.memory_space<vmem>>[vector<16xi32>], vector<16xi32>,
    %reduce_max3A_493 = arith.constant true
    %reduce_max3A_494 = vector.broadcast %reduce_max3A_493 : i1 to vector<16xi1>
    %reduce_max3A_495 = tpu.scan <max>, %gather3A_491 masked %reduce_max3A_494 : vector<16xf32>, vector<16xi1> -> vector<16xf32>
    %reduce_max3A_496 = vector.extract %reduce_max3A_495[15] : f32 from vector<16xf32>
    %eq3A_497 = vector.broadcast %reduce_max3A_496 : f32 to vector<16xf32>
    %eq3A_498 = arith.cmpf oeq, %gather3A_491, %eq3A_497 : vector<16xf32>
    %broadcast_in_dim3A_499 = arith.constant 20480 : i32
    %broadcast_in_dim3A_500 = vector.broadcast %broadcast_in_dim3A_499 : i32 to vector<16xi32>
    %select_n3A_501 = arith.select %eq3A_498, %gather3A_492, %broadcast_in_dim3A_500 : vector<16xi1>, vector<16xi32>
    %reduce_min3A_502 = arith.constant true
    %reduce_min3A_503 = vector.broadcast %reduce_min3A_502 : i1 to vector<16xi1>
    %reduce_min3A_504 = arith.constant -2147483648 : i32
    %reduce_min3A_505 = vector.broadcast %reduce_min3A_504 : i32 to vector<16xi32>
    %reduce_min3A_506 = arith.xori %select_n3A_501, %reduce_min3A_505 : vector<16xi32>
    %reduce_min3A_507 = tpu.scan <min>, %reduce_min3A_506 masked %reduce_min3A_503 : vector<16xi32>, vector<16xi1> -> vector<16xi32>
    %reduce_min3A_508 = arith.xori %reduce_min3A_507, %reduce_min3A_505 : vector<16xi32>
    %reduce_min3A_509 = vector.extract %reduce_min3A_508[15] : i32 from vector<16xi32>
    %sub3A_510 = arith.subi %reduce_min3A_509, %mul3A_2 : i32
    %ge3A_511 = arith.constant 0 : i32
    %ge3A_512 = arith.cmpi sge, %sub3A_510, %ge3A_511 : i32
    %lt3A_513 = arith.constant 1280 : i32
    %lt3A_514 = arith.cmpi slt, %sub3A_510, %lt3A_513 : i32
    %and3A_515 = arith.andi %ge3A_512, %lt3A_514 : i1
    %jit3A_516 = arith.constant 0 : i32
    %jit3A_517 = arith.constant 1279 : i32
    %max3A_518 = arith.maxsi %jit3A_516, %sub3A_510 : i32
    %min3A_519 = arith.minsi %jit3A_517, %max3A_518 : i32
    %broadcast_in_dim3A_520 = vector.broadcast %min3A_519 : i32 to vector<16xi32>
    %and3A_521 = vector.broadcast %and3A_515 : i1 to vector<16xi1>
    %and3A_522 = arith.andi %eq3A_16, %and3A_521 : vector<16xi1>
    tpu.vector_store_idx %arg9[%broadcast_in_dim3A_520], %broadcast_in_dim3A_486 masked %and3A_522 : memref<1280xi32, #tpu.memory_space<vmem>>[vector<16xi32>], vector<16xi32>, vector<16xi1>
    %broadcast_in_dim3A_523 = arith.constant 1 : i32
    %broadcast_in_dim3A_524 = vector.broadcast %broadcast_in_dim3A_523 : i32 to vector<16xi32>
    tpu.vector_store_idx %arg10[%broadcast_in_dim3A_520], %broadcast_in_dim3A_524 masked %and3A_522 : memref<1280xi32, #tpu.memory_space<vmem>>[vector<16xi32>], vector<16xi32>, vector<16xi1>
    %broadcast_in_dim3A_525 = arith.constant 13 : i32
    %broadcast_in_dim3A_526 = vector.broadcast %broadcast_in_dim3A_525 : i32 to vector<16xi32>
    %mul3A_527 = arith.constant 32 : i32
    %mul3A_528 = vector.broadcast %mul3A_527 : i32 to vector<16xi32>
    %mul3A_529 = arith.muli %iota3A, %mul3A_528 : vector<16xi32>
    %add3A_530 = arith.addi %mul3A_529, %broadcast_in_dim3A_526 : vector<16xi32>
    %gather3A_531 = tpu.vector_load_idx %arg13[%add3A_530] : memref<512xf32, #tpu.memory_space<vmem>>[vector<16xi32>], vector<16xf32>,
    %gather3A_532 = tpu.vector_load_idx %arg14[%add3A_530] : memref<512xi32, #tpu.memory_space<vmem>>[vector<16xi32>], vector<16xi32>,
    %reduce_max3A_533 = arith.constant true
    %reduce_max3A_534 = vector.broadcast %reduce_max3A_533 : i1 to vector<16xi1>
    %reduce_max3A_535 = tpu.scan <max>, %gather3A_531 masked %reduce_max3A_534 : vector<16xf32>, vector<16xi1> -> vector<16xf32>
    %reduce_max3A_536 = vector.extract %reduce_max3A_535[15] : f32 from vector<16xf32>
    %eq3A_537 = vector.broadcast %reduce_max3A_536 : f32 to vector<16xf32>
    %eq3A_538 = arith.cmpf oeq, %gather3A_531, %eq3A_537 : vector<16xf32>
    %broadcast_in_dim3A_539 = arith.constant 20480 : i32
    %broadcast_in_dim3A_540 = vector.broadcast %broadcast_in_dim3A_539 : i32 to vector<16xi32>
    %select_n3A_541 = arith.select %eq3A_538, %gather3A_532, %broadcast_in_dim3A_540 : vector<16xi1>, vector<16xi32>
    %reduce_min3A_542 = arith.constant true
    %reduce_min3A_543 = vector.broadcast %reduce_min3A_542 : i1 to vector<16xi1>
    %reduce_min3A_544 = arith.constant -2147483648 : i32
    %reduce_min3A_545 = vector.broadcast %reduce_min3A_544 : i32 to vector<16xi32>
    %reduce_min3A_546 = arith.xori %select_n3A_541, %reduce_min3A_545 : vector<16xi32>
    %reduce_min3A_547 = tpu.scan <min>, %reduce_min3A_546 masked %reduce_min3A_543 : vector<16xi32>, vector<16xi1> -> vector<16xi32>
    %reduce_min3A_548 = arith.xori %reduce_min3A_547, %reduce_min3A_545 : vector<16xi32>
    %reduce_min3A_549 = vector.extract %reduce_min3A_548[15] : i32 from vector<16xi32>
    %sub3A_550 = arith.subi %reduce_min3A_549, %mul3A_2 : i32
    %ge3A_551 = arith.constant 0 : i32
    %ge3A_552 = arith.cmpi sge, %sub3A_550, %ge3A_551 : i32
    %lt3A_553 = arith.constant 1280 : i32
    %lt3A_554 = arith.cmpi slt, %sub3A_550, %lt3A_553 : i32
    %and3A_555 = arith.andi %ge3A_552, %lt3A_554 : i1
    %jit3A_556 = arith.constant 0 : i32
    %jit3A_557 = arith.constant 1279 : i32
    %max3A_558 = arith.maxsi %jit3A_556, %sub3A_550 : i32
    %min3A_559 = arith.minsi %jit3A_557, %max3A_558 : i32
    %broadcast_in_dim3A_560 = vector.broadcast %min3A_559 : i32 to vector<16xi32>
    %and3A_561 = vector.broadcast %and3A_555 : i1 to vector<16xi1>
    %and3A_562 = arith.andi %eq3A_16, %and3A_561 : vector<16xi1>
    tpu.vector_store_idx %arg9[%broadcast_in_dim3A_560], %broadcast_in_dim3A_526 masked %and3A_562 : memref<1280xi32, #tpu.memory_space<vmem>>[vector<16xi32>], vector<16xi32>, vector<16xi1>
    %broadcast_in_dim3A_563 = arith.constant 1 : i32
    %broadcast_in_dim3A_564 = vector.broadcast %broadcast_in_dim3A_563 : i32 to vector<16xi32>
    tpu.vector_store_idx %arg10[%broadcast_in_dim3A_560], %broadcast_in_dim3A_564 masked %and3A_562 : memref<1280xi32, #tpu.memory_space<vmem>>[vector<16xi32>], vector<16xi32>, vector<16xi1>
    %broadcast_in_dim3A_565 = arith.constant 14 : i32
    %broadcast_in_dim3A_566 = vector.broadcast %broadcast_in_dim3A_565 : i32 to vector<16xi32>
    %mul3A_567 = arith.constant 32 : i32
    %mul3A_568 = vector.broadcast %mul3A_567 : i32 to vector<16xi32>
    %mul3A_569 = arith.muli %iota3A, %mul3A_568 : vector<16xi32>
    %add3A_570 = arith.addi %mul3A_569, %broadcast_in_dim3A_566 : vector<16xi32>
    %gather3A_571 = tpu.vector_load_idx %arg13[%add3A_570] : memref<512xf32, #tpu.memory_space<vmem>>[vector<16xi32>], vector<16xf32>,
    %gather3A_572 = tpu.vector_load_idx %arg14[%add3A_570] : memref<512xi32, #tpu.memory_space<vmem>>[vector<16xi32>], vector<16xi32>,
    %reduce_max3A_573 = arith.constant true
    %reduce_max3A_574 = vector.broadcast %reduce_max3A_573 : i1 to vector<16xi1>
    %reduce_max3A_575 = tpu.scan <max>, %gather3A_571 masked %reduce_max3A_574 : vector<16xf32>, vector<16xi1> -> vector<16xf32>
    %reduce_max3A_576 = vector.extract %reduce_max3A_575[15] : f32 from vector<16xf32>
    %eq3A_577 = vector.broadcast %reduce_max3A_576 : f32 to vector<16xf32>
    %eq3A_578 = arith.cmpf oeq, %gather3A_571, %eq3A_577 : vector<16xf32>
    %broadcast_in_dim3A_579 = arith.constant 20480 : i32
    %broadcast_in_dim3A_580 = vector.broadcast %broadcast_in_dim3A_579 : i32 to vector<16xi32>
    %select_n3A_581 = arith.select %eq3A_578, %gather3A_572, %broadcast_in_dim3A_580 : vector<16xi1>, vector<16xi32>
    %reduce_min3A_582 = arith.constant true
    %reduce_min3A_583 = vector.broadcast %reduce_min3A_582 : i1 to vector<16xi1>
    %reduce_min3A_584 = arith.constant -2147483648 : i32
    %reduce_min3A_585 = vector.broadcast %reduce_min3A_584 : i32 to vector<16xi32>
    %reduce_min3A_586 = arith.xori %select_n3A_581, %reduce_min3A_585 : vector<16xi32>
    %reduce_min3A_587 = tpu.scan <min>, %reduce_min3A_586 masked %reduce_min3A_583 : vector<16xi32>, vector<16xi1> -> vector<16xi32>
    %reduce_min3A_588 = arith.xori %reduce_min3A_587, %reduce_min3A_585 : vector<16xi32>
    %reduce_min3A_589 = vector.extract %reduce_min3A_588[15] : i32 from vector<16xi32>
    %sub3A_590 = arith.subi %reduce_min3A_589, %mul3A_2 : i32
    %ge3A_591 = arith.constant 0 : i32
    %ge3A_592 = arith.cmpi sge, %sub3A_590, %ge3A_591 : i32
    %lt3A_593 = arith.constant 1280 : i32
    %lt3A_594 = arith.cmpi slt, %sub3A_590, %lt3A_593 : i32
    %and3A_595 = arith.andi %ge3A_592, %lt3A_594 : i1
    %jit3A_596 = arith.constant 0 : i32
    %jit3A_597 = arith.constant 1279 : i32
    %max3A_598 = arith.maxsi %jit3A_596, %sub3A_590 : i32
    %min3A_599 = arith.minsi %jit3A_597, %max3A_598 : i32
    %broadcast_in_dim3A_600 = vector.broadcast %min3A_599 : i32 to vector<16xi32>
    %and3A_601 = vector.broadcast %and3A_595 : i1 to vector<16xi1>
    %and3A_602 = arith.andi %eq3A_16, %and3A_601 : vector<16xi1>
    tpu.vector_store_idx %arg9[%broadcast_in_dim3A_600], %broadcast_in_dim3A_566 masked %and3A_602 : memref<1280xi32, #tpu.memory_space<vmem>>[vector<16xi32>], vector<16xi32>, vector<16xi1>
    %broadcast_in_dim3A_603 = arith.constant 1 : i32
    %broadcast_in_dim3A_604 = vector.broadcast %broadcast_in_dim3A_603 : i32 to vector<16xi32>
    tpu.vector_store_idx %arg10[%broadcast_in_dim3A_600], %broadcast_in_dim3A_604 masked %and3A_602 : memref<1280xi32, #tpu.memory_space<vmem>>[vector<16xi32>], vector<16xi32>, vector<16xi1>
    %broadcast_in_dim3A_605 = arith.constant 15 : i32
    %broadcast_in_dim3A_606 = vector.broadcast %broadcast_in_dim3A_605 : i32 to vector<16xi32>
    %mul3A_607 = arith.constant 32 : i32
    %mul3A_608 = vector.broadcast %mul3A_607 : i32 to vector<16xi32>
    %mul3A_609 = arith.muli %iota3A, %mul3A_608 : vector<16xi32>
    %add3A_610 = arith.addi %mul3A_609, %broadcast_in_dim3A_606 : vector<16xi32>
    %gather3A_611 = tpu.vector_load_idx %arg13[%add3A_610] : memref<512xf32, #tpu.memory_space<vmem>>[vector<16xi32>], vector<16xf32>,
    %gather3A_612 = tpu.vector_load_idx %arg14[%add3A_610] : memref<512xi32, #tpu.memory_space<vmem>>[vector<16xi32>], vector<16xi32>,
    %reduce_max3A_613 = arith.constant true
    %reduce_max3A_614 = vector.broadcast %reduce_max3A_613 : i1 to vector<16xi1>
    %reduce_max3A_615 = tpu.scan <max>, %gather3A_611 masked %reduce_max3A_614 : vector<16xf32>, vector<16xi1> -> vector<16xf32>
    %reduce_max3A_616 = vector.extract %reduce_max3A_615[15] : f32 from vector<16xf32>
    %eq3A_617 = vector.broadcast %reduce_max3A_616 : f32 to vector<16xf32>
    %eq3A_618 = arith.cmpf oeq, %gather3A_611, %eq3A_617 : vector<16xf32>
    %broadcast_in_dim3A_619 = arith.constant 20480 : i32
    %broadcast_in_dim3A_620 = vector.broadcast %broadcast_in_dim3A_619 : i32 to vector<16xi32>
    %select_n3A_621 = arith.select %eq3A_618, %gather3A_612, %broadcast_in_dim3A_620 : vector<16xi1>, vector<16xi32>
    %reduce_min3A_622 = arith.constant true
    %reduce_min3A_623 = vector.broadcast %reduce_min3A_622 : i1 to vector<16xi1>
    %reduce_min3A_624 = arith.constant -2147483648 : i32
    %reduce_min3A_625 = vector.broadcast %reduce_min3A_624 : i32 to vector<16xi32>
    %reduce_min3A_626 = arith.xori %select_n3A_621, %reduce_min3A_625 : vector<16xi32>
    %reduce_min3A_627 = tpu.scan <min>, %reduce_min3A_626 masked %reduce_min3A_623 : vector<16xi32>, vector<16xi1> -> vector<16xi32>
    %reduce_min3A_628 = arith.xori %reduce_min3A_627, %reduce_min3A_625 : vector<16xi32>
    %reduce_min3A_629 = vector.extract %reduce_min3A_628[15] : i32 from vector<16xi32>
    %sub3A_630 = arith.subi %reduce_min3A_629, %mul3A_2 : i32
    %ge3A_631 = arith.constant 0 : i32
    %ge3A_632 = arith.cmpi sge, %sub3A_630, %ge3A_631 : i32
    %lt3A_633 = arith.constant 1280 : i32
    %lt3A_634 = arith.cmpi slt, %sub3A_630, %lt3A_633 : i32
    %and3A_635 = arith.andi %ge3A_632, %lt3A_634 : i1
    %jit3A_636 = arith.constant 0 : i32
    %jit3A_637 = arith.constant 1279 : i32
    %max3A_638 = arith.maxsi %jit3A_636, %sub3A_630 : i32
    %min3A_639 = arith.minsi %jit3A_637, %max3A_638 : i32
    %broadcast_in_dim3A_640 = vector.broadcast %min3A_639 : i32 to vector<16xi32>
    %and3A_641 = vector.broadcast %and3A_635 : i1 to vector<16xi1>
    %and3A_642 = arith.andi %eq3A_16, %and3A_641 : vector<16xi1>
    tpu.vector_store_idx %arg9[%broadcast_in_dim3A_640], %broadcast_in_dim3A_606 masked %and3A_642 : memref<1280xi32, #tpu.memory_space<vmem>>[vector<16xi32>], vector<16xi32>, vector<16xi1>
    %broadcast_in_dim3A_643 = arith.constant 1 : i32
    %broadcast_in_dim3A_644 = vector.broadcast %broadcast_in_dim3A_643 : i32 to vector<16xi32>
    tpu.vector_store_idx %arg10[%broadcast_in_dim3A_640], %broadcast_in_dim3A_644 masked %and3A_642 : memref<1280xi32, #tpu.memory_space<vmem>>[vector<16xi32>], vector<16xi32>, vector<16xi1>
    %broadcast_in_dim3A_645 = arith.constant 16 : i32
    %broadcast_in_dim3A_646 = vector.broadcast %broadcast_in_dim3A_645 : i32 to vector<16xi32>
    %mul3A_647 = arith.constant 32 : i32
    %mul3A_648 = vector.broadcast %mul3A_647 : i32 to vector<16xi32>
    %mul3A_649 = arith.muli %iota3A, %mul3A_648 : vector<16xi32>
    %add3A_650 = arith.addi %mul3A_649, %broadcast_in_dim3A_646 : vector<16xi32>
    %gather3A_651 = tpu.vector_load_idx %arg13[%add3A_650] : memref<512xf32, #tpu.memory_space<vmem>>[vector<16xi32>], vector<16xf32>,
    %gather3A_652 = tpu.vector_load_idx %arg14[%add3A_650] : memref<512xi32, #tpu.memory_space<vmem>>[vector<16xi32>], vector<16xi32>,
    %reduce_max3A_653 = arith.constant true
    %reduce_max3A_654 = vector.broadcast %reduce_max3A_653 : i1 to vector<16xi1>
    %reduce_max3A_655 = tpu.scan <max>, %gather3A_651 masked %reduce_max3A_654 : vector<16xf32>, vector<16xi1> -> vector<16xf32>
    %reduce_max3A_656 = vector.extract %reduce_max3A_655[15] : f32 from vector<16xf32>
    %eq3A_657 = vector.broadcast %reduce_max3A_656 : f32 to vector<16xf32>
    %eq3A_658 = arith.cmpf oeq, %gather3A_651, %eq3A_657 : vector<16xf32>
    %broadcast_in_dim3A_659 = arith.constant 20480 : i32
    %broadcast_in_dim3A_660 = vector.broadcast %broadcast_in_dim3A_659 : i32 to vector<16xi32>
    %select_n3A_661 = arith.select %eq3A_658, %gather3A_652, %broadcast_in_dim3A_660 : vector<16xi1>, vector<16xi32>
    %reduce_min3A_662 = arith.constant true
    %reduce_min3A_663 = vector.broadcast %reduce_min3A_662 : i1 to vector<16xi1>
    %reduce_min3A_664 = arith.constant -2147483648 : i32
    %reduce_min3A_665 = vector.broadcast %reduce_min3A_664 : i32 to vector<16xi32>
    %reduce_min3A_666 = arith.xori %select_n3A_661, %reduce_min3A_665 : vector<16xi32>
    %reduce_min3A_667 = tpu.scan <min>, %reduce_min3A_666 masked %reduce_min3A_663 : vector<16xi32>, vector<16xi1> -> vector<16xi32>
    %reduce_min3A_668 = arith.xori %reduce_min3A_667, %reduce_min3A_665 : vector<16xi32>
    %reduce_min3A_669 = vector.extract %reduce_min3A_668[15] : i32 from vector<16xi32>
    %sub3A_670 = arith.subi %reduce_min3A_669, %mul3A_2 : i32
    %ge3A_671 = arith.constant 0 : i32
    %ge3A_672 = arith.cmpi sge, %sub3A_670, %ge3A_671 : i32
    %lt3A_673 = arith.constant 1280 : i32
    %lt3A_674 = arith.cmpi slt, %sub3A_670, %lt3A_673 : i32
    %and3A_675 = arith.andi %ge3A_672, %lt3A_674 : i1
    %jit3A_676 = arith.constant 0 : i32
    %jit3A_677 = arith.constant 1279 : i32
    %max3A_678 = arith.maxsi %jit3A_676, %sub3A_670 : i32
    %min3A_679 = arith.minsi %jit3A_677, %max3A_678 : i32
    %broadcast_in_dim3A_680 = vector.broadcast %min3A_679 : i32 to vector<16xi32>
    %and3A_681 = vector.broadcast %and3A_675 : i1 to vector<16xi1>
    %and3A_682 = arith.andi %eq3A_16, %and3A_681 : vector<16xi1>
    tpu.vector_store_idx %arg9[%broadcast_in_dim3A_680], %broadcast_in_dim3A_646 masked %and3A_682 : memref<1280xi32, #tpu.memory_space<vmem>>[vector<16xi32>], vector<16xi32>, vector<16xi1>
    %broadcast_in_dim3A_683 = arith.constant 1 : i32
    %broadcast_in_dim3A_684 = vector.broadcast %broadcast_in_dim3A_683 : i32 to vector<16xi32>
    tpu.vector_store_idx %arg10[%broadcast_in_dim3A_680], %broadcast_in_dim3A_684 masked %and3A_682 : memref<1280xi32, #tpu.memory_space<vmem>>[vector<16xi32>], vector<16xi32>, vector<16xi1>
    %broadcast_in_dim3A_685 = arith.constant 17 : i32
    %broadcast_in_dim3A_686 = vector.broadcast %broadcast_in_dim3A_685 : i32 to vector<16xi32>
    %mul3A_687 = arith.constant 32 : i32
    %mul3A_688 = vector.broadcast %mul3A_687 : i32 to vector<16xi32>
    %mul3A_689 = arith.muli %iota3A, %mul3A_688 : vector<16xi32>
    %add3A_690 = arith.addi %mul3A_689, %broadcast_in_dim3A_686 : vector<16xi32>
    %gather3A_691 = tpu.vector_load_idx %arg13[%add3A_690] : memref<512xf32, #tpu.memory_space<vmem>>[vector<16xi32>], vector<16xf32>,
    %gather3A_692 = tpu.vector_load_idx %arg14[%add3A_690] : memref<512xi32, #tpu.memory_space<vmem>>[vector<16xi32>], vector<16xi32>,
    %reduce_max3A_693 = arith.constant true
    %reduce_max3A_694 = vector.broadcast %reduce_max3A_693 : i1 to vector<16xi1>
    %reduce_max3A_695 = tpu.scan <max>, %gather3A_691 masked %reduce_max3A_694 : vector<16xf32>, vector<16xi1> -> vector<16xf32>
    %reduce_max3A_696 = vector.extract %reduce_max3A_695[15] : f32 from vector<16xf32>
    %eq3A_697 = vector.broadcast %reduce_max3A_696 : f32 to vector<16xf32>
    %eq3A_698 = arith.cmpf oeq, %gather3A_691, %eq3A_697 : vector<16xf32>
    %broadcast_in_dim3A_699 = arith.constant 20480 : i32
    %broadcast_in_dim3A_700 = vector.broadcast %broadcast_in_dim3A_699 : i32 to vector<16xi32>
    %select_n3A_701 = arith.select %eq3A_698, %gather3A_692, %broadcast_in_dim3A_700 : vector<16xi1>, vector<16xi32>
    %reduce_min3A_702 = arith.constant true
    %reduce_min3A_703 = vector.broadcast %reduce_min3A_702 : i1 to vector<16xi1>
    %reduce_min3A_704 = arith.constant -2147483648 : i32
    %reduce_min3A_705 = vector.broadcast %reduce_min3A_704 : i32 to vector<16xi32>
    %reduce_min3A_706 = arith.xori %select_n3A_701, %reduce_min3A_705 : vector<16xi32>
    %reduce_min3A_707 = tpu.scan <min>, %reduce_min3A_706 masked %reduce_min3A_703 : vector<16xi32>, vector<16xi1> -> vector<16xi32>
    %reduce_min3A_708 = arith.xori %reduce_min3A_707, %reduce_min3A_705 : vector<16xi32>
    %reduce_min3A_709 = vector.extract %reduce_min3A_708[15] : i32 from vector<16xi32>
    %sub3A_710 = arith.subi %reduce_min3A_709, %mul3A_2 : i32
    %ge3A_711 = arith.constant 0 : i32
    %ge3A_712 = arith.cmpi sge, %sub3A_710, %ge3A_711 : i32
    %lt3A_713 = arith.constant 1280 : i32
    %lt3A_714 = arith.cmpi slt, %sub3A_710, %lt3A_713 : i32
    %and3A_715 = arith.andi %ge3A_712, %lt3A_714 : i1
    %jit3A_716 = arith.constant 0 : i32
    %jit3A_717 = arith.constant 1279 : i32
    %max3A_718 = arith.maxsi %jit3A_716, %sub3A_710 : i32
    %min3A_719 = arith.minsi %jit3A_717, %max3A_718 : i32
    %broadcast_in_dim3A_720 = vector.broadcast %min3A_719 : i32 to vector<16xi32>
    %and3A_721 = vector.broadcast %and3A_715 : i1 to vector<16xi1>
    %and3A_722 = arith.andi %eq3A_16, %and3A_721 : vector<16xi1>
    tpu.vector_store_idx %arg9[%broadcast_in_dim3A_720], %broadcast_in_dim3A_686 masked %and3A_722 : memref<1280xi32, #tpu.memory_space<vmem>>[vector<16xi32>], vector<16xi32>, vector<16xi1>
    %broadcast_in_dim3A_723 = arith.constant 1 : i32
    %broadcast_in_dim3A_724 = vector.broadcast %broadcast_in_dim3A_723 : i32 to vector<16xi32>
    tpu.vector_store_idx %arg10[%broadcast_in_dim3A_720], %broadcast_in_dim3A_724 masked %and3A_722 : memref<1280xi32, #tpu.memory_space<vmem>>[vector<16xi32>], vector<16xi32>, vector<16xi1>
    %broadcast_in_dim3A_725 = arith.constant 18 : i32
    %broadcast_in_dim3A_726 = vector.broadcast %broadcast_in_dim3A_725 : i32 to vector<16xi32>
    %mul3A_727 = arith.constant 32 : i32
    %mul3A_728 = vector.broadcast %mul3A_727 : i32 to vector<16xi32>
    %mul3A_729 = arith.muli %iota3A, %mul3A_728 : vector<16xi32>
    %add3A_730 = arith.addi %mul3A_729, %broadcast_in_dim3A_726 : vector<16xi32>
    %gather3A_731 = tpu.vector_load_idx %arg13[%add3A_730] : memref<512xf32, #tpu.memory_space<vmem>>[vector<16xi32>], vector<16xf32>,
    %gather3A_732 = tpu.vector_load_idx %arg14[%add3A_730] : memref<512xi32, #tpu.memory_space<vmem>>[vector<16xi32>], vector<16xi32>,
    %reduce_max3A_733 = arith.constant true
    %reduce_max3A_734 = vector.broadcast %reduce_max3A_733 : i1 to vector<16xi1>
    %reduce_max3A_735 = tpu.scan <max>, %gather3A_731 masked %reduce_max3A_734 : vector<16xf32>, vector<16xi1> -> vector<16xf32>
    %reduce_max3A_736 = vector.extract %reduce_max3A_735[15] : f32 from vector<16xf32>
    %eq3A_737 = vector.broadcast %reduce_max3A_736 : f32 to vector<16xf32>
    %eq3A_738 = arith.cmpf oeq, %gather3A_731, %eq3A_737 : vector<16xf32>
    %broadcast_in_dim3A_739 = arith.constant 20480 : i32
    %broadcast_in_dim3A_740 = vector.broadcast %broadcast_in_dim3A_739 : i32 to vector<16xi32>
    %select_n3A_741 = arith.select %eq3A_738, %gather3A_732, %broadcast_in_dim3A_740 : vector<16xi1>, vector<16xi32>
    %reduce_min3A_742 = arith.constant true
    %reduce_min3A_743 = vector.broadcast %reduce_min3A_742 : i1 to vector<16xi1>
    %reduce_min3A_744 = arith.constant -2147483648 : i32
    %reduce_min3A_745 = vector.broadcast %reduce_min3A_744 : i32 to vector<16xi32>
    %reduce_min3A_746 = arith.xori %select_n3A_741, %reduce_min3A_745 : vector<16xi32>
    %reduce_min3A_747 = tpu.scan <min>, %reduce_min3A_746 masked %reduce_min3A_743 : vector<16xi32>, vector<16xi1> -> vector<16xi32>
    %reduce_min3A_748 = arith.xori %reduce_min3A_747, %reduce_min3A_745 : vector<16xi32>
    %reduce_min3A_749 = vector.extract %reduce_min3A_748[15] : i32 from vector<16xi32>
    %sub3A_750 = arith.subi %reduce_min3A_749, %mul3A_2 : i32
    %ge3A_751 = arith.constant 0 : i32
    %ge3A_752 = arith.cmpi sge, %sub3A_750, %ge3A_751 : i32
    %lt3A_753 = arith.constant 1280 : i32
    %lt3A_754 = arith.cmpi slt, %sub3A_750, %lt3A_753 : i32
    %and3A_755 = arith.andi %ge3A_752, %lt3A_754 : i1
    %jit3A_756 = arith.constant 0 : i32
    %jit3A_757 = arith.constant 1279 : i32
    %max3A_758 = arith.maxsi %jit3A_756, %sub3A_750 : i32
    %min3A_759 = arith.minsi %jit3A_757, %max3A_758 : i32
    %broadcast_in_dim3A_760 = vector.broadcast %min3A_759 : i32 to vector<16xi32>
    %and3A_761 = vector.broadcast %and3A_755 : i1 to vector<16xi1>
    %and3A_762 = arith.andi %eq3A_16, %and3A_761 : vector<16xi1>
    tpu.vector_store_idx %arg9[%broadcast_in_dim3A_760], %broadcast_in_dim3A_726 masked %and3A_762 : memref<1280xi32, #tpu.memory_space<vmem>>[vector<16xi32>], vector<16xi32>, vector<16xi1>
    %broadcast_in_dim3A_763 = arith.constant 1 : i32
    %broadcast_in_dim3A_764 = vector.broadcast %broadcast_in_dim3A_763 : i32 to vector<16xi32>
    tpu.vector_store_idx %arg10[%broadcast_in_dim3A_760], %broadcast_in_dim3A_764 masked %and3A_762 : memref<1280xi32, #tpu.memory_space<vmem>>[vector<16xi32>], vector<16xi32>, vector<16xi1>
    %broadcast_in_dim3A_765 = arith.constant 19 : i32
    %broadcast_in_dim3A_766 = vector.broadcast %broadcast_in_dim3A_765 : i32 to vector<16xi32>
    %mul3A_767 = arith.constant 32 : i32
    %mul3A_768 = vector.broadcast %mul3A_767 : i32 to vector<16xi32>
    %mul3A_769 = arith.muli %iota3A, %mul3A_768 : vector<16xi32>
    %add3A_770 = arith.addi %mul3A_769, %broadcast_in_dim3A_766 : vector<16xi32>
    %gather3A_771 = tpu.vector_load_idx %arg13[%add3A_770] : memref<512xf32, #tpu.memory_space<vmem>>[vector<16xi32>], vector<16xf32>,
    %gather3A_772 = tpu.vector_load_idx %arg14[%add3A_770] : memref<512xi32, #tpu.memory_space<vmem>>[vector<16xi32>], vector<16xi32>,
    %reduce_max3A_773 = arith.constant true
    %reduce_max3A_774 = vector.broadcast %reduce_max3A_773 : i1 to vector<16xi1>
    %reduce_max3A_775 = tpu.scan <max>, %gather3A_771 masked %reduce_max3A_774 : vector<16xf32>, vector<16xi1> -> vector<16xf32>
    %reduce_max3A_776 = vector.extract %reduce_max3A_775[15] : f32 from vector<16xf32>
    %eq3A_777 = vector.broadcast %reduce_max3A_776 : f32 to vector<16xf32>
    %eq3A_778 = arith.cmpf oeq, %gather3A_771, %eq3A_777 : vector<16xf32>
    %broadcast_in_dim3A_779 = arith.constant 20480 : i32
    %broadcast_in_dim3A_780 = vector.broadcast %broadcast_in_dim3A_779 : i32 to vector<16xi32>
    %select_n3A_781 = arith.select %eq3A_778, %gather3A_772, %broadcast_in_dim3A_780 : vector<16xi1>, vector<16xi32>
    %reduce_min3A_782 = arith.constant true
    %reduce_min3A_783 = vector.broadcast %reduce_min3A_782 : i1 to vector<16xi1>
    %reduce_min3A_784 = arith.constant -2147483648 : i32
    %reduce_min3A_785 = vector.broadcast %reduce_min3A_784 : i32 to vector<16xi32>
    %reduce_min3A_786 = arith.xori %select_n3A_781, %reduce_min3A_785 : vector<16xi32>
    %reduce_min3A_787 = tpu.scan <min>, %reduce_min3A_786 masked %reduce_min3A_783 : vector<16xi32>, vector<16xi1> -> vector<16xi32>
    %reduce_min3A_788 = arith.xori %reduce_min3A_787, %reduce_min3A_785 : vector<16xi32>
    %reduce_min3A_789 = vector.extract %reduce_min3A_788[15] : i32 from vector<16xi32>
    %sub3A_790 = arith.subi %reduce_min3A_789, %mul3A_2 : i32
    %ge3A_791 = arith.constant 0 : i32
    %ge3A_792 = arith.cmpi sge, %sub3A_790, %ge3A_791 : i32
    %lt3A_793 = arith.constant 1280 : i32
    %lt3A_794 = arith.cmpi slt, %sub3A_790, %lt3A_793 : i32
    %and3A_795 = arith.andi %ge3A_792, %lt3A_794 : i1
    %jit3A_796 = arith.constant 0 : i32
    %jit3A_797 = arith.constant 1279 : i32
    %max3A_798 = arith.maxsi %jit3A_796, %sub3A_790 : i32
    %min3A_799 = arith.minsi %jit3A_797, %max3A_798 : i32
    %broadcast_in_dim3A_800 = vector.broadcast %min3A_799 : i32 to vector<16xi32>
    %and3A_801 = vector.broadcast %and3A_795 : i1 to vector<16xi1>
    %and3A_802 = arith.andi %eq3A_16, %and3A_801 : vector<16xi1>
    tpu.vector_store_idx %arg9[%broadcast_in_dim3A_800], %broadcast_in_dim3A_766 masked %and3A_802 : memref<1280xi32, #tpu.memory_space<vmem>>[vector<16xi32>], vector<16xi32>, vector<16xi1>
    %broadcast_in_dim3A_803 = arith.constant 1 : i32
    %broadcast_in_dim3A_804 = vector.broadcast %broadcast_in_dim3A_803 : i32 to vector<16xi32>
    tpu.vector_store_idx %arg10[%broadcast_in_dim3A_800], %broadcast_in_dim3A_804 masked %and3A_802 : memref<1280xi32, #tpu.memory_space<vmem>>[vector<16xi32>], vector<16xi32>, vector<16xi1>
    %broadcast_in_dim3A_805 = arith.constant 0.000000e+00 : f32
    %broadcast_in_dim3A_806 = vector.broadcast %broadcast_in_dim3A_805 : f32 to vector<16xf32>
    %parallel_loop3A_807 = arith.constant 0 : i32
    %parallel_loop3A_808 = arith.constant 1280 : i32
    %parallel_loop3A_809 = arith.constant 16 : i32
    %parallel_loop3A_810:5 = scf.for %parallel_loop3A_864 = %parallel_loop3A_807 to %parallel_loop3A_808 step %parallel_loop3A_809 iter_args(%parallel_loop3A_865 = %broadcast_in_dim3A_806, %parallel_loop3A_866 = %broadcast_in_dim3A_806, %parallel_loop3A_867 = %broadcast_in_dim3A_806, %parallel_loop3A_868 = %broadcast_in_dim3A_806, %parallel_loop3A_869 = %broadcast_in_dim3A_806) -> (vector<16xf32>, vector<16xf32>, vector<16xf32>, vector<16xf32>, vector<16xf32>)  : i32 {
      %parallel_loop3A_870 = arith.index_cast %parallel_loop3A_864 : i32 to index
      %parallel_loop3A_871 = tpu.vector_load %arg8[%parallel_loop3A_870] {strides = array<i32>} : memref<1280xf32, #tpu.memory_space<vmem>>, vector<16xf32>,
      %parallel_loop3A_872 = arith.index_cast %parallel_loop3A_864 : i32 to index
      %parallel_loop3A_873 = tpu.vector_load %arg9[%parallel_loop3A_872] {strides = array<i32>} : memref<1280xi32, #tpu.memory_space<vmem>>, vector<16xi32>,
      %parallel_loop3A_874 = arith.index_cast %parallel_loop3A_864 : i32 to index
      %parallel_loop3A_875 = tpu.vector_load %arg10[%parallel_loop3A_874] {strides = array<i32>} : memref<1280xi32, #tpu.memory_space<vmem>>, vector<16xi32>,
      %parallel_loop3A_876 = arith.addi %mul3A_2, %parallel_loop3A_864 : i32
      %parallel_loop3A_877 = vector.broadcast %parallel_loop3A_876 : i32 to vector<16xi32>
      %parallel_loop3A_878 = arith.addi %parallel_loop3A_877, %iota3A : vector<16xi32>
      %parallel_loop3A_879 = arith.constant 20000 : i32
      %parallel_loop3A_880 = vector.broadcast %parallel_loop3A_879 : i32 to vector<16xi32>
      %parallel_loop3A_881 = arith.cmpi slt, %parallel_loop3A_878, %parallel_loop3A_880 : vector<16xi32>
      %parallel_loop3A_882 = arith.constant 0.699999988 : f32
      %parallel_loop3A_883 = vector.broadcast %parallel_loop3A_882 : f32 to vector<16xf32>
      %parallel_loop3A_884 = arith.cmpf oge, %parallel_loop3A_871, %parallel_loop3A_883 : vector<16xf32>
      %parallel_loop3A_885 = arith.constant 1 : i32
      %parallel_loop3A_886 = vector.broadcast %parallel_loop3A_885 : i32 to vector<16xi32>
      %parallel_loop3A_887 = arith.cmpi eq, %parallel_loop3A_875, %parallel_loop3A_886 : vector<16xi32>
      %parallel_loop3A_888 = arith.ori %parallel_loop3A_884, %parallel_loop3A_887 : vector<16xi1>
      %parallel_loop3A_889 = arith.andi %parallel_loop3A_888, %parallel_loop3A_881 : vector<16xi1>
      %parallel_loop3A_890 = arith.constant 3.000000e-01 : f32
      %parallel_loop3A_891 = vector.broadcast %parallel_loop3A_890 : f32 to vector<16xf32>
      %parallel_loop3A_892 = arith.cmpf olt, %parallel_loop3A_871, %parallel_loop3A_891 : vector<16xf32>
      %parallel_loop3A_893 = arith.constant 0 : i32
      %parallel_loop3A_894 = vector.broadcast %parallel_loop3A_893 : i32 to vector<16xi32>
      %parallel_loop3A_895 = arith.cmpi eq, %parallel_loop3A_875, %parallel_loop3A_894 : vector<16xi32>
      %parallel_loop3A_896 = arith.andi %parallel_loop3A_892, %parallel_loop3A_895 : vector<16xi1>
      %parallel_loop3A_897 = arith.andi %parallel_loop3A_896, %parallel_loop3A_881 : vector<16xi1>
      %parallel_loop3A_898 = arith.ori %parallel_loop3A_889, %parallel_loop3A_897 : vector<16xi1>
      %parallel_loop3A_899 = arith.constant 1.000000e+00 : f32
      %parallel_loop3A_900 = arith.constant 0.000000e+00 : f32
      %parallel_loop3A_901 = vector.broadcast %parallel_loop3A_899 : f32 to vector<16xf32>
      %parallel_loop3A_902 = vector.broadcast %parallel_loop3A_900 : f32 to vector<16xf32>
      %parallel_loop3A_903 = arith.select %parallel_loop3A_889, %parallel_loop3A_901, %parallel_loop3A_902 : vector<16xi1>, vector<16xf32>
      %parallel_loop3A_904 = arith.constant 1.000000e+00 : f32
      %parallel_loop3A_905 = arith.constant 0.000000e+00 : f32
      %parallel_loop3A_906 = vector.broadcast %parallel_loop3A_904 : f32 to vector<16xf32>
      %parallel_loop3A_907 = vector.broadcast %parallel_loop3A_905 : f32 to vector<16xf32>
      %parallel_loop3A_908 = arith.select %parallel_loop3A_898, %parallel_loop3A_906, %parallel_loop3A_907 : vector<16xi1>, vector<16xf32>
      %parallel_loop3A_909 = arith.constant 0 : i32
      %parallel_loop3A_910 = arith.index_cast %parallel_loop3A_909 : i32 to index
      %parallel_loop3A_911 = arith.index_cast %parallel_loop3A_864 : i32 to index
      %parallel_loop3A_912 = tpu.vector_load %arg5[%parallel_loop3A_910, %parallel_loop3A_911] {strides = array<i32>} : memref<11x1280xf32, #tpu.memory_space<vmem>>, vector<16xf32>,
      %parallel_loop3A_913 = arith.constant 1 : i32
      %parallel_loop3A_914 = arith.index_cast %parallel_loop3A_913 : i32 to index
      %parallel_loop3A_915 = arith.index_cast %parallel_loop3A_864 : i32 to index
      %parallel_loop3A_916 = tpu.vector_load %arg5[%parallel_loop3A_914, %parallel_loop3A_915] {strides = array<i32>} : memref<11x1280xf32, #tpu.memory_space<vmem>>, vector<16xf32>,
      %parallel_loop3A_917 = arith.constant 2 : i32
      %parallel_loop3A_918 = arith.index_cast %parallel_loop3A_917 : i32 to index
      %parallel_loop3A_919 = arith.index_cast %parallel_loop3A_864 : i32 to index
      %parallel_loop3A_920 = tpu.vector_load %arg5[%parallel_loop3A_918, %parallel_loop3A_919] {strides = array<i32>} : memref<11x1280xf32, #tpu.memory_space<vmem>>, vector<16xf32>,
      %parallel_loop3A_921 = arith.constant 3 : i32
      %parallel_loop3A_922 = arith.index_cast %parallel_loop3A_921 : i32 to index
      %parallel_loop3A_923 = arith.index_cast %parallel_loop3A_864 : i32 to index
      %parallel_loop3A_924 = tpu.vector_load %arg5[%parallel_loop3A_922, %parallel_loop3A_923] {strides = array<i32>} : memref<11x1280xf32, #tpu.memory_space<vmem>>, vector<16xf32>,
      %parallel_loop3A_925 = arith.constant 4 : i32
      %parallel_loop3A_926 = vector.broadcast %parallel_loop3A_925 : i32 to vector<16xi32>
      %parallel_loop3A_927 = arith.muli %parallel_loop3A_873, %parallel_loop3A_926 : vector<16xi32>
      %parallel_loop3A_928 = tpu.vector_load_idx %arg6[%parallel_loop3A_927] : memref<96xf32, #tpu.memory_space<vmem>>[vector<16xi32>], vector<16xf32>,
      %parallel_loop3A_929 = arith.constant 1 : i32
      %parallel_loop3A_930 = vector.broadcast %parallel_loop3A_929 : i32 to vector<16xi32>
      %parallel_loop3A_931 = arith.addi %parallel_loop3A_927, %parallel_loop3A_930 : vector<16xi32>
      %parallel_loop3A_932 = tpu.vector_load_idx %arg6[%parallel_loop3A_931] : memref<96xf32, #tpu.memory_space<vmem>>[vector<16xi32>], vector<16xf32>,
      %parallel_loop3A_933 = arith.constant 2 : i32
      %parallel_loop3A_934 = vector.broadcast %parallel_loop3A_933 : i32 to vector<16xi32>
      %parallel_loop3A_935 = arith.addi %parallel_loop3A_927, %parallel_loop3A_934 : vector<16xi32>
      %parallel_loop3A_936 = tpu.vector_load_idx %arg6[%parallel_loop3A_935] : memref<96xf32, #tpu.memory_space<vmem>>[vector<16xi32>], vector<16xf32>,
      %parallel_loop3A_937 = arith.constant 3 : i32
      %parallel_loop3A_938 = vector.broadcast %parallel_loop3A_937 : i32 to vector<16xi32>
      %parallel_loop3A_939 = arith.addi %parallel_loop3A_927, %parallel_loop3A_938 : vector<16xi32>
      %parallel_loop3A_940 = tpu.vector_load_idx %arg6[%parallel_loop3A_939] : memref<96xf32, #tpu.memory_space<vmem>>[vector<16xi32>], vector<16xf32>,
      %parallel_loop3A_941 = arith.subf %parallel_loop3A_920, %parallel_loop3A_912 : vector<16xf32>
      %parallel_loop3A_942 = arith.constant 1.1920929E-7 : f32
      %parallel_loop3A_943 = vector.broadcast %parallel_loop3A_942 : f32 to vector<16xf32>
      %parallel_loop3A_944 = arith.maximumf %parallel_loop3A_941, %parallel_loop3A_943 : vector<16xf32>
      %parallel_loop3A_945 = arith.subf %parallel_loop3A_924, %parallel_loop3A_916 : vector<16xf32>
      %parallel_loop3A_946 = arith.constant 1.1920929E-7 : f32
      %parallel_loop3A_947 = vector.broadcast %parallel_loop3A_946 : f32 to vector<16xf32>
      %parallel_loop3A_948 = arith.maximumf %parallel_loop3A_945, %parallel_loop3A_947 : vector<16xf32>
      %parallel_loop3A_949 = arith.subf %parallel_loop3A_920, %parallel_loop3A_912 : vector<16xf32>
      %parallel_loop3A_950 = arith.constant 5.000000e-01 : f32
      %parallel_loop3A_951 = vector.broadcast %parallel_loop3A_950 : f32 to vector<16xf32>
      %parallel_loop3A_952 = arith.mulf %parallel_loop3A_951, %parallel_loop3A_949 : vector<16xf32>
      %parallel_loop3A_953 = arith.addf %parallel_loop3A_912, %parallel_loop3A_952 : vector<16xf32>
      %parallel_loop3A_954 = arith.subf %parallel_loop3A_924, %parallel_loop3A_916 : vector<16xf32>
      %parallel_loop3A_955 = arith.constant 5.000000e-01 : f32
      %parallel_loop3A_956 = vector.broadcast %parallel_loop3A_955 : f32 to vector<16xf32>
      %parallel_loop3A_957 = arith.mulf %parallel_loop3A_956, %parallel_loop3A_954 : vector<16xf32>
      %parallel_loop3A_958 = arith.addf %parallel_loop3A_916, %parallel_loop3A_957 : vector<16xf32>
      %parallel_loop3A_959 = arith.subf %parallel_loop3A_936, %parallel_loop3A_928 : vector<16xf32>
      %parallel_loop3A_960 = arith.subf %parallel_loop3A_940, %parallel_loop3A_932 : vector<16xf32>
      %parallel_loop3A_961 = arith.constant 5.000000e-01 : f32
      %parallel_loop3A_962 = vector.broadcast %parallel_loop3A_961 : f32 to vector<16xf32>
      %parallel_loop3A_963 = arith.mulf %parallel_loop3A_962, %parallel_loop3A_959 : vector<16xf32>
      %parallel_loop3A_964 = arith.addf %parallel_loop3A_928, %parallel_loop3A_963 : vector<16xf32>
      %parallel_loop3A_965 = arith.constant 5.000000e-01 : f32
      %parallel_loop3A_966 = vector.broadcast %parallel_loop3A_965 : f32 to vector<16xf32>
      %parallel_loop3A_967 = arith.mulf %parallel_loop3A_966, %parallel_loop3A_960 : vector<16xf32>
      %parallel_loop3A_968 = arith.addf %parallel_loop3A_932, %parallel_loop3A_967 : vector<16xf32>
      %parallel_loop3A_969 = arith.subf %parallel_loop3A_964, %parallel_loop3A_953 : vector<16xf32>
      %parallel_loop3A_970 = arith.divf %parallel_loop3A_969, %parallel_loop3A_944 : vector<16xf32>
      %parallel_loop3A_971 = arith.subf %parallel_loop3A_968, %parallel_loop3A_958 : vector<16xf32>
      %parallel_loop3A_972 = arith.divf %parallel_loop3A_971, %parallel_loop3A_948 : vector<16xf32>
      %parallel_loop3A_973 = arith.divf %parallel_loop3A_959, %parallel_loop3A_944 : vector<16xf32>
      %parallel_loop3A_974 = tpu.bitcast %parallel_loop3A_973 : vector<16xf32> -> vector<16xi32>
      %parallel_loop3A_975 = arith.constant 23 : i32
      %parallel_loop3A_976 = vector.broadcast %parallel_loop3A_975 : i32 to vector<16xi32>
      %parallel_loop3A_977 = arith.shrsi %parallel_loop3A_974, %parallel_loop3A_976 : vector<16xi32>
      %parallel_loop3A_978 = arith.constant 127 : i32
      %parallel_loop3A_979 = vector.broadcast %parallel_loop3A_978 : i32 to vector<16xi32>
      %parallel_loop3A_980 = arith.subi %parallel_loop3A_977, %parallel_loop3A_979 : vector<16xi32>
      %parallel_loop3A_981 = arith.constant 8388607 : i32
      %parallel_loop3A_982 = vector.broadcast %parallel_loop3A_981 : i32 to vector<16xi32>
      %parallel_loop3A_983 = arith.andi %parallel_loop3A_974, %parallel_loop3A_982 : vector<16xi32>
      %parallel_loop3A_984 = arith.constant 1065353216 : i32
      %parallel_loop3A_985 = vector.broadcast %parallel_loop3A_984 : i32 to vector<16xi32>
      %parallel_loop3A_986 = arith.ori %parallel_loop3A_983, %parallel_loop3A_985 : vector<16xi32>
      %parallel_loop3A_987 = tpu.bitcast %parallel_loop3A_986 : vector<16xi32> -> vector<16xf32>
      %parallel_loop3A_988 = arith.constant 1.41421354 : f32
      %parallel_loop3A_989 = vector.broadcast %parallel_loop3A_988 : f32 to vector<16xf32>
      %parallel_loop3A_990 = arith.cmpf ogt, %parallel_loop3A_987, %parallel_loop3A_989 : vector<16xf32>
      %parallel_loop3A_991 = arith.constant 5.000000e-01 : f32
      %parallel_loop3A_992 = vector.broadcast %parallel_loop3A_991 : f32 to vector<16xf32>
      %parallel_loop3A_993 = arith.mulf %parallel_loop3A_987, %parallel_loop3A_992 : vector<16xf32>
      %parallel_loop3A_994 = arith.select %parallel_loop3A_990, %parallel_loop3A_993, %parallel_loop3A_987 : vector<16xi1>, vector<16xf32>
      %parallel_loop3A_995 = arith.constant 1 : i32
      %parallel_loop3A_996 = vector.broadcast %parallel_loop3A_995 : i32 to vector<16xi32>
      %parallel_loop3A_997 = arith.addi %parallel_loop3A_980, %parallel_loop3A_996 : vector<16xi32>
      %parallel_loop3A_998 = arith.select %parallel_loop3A_990, %parallel_loop3A_997, %parallel_loop3A_980 : vector<16xi1>, vector<16xi32>
      %parallel_loop3A_999 = arith.constant 1.000000e+00 : f32
      %parallel_loop3A_1000 = vector.broadcast %parallel_loop3A_999 : f32 to vector<16xf32>
      %parallel_loop3A_1001 = arith.subf %parallel_loop3A_994, %parallel_loop3A_1000 : vector<16xf32>
      %parallel_loop3A_1002 = arith.constant 1.000000e+00 : f32
      %parallel_loop3A_1003 = vector.broadcast %parallel_loop3A_1002 : f32 to vector<16xf32>
      %parallel_loop3A_1004 = arith.addf %parallel_loop3A_994, %parallel_loop3A_1003 : vector<16xf32>
      %parallel_loop3A_1005 = arith.divf %parallel_loop3A_1001, %parallel_loop3A_1004 : vector<16xf32>
      %parallel_loop3A_1006 = arith.mulf %parallel_loop3A_1005, %parallel_loop3A_1005 : vector<16xf32>
      %parallel_loop3A_1007 = arith.constant 0.222222224 : f32
      %parallel_loop3A_1008 = vector.broadcast %parallel_loop3A_1007 : f32 to vector<16xf32>
      %parallel_loop3A_1009 = arith.mulf %parallel_loop3A_1008, %parallel_loop3A_1006 : vector<16xf32>
      %parallel_loop3A_1010 = arith.constant 0.285714298 : f32
      %parallel_loop3A_1011 = vector.broadcast %parallel_loop3A_1010 : f32 to vector<16xf32>
      %parallel_loop3A_1012 = arith.addf %parallel_loop3A_1009, %parallel_loop3A_1011 : vector<16xf32>
      %parallel_loop3A_1013 = arith.mulf %parallel_loop3A_1012, %parallel_loop3A_1006 : vector<16xf32>
      %parallel_loop3A_1014 = arith.constant 4.000000e-01 : f32
      %parallel_loop3A_1015 = vector.broadcast %parallel_loop3A_1014 : f32 to vector<16xf32>
      %parallel_loop3A_1016 = arith.addf %parallel_loop3A_1013, %parallel_loop3A_1015 : vector<16xf32>
      %parallel_loop3A_1017 = arith.mulf %parallel_loop3A_1016, %parallel_loop3A_1006 : vector<16xf32>
      %parallel_loop3A_1018 = arith.constant 0.666666686 : f32
      %parallel_loop3A_1019 = vector.broadcast %parallel_loop3A_1018 : f32 to vector<16xf32>
      %parallel_loop3A_1020 = arith.addf %parallel_loop3A_1017, %parallel_loop3A_1019 : vector<16xf32>
      %parallel_loop3A_1021 = arith.mulf %parallel_loop3A_1020, %parallel_loop3A_1006 : vector<16xf32>
      %parallel_loop3A_1022 = arith.constant 2.000000e+00 : f32
      %parallel_loop3A_1023 = vector.broadcast %parallel_loop3A_1022 : f32 to vector<16xf32>
      %parallel_loop3A_1024 = arith.addf %parallel_loop3A_1021, %parallel_loop3A_1023 : vector<16xf32>
      %parallel_loop3A_1025 = arith.sitofp %parallel_loop3A_998 : vector<16xi32> to vector<16xf32>
      %parallel_loop3A_1026 = arith.constant 0.693147182 : f32
      %parallel_loop3A_1027 = vector.broadcast %parallel_loop3A_1026 : f32 to vector<16xf32>
      %parallel_loop3A_1028 = arith.mulf %parallel_loop3A_1025, %parallel_loop3A_1027 : vector<16xf32>
      %parallel_loop3A_1029 = arith.mulf %parallel_loop3A_1005, %parallel_loop3A_1024 : vector<16xf32>
      %parallel_loop3A_1030 = arith.addf %parallel_loop3A_1028, %parallel_loop3A_1029 : vector<16xf32>
      %parallel_loop3A_1031 = arith.divf %parallel_loop3A_960, %parallel_loop3A_948 : vector<16xf32>
      %parallel_loop3A_1032 = tpu.bitcast %parallel_loop3A_1031 : vector<16xf32> -> vector<16xi32>
      %parallel_loop3A_1033 = arith.constant 23 : i32
      %parallel_loop3A_1034 = vector.broadcast %parallel_loop3A_1033 : i32 to vector<16xi32>
      %parallel_loop3A_1035 = arith.shrsi %parallel_loop3A_1032, %parallel_loop3A_1034 : vector<16xi32>
      %parallel_loop3A_1036 = arith.constant 127 : i32
      %parallel_loop3A_1037 = vector.broadcast %parallel_loop3A_1036 : i32 to vector<16xi32>
      %parallel_loop3A_1038 = arith.subi %parallel_loop3A_1035, %parallel_loop3A_1037 : vector<16xi32>
      %parallel_loop3A_1039 = arith.constant 8388607 : i32
      %parallel_loop3A_1040 = vector.broadcast %parallel_loop3A_1039 : i32 to vector<16xi32>
      %parallel_loop3A_1041 = arith.andi %parallel_loop3A_1032, %parallel_loop3A_1040 : vector<16xi32>
      %parallel_loop3A_1042 = arith.constant 1065353216 : i32
      %parallel_loop3A_1043 = vector.broadcast %parallel_loop3A_1042 : i32 to vector<16xi32>
      %parallel_loop3A_1044 = arith.ori %parallel_loop3A_1041, %parallel_loop3A_1043 : vector<16xi32>
      %parallel_loop3A_1045 = tpu.bitcast %parallel_loop3A_1044 : vector<16xi32> -> vector<16xf32>
      %parallel_loop3A_1046 = arith.constant 1.41421354 : f32
      %parallel_loop3A_1047 = vector.broadcast %parallel_loop3A_1046 : f32 to vector<16xf32>
      %parallel_loop3A_1048 = arith.cmpf ogt, %parallel_loop3A_1045, %parallel_loop3A_1047 : vector<16xf32>
      %parallel_loop3A_1049 = arith.constant 5.000000e-01 : f32
      %parallel_loop3A_1050 = vector.broadcast %parallel_loop3A_1049 : f32 to vector<16xf32>
      %parallel_loop3A_1051 = arith.mulf %parallel_loop3A_1045, %parallel_loop3A_1050 : vector<16xf32>
      %parallel_loop3A_1052 = arith.select %parallel_loop3A_1048, %parallel_loop3A_1051, %parallel_loop3A_1045 : vector<16xi1>, vector<16xf32>
      %parallel_loop3A_1053 = arith.constant 1 : i32
      %parallel_loop3A_1054 = vector.broadcast %parallel_loop3A_1053 : i32 to vector<16xi32>
      %parallel_loop3A_1055 = arith.addi %parallel_loop3A_1038, %parallel_loop3A_1054 : vector<16xi32>
      %parallel_loop3A_1056 = arith.select %parallel_loop3A_1048, %parallel_loop3A_1055, %parallel_loop3A_1038 : vector<16xi1>, vector<16xi32>
      %parallel_loop3A_1057 = arith.constant 1.000000e+00 : f32
      %parallel_loop3A_1058 = vector.broadcast %parallel_loop3A_1057 : f32 to vector<16xf32>
      %parallel_loop3A_1059 = arith.subf %parallel_loop3A_1052, %parallel_loop3A_1058 : vector<16xf32>
      %parallel_loop3A_1060 = arith.constant 1.000000e+00 : f32
      %parallel_loop3A_1061 = vector.broadcast %parallel_loop3A_1060 : f32 to vector<16xf32>
      %parallel_loop3A_1062 = arith.addf %parallel_loop3A_1052, %parallel_loop3A_1061 : vector<16xf32>
      %parallel_loop3A_1063 = arith.divf %parallel_loop3A_1059, %parallel_loop3A_1062 : vector<16xf32>
      %parallel_loop3A_1064 = arith.mulf %parallel_loop3A_1063, %parallel_loop3A_1063 : vector<16xf32>
      %parallel_loop3A_1065 = arith.constant 0.222222224 : f32
      %parallel_loop3A_1066 = vector.broadcast %parallel_loop3A_1065 : f32 to vector<16xf32>
      %parallel_loop3A_1067 = arith.mulf %parallel_loop3A_1066, %parallel_loop3A_1064 : vector<16xf32>
      %parallel_loop3A_1068 = arith.constant 0.285714298 : f32
      %parallel_loop3A_1069 = vector.broadcast %parallel_loop3A_1068 : f32 to vector<16xf32>
      %parallel_loop3A_1070 = arith.addf %parallel_loop3A_1067, %parallel_loop3A_1069 : vector<16xf32>
      %parallel_loop3A_1071 = arith.mulf %parallel_loop3A_1070, %parallel_loop3A_1064 : vector<16xf32>
      %parallel_loop3A_1072 = arith.constant 4.000000e-01 : f32
      %parallel_loop3A_1073 = vector.broadcast %parallel_loop3A_1072 : f32 to vector<16xf32>
      %parallel_loop3A_1074 = arith.addf %parallel_loop3A_1071, %parallel_loop3A_1073 : vector<16xf32>
      %parallel_loop3A_1075 = arith.mulf %parallel_loop3A_1074, %parallel_loop3A_1064 : vector<16xf32>
      %parallel_loop3A_1076 = arith.constant 0.666666686 : f32
      %parallel_loop3A_1077 = vector.broadcast %parallel_loop3A_1076 : f32 to vector<16xf32>
      %parallel_loop3A_1078 = arith.addf %parallel_loop3A_1075, %parallel_loop3A_1077 : vector<16xf32>
      %parallel_loop3A_1079 = arith.mulf %parallel_loop3A_1078, %parallel_loop3A_1064 : vector<16xf32>
      %parallel_loop3A_1080 = arith.constant 2.000000e+00 : f32
      %parallel_loop3A_1081 = vector.broadcast %parallel_loop3A_1080 : f32 to vector<16xf32>
      %parallel_loop3A_1082 = arith.addf %parallel_loop3A_1079, %parallel_loop3A_1081 : vector<16xf32>
      %parallel_loop3A_1083 = arith.sitofp %parallel_loop3A_1056 : vector<16xi32> to vector<16xf32>
      %parallel_loop3A_1084 = arith.constant 0.693147182 : f32
      %parallel_loop3A_1085 = vector.broadcast %parallel_loop3A_1084 : f32 to vector<16xf32>
      %parallel_loop3A_1086 = arith.mulf %parallel_loop3A_1083, %parallel_loop3A_1085 : vector<16xf32>
      %parallel_loop3A_1087 = arith.mulf %parallel_loop3A_1063, %parallel_loop3A_1082 : vector<16xf32>
      %parallel_loop3A_1088 = arith.addf %parallel_loop3A_1086, %parallel_loop3A_1087 : vector<16xf32>
      %parallel_loop3A_1089 = arith.constant 0.000000e+00 : f32
      %parallel_loop3A_1090 = vector.broadcast %parallel_loop3A_1089 : f32 to vector<16xf32>
      %parallel_loop3A_1091 = arith.constant 4 : i32
      %parallel_loop3A_1092 = arith.index_cast %parallel_loop3A_1091 : i32 to index
      %parallel_loop3A_1093 = arith.index_cast %parallel_loop3A_864 : i32 to index
      %parallel_loop3A_1094 = tpu.vector_load %arg5[%parallel_loop3A_1092, %parallel_loop3A_1093] {strides = array<i32>} : memref<11x1280xf32, #tpu.memory_space<vmem>>, vector<16xf32>,
      %parallel_loop3A_1095 = arith.subf %parallel_loop3A_970, %parallel_loop3A_1094 : vector<16xf32>
      %parallel_loop3A_1096 = math.absf %parallel_loop3A_1095 : vector<16xf32>
      %parallel_loop3A_1097 = arith.constant 1.000000e+00 : f32
      %parallel_loop3A_1098 = vector.broadcast %parallel_loop3A_1097 : f32 to vector<16xf32>
      %parallel_loop3A_1099 = arith.cmpf olt, %parallel_loop3A_1096, %parallel_loop3A_1098 : vector<16xf32>
      %parallel_loop3A_1100 = arith.constant 5.000000e-01 : f32
      %parallel_loop3A_1101 = vector.broadcast %parallel_loop3A_1100 : f32 to vector<16xf32>
      %parallel_loop3A_1102 = arith.mulf %parallel_loop3A_1101, %parallel_loop3A_1096 : vector<16xf32>
      %parallel_loop3A_1103 = arith.mulf %parallel_loop3A_1102, %parallel_loop3A_1096 : vector<16xf32>
      %parallel_loop3A_1104 = arith.constant 5.000000e-01 : f32
      %parallel_loop3A_1105 = vector.broadcast %parallel_loop3A_1104 : f32 to vector<16xf32>
      %parallel_loop3A_1106 = arith.subf %parallel_loop3A_1096, %parallel_loop3A_1105 : vector<16xf32>
      %parallel_loop3A_1107 = arith.select %parallel_loop3A_1099, %parallel_loop3A_1103, %parallel_loop3A_1106 : vector<16xi1>, vector<16xf32>
      %parallel_loop3A_1108 = arith.addf %parallel_loop3A_1090, %parallel_loop3A_1107 : vector<16xf32>
      %parallel_loop3A_1109 = arith.constant 5 : i32
      %parallel_loop3A_1110 = arith.index_cast %parallel_loop3A_1109 : i32 to index
      %parallel_loop3A_1111 = arith.index_cast %parallel_loop3A_864 : i32 to index
      %parallel_loop3A_1112 = tpu.vector_load %arg5[%parallel_loop3A_1110, %parallel_loop3A_1111] {strides = array<i32>} : memref<11x1280xf32, #tpu.memory_space<vmem>>, vector<16xf32>,
      %parallel_loop3A_1113 = arith.subf %parallel_loop3A_972, %parallel_loop3A_1112 : vector<16xf32>
      %parallel_loop3A_1114 = math.absf %parallel_loop3A_1113 : vector<16xf32>
      %parallel_loop3A_1115 = arith.constant 1.000000e+00 : f32
      %parallel_loop3A_1116 = vector.broadcast %parallel_loop3A_1115 : f32 to vector<16xf32>
      %parallel_loop3A_1117 = arith.cmpf olt, %parallel_loop3A_1114, %parallel_loop3A_1116 : vector<16xf32>
      %parallel_loop3A_1118 = arith.constant 5.000000e-01 : f32
      %parallel_loop3A_1119 = vector.broadcast %parallel_loop3A_1118 : f32 to vector<16xf32>
      %parallel_loop3A_1120 = arith.mulf %parallel_loop3A_1119, %parallel_loop3A_1114 : vector<16xf32>
      %parallel_loop3A_1121 = arith.mulf %parallel_loop3A_1120, %parallel_loop3A_1114 : vector<16xf32>
      %parallel_loop3A_1122 = arith.constant 5.000000e-01 : f32
      %parallel_loop3A_1123 = vector.broadcast %parallel_loop3A_1122 : f32 to vector<16xf32>
      %parallel_loop3A_1124 = arith.subf %parallel_loop3A_1114, %parallel_loop3A_1123 : vector<16xf32>
      %parallel_loop3A_1125 = arith.select %parallel_loop3A_1117, %parallel_loop3A_1121, %parallel_loop3A_1124 : vector<16xi1>, vector<16xf32>
      %parallel_loop3A_1126 = arith.addf %parallel_loop3A_1108, %parallel_loop3A_1125 : vector<16xf32>
      %parallel_loop3A_1127 = arith.constant 6 : i32
      %parallel_loop3A_1128 = arith.index_cast %parallel_loop3A_1127 : i32 to index
      %parallel_loop3A_1129 = arith.index_cast %parallel_loop3A_864 : i32 to index
      %parallel_loop3A_1130 = tpu.vector_load %arg5[%parallel_loop3A_1128, %parallel_loop3A_1129] {strides = array<i32>} : memref<11x1280xf32, #tpu.memory_space<vmem>>, vector<16xf32>,
      %parallel_loop3A_1131 = arith.subf %parallel_loop3A_1030, %parallel_loop3A_1130 : vector<16xf32>
      %parallel_loop3A_1132 = math.absf %parallel_loop3A_1131 : vector<16xf32>
      %parallel_loop3A_1133 = arith.constant 1.000000e+00 : f32
      %parallel_loop3A_1134 = vector.broadcast %parallel_loop3A_1133 : f32 to vector<16xf32>
      %parallel_loop3A_1135 = arith.cmpf olt, %parallel_loop3A_1132, %parallel_loop3A_1134 : vector<16xf32>
      %parallel_loop3A_1136 = arith.constant 5.000000e-01 : f32
      %parallel_loop3A_1137 = vector.broadcast %parallel_loop3A_1136 : f32 to vector<16xf32>
      %parallel_loop3A_1138 = arith.mulf %parallel_loop3A_1137, %parallel_loop3A_1132 : vector<16xf32>
      %parallel_loop3A_1139 = arith.mulf %parallel_loop3A_1138, %parallel_loop3A_1132 : vector<16xf32>
      %parallel_loop3A_1140 = arith.constant 5.000000e-01 : f32
      %parallel_loop3A_1141 = vector.broadcast %parallel_loop3A_1140 : f32 to vector<16xf32>
      %parallel_loop3A_1142 = arith.subf %parallel_loop3A_1132, %parallel_loop3A_1141 : vector<16xf32>
      %parallel_loop3A_1143 = arith.select %parallel_loop3A_1135, %parallel_loop3A_1139, %parallel_loop3A_1142 : vector<16xi1>, vector<16xf32>
      %parallel_loop3A_1144 = arith.addf %parallel_loop3A_1126, %parallel_loop3A_1143 : vector<16xf32>
      %parallel_loop3A_1145 = arith.constant 7 : i32
      %parallel_loop3A_1146 = arith.index_cast %parallel_loop3A_1145 : i32 to index
      %parallel_loop3A_1147 = arith.index_cast %parallel_loop3A_864 : i32 to index
      %parallel_loop3A_1148 = tpu.vector_load %arg5[%parallel_loop3A_1146, %parallel_loop3A_1147] {strides = array<i32>} : memref<11x1280xf32, #tpu.memory_space<vmem>>, vector<16xf32>,
      %parallel_loop3A_1149 = arith.subf %parallel_loop3A_1088, %parallel_loop3A_1148 : vector<16xf32>
      %parallel_loop3A_1150 = math.absf %parallel_loop3A_1149 : vector<16xf32>
      %parallel_loop3A_1151 = arith.constant 1.000000e+00 : f32
      %parallel_loop3A_1152 = vector.broadcast %parallel_loop3A_1151 : f32 to vector<16xf32>
      %parallel_loop3A_1153 = arith.cmpf olt, %parallel_loop3A_1150, %parallel_loop3A_1152 : vector<16xf32>
      %parallel_loop3A_1154 = arith.constant 5.000000e-01 : f32
      %parallel_loop3A_1155 = vector.broadcast %parallel_loop3A_1154 : f32 to vector<16xf32>
      %parallel_loop3A_1156 = arith.mulf %parallel_loop3A_1155, %parallel_loop3A_1150 : vector<16xf32>
      %parallel_loop3A_1157 = arith.mulf %parallel_loop3A_1156, %parallel_loop3A_1150 : vector<16xf32>
      %parallel_loop3A_1158 = arith.constant 5.000000e-01 : f32
      %parallel_loop3A_1159 = vector.broadcast %parallel_loop3A_1158 : f32 to vector<16xf32>
      %parallel_loop3A_1160 = arith.subf %parallel_loop3A_1150, %parallel_loop3A_1159 : vector<16xf32>
      %parallel_loop3A_1161 = arith.select %parallel_loop3A_1153, %parallel_loop3A_1157, %parallel_loop3A_1160 : vector<16xi1>, vector<16xf32>
      %parallel_loop3A_1162 = arith.addf %parallel_loop3A_1144, %parallel_loop3A_1161 : vector<16xf32>
      %parallel_loop3A_1163 = arith.constant 8 : i32
      %parallel_loop3A_1164 = arith.index_cast %parallel_loop3A_1163 : i32 to index
      %parallel_loop3A_1165 = arith.index_cast %parallel_loop3A_864 : i32 to index
      %parallel_loop3A_1166 = tpu.vector_load %arg5[%parallel_loop3A_1164, %parallel_loop3A_1165] {strides = array<i32>} : memref<11x1280xf32, #tpu.memory_space<vmem>>, vector<16xf32>,
      %parallel_loop3A_1167 = arith.constant 9 : i32
      %parallel_loop3A_1168 = arith.index_cast %parallel_loop3A_1167 : i32 to index
      %parallel_loop3A_1169 = arith.index_cast %parallel_loop3A_864 : i32 to index
      %parallel_loop3A_1170 = tpu.vector_load %arg5[%parallel_loop3A_1168, %parallel_loop3A_1169] {strides = array<i32>} : memref<11x1280xf32, #tpu.memory_space<vmem>>, vector<16xf32>,
      %parallel_loop3A_1171 = arith.maximumf %parallel_loop3A_1166, %parallel_loop3A_1170 : vector<16xf32>
      %parallel_loop3A_1172 = arith.minimumf %parallel_loop3A_1166, %parallel_loop3A_1170 : vector<16xf32>
      %parallel_loop3A_1173 = arith.subf %parallel_loop3A_1172, %parallel_loop3A_1171 : vector<16xf32>
      %parallel_loop3A_1174 = math.exp %parallel_loop3A_1173 : vector<16xf32>
      %parallel_loop3A_1175 = arith.constant 1.000000e+00 : f32
      %parallel_loop3A_1176 = vector.broadcast %parallel_loop3A_1175 : f32 to vector<16xf32>
      %parallel_loop3A_1177 = arith.addf %parallel_loop3A_1176, %parallel_loop3A_1174 : vector<16xf32>
      %parallel_loop3A_1178 = tpu.bitcast %parallel_loop3A_1177 : vector<16xf32> -> vector<16xi32>
      %parallel_loop3A_1179 = arith.constant 23 : i32
      %parallel_loop3A_1180 = vector.broadcast %parallel_loop3A_1179 : i32 to vector<16xi32>
      %parallel_loop3A_1181 = arith.shrsi %parallel_loop3A_1178, %parallel_loop3A_1180 : vector<16xi32>
      %parallel_loop3A_1182 = arith.constant 127 : i32
      %parallel_loop3A_1183 = vector.broadcast %parallel_loop3A_1182 : i32 to vector<16xi32>
      %parallel_loop3A_1184 = arith.subi %parallel_loop3A_1181, %parallel_loop3A_1183 : vector<16xi32>
      %parallel_loop3A_1185 = arith.constant 8388607 : i32
      %parallel_loop3A_1186 = vector.broadcast %parallel_loop3A_1185 : i32 to vector<16xi32>
      %parallel_loop3A_1187 = arith.andi %parallel_loop3A_1178, %parallel_loop3A_1186 : vector<16xi32>
      %parallel_loop3A_1188 = arith.constant 1065353216 : i32
      %parallel_loop3A_1189 = vector.broadcast %parallel_loop3A_1188 : i32 to vector<16xi32>
      %parallel_loop3A_1190 = arith.ori %parallel_loop3A_1187, %parallel_loop3A_1189 : vector<16xi32>
      %parallel_loop3A_1191 = tpu.bitcast %parallel_loop3A_1190 : vector<16xi32> -> vector<16xf32>
      %parallel_loop3A_1192 = arith.constant 1.41421354 : f32
      %parallel_loop3A_1193 = vector.broadcast %parallel_loop3A_1192 : f32 to vector<16xf32>
      %parallel_loop3A_1194 = arith.cmpf ogt, %parallel_loop3A_1191, %parallel_loop3A_1193 : vector<16xf32>
      %parallel_loop3A_1195 = arith.constant 5.000000e-01 : f32
      %parallel_loop3A_1196 = vector.broadcast %parallel_loop3A_1195 : f32 to vector<16xf32>
      %parallel_loop3A_1197 = arith.mulf %parallel_loop3A_1191, %parallel_loop3A_1196 : vector<16xf32>
      %parallel_loop3A_1198 = arith.select %parallel_loop3A_1194, %parallel_loop3A_1197, %parallel_loop3A_1191 : vector<16xi1>, vector<16xf32>
      %parallel_loop3A_1199 = arith.constant 1 : i32
      %parallel_loop3A_1200 = vector.broadcast %parallel_loop3A_1199 : i32 to vector<16xi32>
      %parallel_loop3A_1201 = arith.addi %parallel_loop3A_1184, %parallel_loop3A_1200 : vector<16xi32>
      %parallel_loop3A_1202 = arith.select %parallel_loop3A_1194, %parallel_loop3A_1201, %parallel_loop3A_1184 : vector<16xi1>, vector<16xi32>
      %parallel_loop3A_1203 = arith.constant 1.000000e+00 : f32
      %parallel_loop3A_1204 = vector.broadcast %parallel_loop3A_1203 : f32 to vector<16xf32>
      %parallel_loop3A_1205 = arith.subf %parallel_loop3A_1198, %parallel_loop3A_1204 : vector<16xf32>
      %parallel_loop3A_1206 = arith.constant 1.000000e+00 : f32
      %parallel_loop3A_1207 = vector.broadcast %parallel_loop3A_1206 : f32 to vector<16xf32>
      %parallel_loop3A_1208 = arith.addf %parallel_loop3A_1198, %parallel_loop3A_1207 : vector<16xf32>
      %parallel_loop3A_1209 = arith.divf %parallel_loop3A_1205, %parallel_loop3A_1208 : vector<16xf32>
      %parallel_loop3A_1210 = arith.mulf %parallel_loop3A_1209, %parallel_loop3A_1209 : vector<16xf32>
      %parallel_loop3A_1211 = arith.constant 0.222222224 : f32
      %parallel_loop3A_1212 = vector.broadcast %parallel_loop3A_1211 : f32 to vector<16xf32>
      %parallel_loop3A_1213 = arith.mulf %parallel_loop3A_1212, %parallel_loop3A_1210 : vector<16xf32>
      %parallel_loop3A_1214 = arith.constant 0.285714298 : f32
      %parallel_loop3A_1215 = vector.broadcast %parallel_loop3A_1214 : f32 to vector<16xf32>
      %parallel_loop3A_1216 = arith.addf %parallel_loop3A_1213, %parallel_loop3A_1215 : vector<16xf32>
      %parallel_loop3A_1217 = arith.mulf %parallel_loop3A_1216, %parallel_loop3A_1210 : vector<16xf32>
      %parallel_loop3A_1218 = arith.constant 4.000000e-01 : f32
      %parallel_loop3A_1219 = vector.broadcast %parallel_loop3A_1218 : f32 to vector<16xf32>
      %parallel_loop3A_1220 = arith.addf %parallel_loop3A_1217, %parallel_loop3A_1219 : vector<16xf32>
      %parallel_loop3A_1221 = arith.mulf %parallel_loop3A_1220, %parallel_loop3A_1210 : vector<16xf32>
      %parallel_loop3A_1222 = arith.constant 0.666666686 : f32
      %parallel_loop3A_1223 = vector.broadcast %parallel_loop3A_1222 : f32 to vector<16xf32>
      %parallel_loop3A_1224 = arith.addf %parallel_loop3A_1221, %parallel_loop3A_1223 : vector<16xf32>
      %parallel_loop3A_1225 = arith.mulf %parallel_loop3A_1224, %parallel_loop3A_1210 : vector<16xf32>
      %parallel_loop3A_1226 = arith.constant 2.000000e+00 : f32
      %parallel_loop3A_1227 = vector.broadcast %parallel_loop3A_1226 : f32 to vector<16xf32>
      %parallel_loop3A_1228 = arith.addf %parallel_loop3A_1225, %parallel_loop3A_1227 : vector<16xf32>
      %parallel_loop3A_1229 = arith.sitofp %parallel_loop3A_1202 : vector<16xi32> to vector<16xf32>
      %parallel_loop3A_1230 = arith.constant 0.693147182 : f32
      %parallel_loop3A_1231 = vector.broadcast %parallel_loop3A_1230 : f32 to vector<16xf32>
      %parallel_loop3A_1232 = arith.mulf %parallel_loop3A_1229, %parallel_loop3A_1231 : vector<16xf32>
      %parallel_loop3A_1233 = arith.mulf %parallel_loop3A_1209, %parallel_loop3A_1228 : vector<16xf32>
      %parallel_loop3A_1234 = arith.addf %parallel_loop3A_1232, %parallel_loop3A_1233 : vector<16xf32>
      %parallel_loop3A_1235 = arith.addf %parallel_loop3A_1171, %parallel_loop3A_1234 : vector<16xf32>
      %parallel_loop3A_1236 = arith.select %parallel_loop3A_889, %parallel_loop3A_1170, %parallel_loop3A_1166 : vector<16xi1>, vector<16xf32>
      %parallel_loop3A_1237 = arith.subf %parallel_loop3A_1235, %parallel_loop3A_1236 : vector<16xf32>
      %parallel_loop3A_1238 = arith.constant 10 : i32
      %parallel_loop3A_1239 = arith.index_cast %parallel_loop3A_1238 : i32 to index
      %parallel_loop3A_1240 = arith.index_cast %parallel_loop3A_864 : i32 to index
      %parallel_loop3A_1241 = tpu.vector_load %arg5[%parallel_loop3A_1239, %parallel_loop3A_1240] {strides = array<i32>} : memref<11x1280xf32, #tpu.memory_space<vmem>>, vector<16xf32>,
      %parallel_loop3A_1242 = arith.subf %parallel_loop3A_1241, %parallel_loop3A_871 : vector<16xf32>
      %parallel_loop3A_1243 = arith.mulf %parallel_loop3A_1242, %parallel_loop3A_1242 : vector<16xf32>
      %parallel_loop3A_1244 = arith.addf %parallel_loop3A_865, %parallel_loop3A_903 : vector<16xf32>
      %parallel_loop3A_1245 = arith.addf %parallel_loop3A_866, %parallel_loop3A_908 : vector<16xf32>
      %parallel_loop3A_1246 = arith.mulf %parallel_loop3A_1162, %parallel_loop3A_903 : vector<16xf32>
      %parallel_loop3A_1247 = arith.addf %parallel_loop3A_867, %parallel_loop3A_1246 : vector<16xf32>
      %parallel_loop3A_1248 = arith.mulf %parallel_loop3A_1237, %parallel_loop3A_908 : vector<16xf32>
      %parallel_loop3A_1249 = arith.addf %parallel_loop3A_868, %parallel_loop3A_1248 : vector<16xf32>
      %parallel_loop3A_1250 = arith.mulf %parallel_loop3A_1243, %parallel_loop3A_903 : vector<16xf32>
      %parallel_loop3A_1251 = arith.addf %parallel_loop3A_869, %parallel_loop3A_1250 : vector<16xf32>
      scf.yield %parallel_loop3A_1244, %parallel_loop3A_1245, %parallel_loop3A_1247, %parallel_loop3A_1249, %parallel_loop3A_1251 : vector<16xf32>, vector<16xf32>, vector<16xf32>, vector<16xf32>, vector<16xf32>
    } {sc.loop_unroll_factor = 1 : i64, sc.parallel_access}
    %eq3A_811 = arith.constant 0 : i32
    %eq3A_812 = vector.broadcast %eq3A_811 : i32 to vector<16xi32>
    %eq3A_813 = arith.cmpi eq, %iota3A, %eq3A_812 : vector<16xi32>
    %reduce_sum3A = arith.constant true
    %reduce_sum3A_814 = vector.broadcast %reduce_sum3A : i1 to vector<16xi1>
    %reduce_sum3A_815 = tpu.scan <sum>, %parallel_loop3A_810#0 masked %reduce_sum3A_814 : vector<16xf32>, vector<16xi1> -> vector<16xf32>
    %reduce_sum3A_816 = vector.extract %reduce_sum3A_815[15] : f32 from vector<16xf32>
    %broadcast_in_dim3A_817 = vector.broadcast %reduce_sum3A_816 : f32 to vector<16xf32>
    %eq3A_818 = arith.constant 1 : i32
    %eq3A_819 = vector.broadcast %eq3A_818 : i32 to vector<16xi32>
    %eq3A_820 = arith.cmpi eq, %iota3A, %eq3A_819 : vector<16xi32>
    %reduce_sum3A_821 = arith.constant true
    %reduce_sum3A_822 = vector.broadcast %reduce_sum3A_821 : i1 to vector<16xi1>
    %reduce_sum3A_823 = tpu.scan <sum>, %parallel_loop3A_810#1 masked %reduce_sum3A_822 : vector<16xf32>, vector<16xi1> -> vector<16xf32>
    %reduce_sum3A_824 = vector.extract %reduce_sum3A_823[15] : f32 from vector<16xf32>
    %broadcast_in_dim3A_825 = vector.broadcast %reduce_sum3A_824 : f32 to vector<16xf32>
    %eq3A_826 = arith.constant 2 : i32
    %eq3A_827 = vector.broadcast %eq3A_826 : i32 to vector<16xi32>
    %eq3A_828 = arith.cmpi eq, %iota3A, %eq3A_827 : vector<16xi32>
    %reduce_sum3A_829 = arith.constant true
    %reduce_sum3A_830 = vector.broadcast %reduce_sum3A_829 : i1 to vector<16xi1>
    %reduce_sum3A_831 = tpu.scan <sum>, %parallel_loop3A_810#2 masked %reduce_sum3A_830 : vector<16xf32>, vector<16xi1> -> vector<16xf32>
    %reduce_sum3A_832 = vector.extract %reduce_sum3A_831[15] : f32 from vector<16xf32>
    %broadcast_in_dim3A_833 = vector.broadcast %reduce_sum3A_832 : f32 to vector<16xf32>
    %eq3A_834 = arith.constant 3 : i32
    %eq3A_835 = vector.broadcast %eq3A_834 : i32 to vector<16xi32>
    %eq3A_836 = arith.cmpi eq, %iota3A, %eq3A_835 : vector<16xi32>
    %reduce_sum3A_837 = arith.constant true
    %reduce_sum3A_838 = vector.broadcast %reduce_sum3A_837 : i1 to vector<16xi1>
    %reduce_sum3A_839 = tpu.scan <sum>, %parallel_loop3A_810#3 masked %reduce_sum3A_838 : vector<16xf32>, vector<16xi1> -> vector<16xf32>
    %reduce_sum3A_840 = vector.extract %reduce_sum3A_839[15] : f32 from vector<16xf32>
    %broadcast_in_dim3A_841 = vector.broadcast %reduce_sum3A_840 : f32 to vector<16xf32>
    %eq3A_842 = arith.constant 4 : i32
    %eq3A_843 = vector.broadcast %eq3A_842 : i32 to vector<16xi32>
    %eq3A_844 = arith.cmpi eq, %iota3A, %eq3A_843 : vector<16xi32>
    %reduce_sum3A_845 = arith.constant true
    %reduce_sum3A_846 = vector.broadcast %reduce_sum3A_845 : i1 to vector<16xi1>
    %reduce_sum3A_847 = tpu.scan <sum>, %parallel_loop3A_810#4 masked %reduce_sum3A_846 : vector<16xf32>, vector<16xi1> -> vector<16xf32>
    %reduce_sum3A_848 = vector.extract %reduce_sum3A_847[15] : f32 from vector<16xf32>
    %broadcast_in_dim3A_849 = vector.broadcast %reduce_sum3A_848 : f32 to vector<16xf32>
    %broadcast_in_dim3A_850 = arith.constant 0.000000e+00 : f32
    %broadcast_in_dim3A_851 = vector.broadcast %broadcast_in_dim3A_850 : f32 to vector<16xf32>
    %select_n3A_852 = arith.select %eq3A_844, %broadcast_in_dim3A_849, %broadcast_in_dim3A_851 : vector<16xi1>, vector<16xf32>
    %select_n3A_853 = arith.select %eq3A_836, %broadcast_in_dim3A_841, %select_n3A_852 : vector<16xi1>, vector<16xf32>
    %select_n3A_854 = arith.select %eq3A_828, %broadcast_in_dim3A_833, %select_n3A_853 : vector<16xi1>, vector<16xf32>
    %select_n3A_855 = arith.select %eq3A_820, %broadcast_in_dim3A_825, %select_n3A_854 : vector<16xi1>, vector<16xf32>
    %select_n3A_856 = arith.select %eq3A_813, %broadcast_in_dim3A_817, %select_n3A_855 : vector<16xi1>, vector<16xf32>
    %swap3A = arith.constant 0 : index
    %swap3A_857 = tpu.vector_load %arg15[%swap3A] {strides = array<i32>} : memref<16xf32, #tpu.memory_space<vmem>>, vector<16xf32>,
    tpu.vector_store %arg15[%swap3A], %select_n3A_856 {strides = array<i32>} : memref<16xf32, #tpu.memory_space<vmem>>, vector<16xf32>,
    %mul3A_858 = arith.constant 16 : i32
    %mul3A_859 = arith.muli %add3A, %mul3A_858 : i32
    "tpu.region"() ({
      %run_scoped3A = tpu.sem_alloc : memref<!tpu.dma_semaphore, #tpu.memory_space<semaphore_mem>>
      %dma_start3A = tpu.memref_slice %arg20[%mul3A_859] : memref<256xf32, #tpu.memory_space<vmem_shared>> -> memref<16xf32, #tpu.memory_space<vmem_shared>>
      %dma_start3A_864 = tpu.memref_slice %arg20[%mul3A_859] : memref<256xf32, #tpu.memory_space<vmem_shared>> -> memref<16xf32, #tpu.memory_space<vmem_shared>>
      tpu.enqueue_dma source(%arg15 : memref<16xf32, #tpu.memory_space<vmem>>) target(%dma_start3A_864 : memref<16xf32, #tpu.memory_space<vmem_shared>>) target_semaphore(%run_scoped3A : memref<!tpu.dma_semaphore, #tpu.memory_space<semaphore_mem>>)
      %dma_wait3A = tpu.memref_slice %arg20[%mul3A_859] : memref<256xf32, #tpu.memory_space<vmem_shared>> -> memref<16xf32, #tpu.memory_space<vmem_shared>>
      %dma_wait3A_865 = tpu.memref_slice %arg20[%mul3A_859] : memref<256xf32, #tpu.memory_space<vmem_shared>> -> memref<16xf32, #tpu.memory_space<vmem_shared>>
      tpu.wait_dma2 semaphore(%run_scoped3A : memref<!tpu.dma_semaphore, #tpu.memory_space<semaphore_mem>>) src(%arg15 : memref<16xf32, #tpu.memory_space<vmem>>) dst(%dma_wait3A_865 : memref<16xf32, #tpu.memory_space<vmem_shared>>)
      tpu.yield
    }) : () -> ()
    %barrier3A_860 = arith.constant 0 : index
    tpu.barrier barrier_id(%barrier3A_860)
    %eq3A_861 = arith.constant 0 : i32
    %eq3A_862 = arith.cmpi eq, %add3A, %eq3A_861 : i32
    %convert_element_type3A = arith.extui %eq3A_862 : i1 to i32
    %cond3A = arith.constant 0 : i32
    %cond3A_863 = arith.cmpi ne, %convert_element_type3A, %cond3A : i32
    scf.if %cond3A_863 {
      "tpu.region"() ({
        %run_scoped3A = tpu.sem_alloc : memref<!tpu.dma_semaphore, #tpu.memory_space<semaphore_mem>>
        tpu.enqueue_dma source(%arg20 : memref<256xf32, #tpu.memory_space<vmem_shared>>) target(%arg16 : memref<256xf32, #tpu.memory_space<vmem>>) target_semaphore(%run_scoped3A : memref<!tpu.dma_semaphore, #tpu.memory_space<semaphore_mem>>)
        tpu.wait_dma2 semaphore(%run_scoped3A : memref<!tpu.dma_semaphore, #tpu.memory_space<semaphore_mem>>) src(%arg20 : memref<256xf32, #tpu.memory_space<vmem_shared>>) dst(%arg16 : memref<256xf32, #tpu.memory_space<vmem>>)
        tpu.yield
      }) : () -> ()
      %mul3A_864 = arith.constant 16 : i32
      %mul3A_865 = vector.broadcast %mul3A_864 : i32 to vector<16xi32>
      %mul3A_866 = arith.muli %iota3A, %mul3A_865 : vector<16xi32>
      %broadcast_in_dim3A_867 = arith.constant 0 : i32
      %broadcast_in_dim3A_868 = vector.broadcast %broadcast_in_dim3A_867 : i32 to vector<16xi32>
      %add3A_869 = arith.addi %mul3A_866, %broadcast_in_dim3A_868 : vector<16xi32>
      %gather3A_870 = tpu.vector_load_idx %arg16[%add3A_869] : memref<256xf32, #tpu.memory_space<vmem>>[vector<16xi32>], vector<16xf32>,
      %reduce_sum3A_871 = arith.constant true
      %reduce_sum3A_872 = vector.broadcast %reduce_sum3A_871 : i1 to vector<16xi1>
      %reduce_sum3A_873 = tpu.scan <sum>, %gather3A_870 masked %reduce_sum3A_872 : vector<16xf32>, vector<16xi1> -> vector<16xf32>
      %reduce_sum3A_874 = vector.extract %reduce_sum3A_873[15] : f32 from vector<16xf32>
      %mul3A_875 = arith.constant 16 : i32
      %mul3A_876 = vector.broadcast %mul3A_875 : i32 to vector<16xi32>
      %mul3A_877 = arith.muli %iota3A, %mul3A_876 : vector<16xi32>
      %broadcast_in_dim3A_878 = arith.constant 1 : i32
      %broadcast_in_dim3A_879 = vector.broadcast %broadcast_in_dim3A_878 : i32 to vector<16xi32>
      %add3A_880 = arith.addi %mul3A_877, %broadcast_in_dim3A_879 : vector<16xi32>
      %gather3A_881 = tpu.vector_load_idx %arg16[%add3A_880] : memref<256xf32, #tpu.memory_space<vmem>>[vector<16xi32>], vector<16xf32>,
      %reduce_sum3A_882 = arith.constant true
      %reduce_sum3A_883 = vector.broadcast %reduce_sum3A_882 : i1 to vector<16xi1>
      %reduce_sum3A_884 = tpu.scan <sum>, %gather3A_881 masked %reduce_sum3A_883 : vector<16xf32>, vector<16xi1> -> vector<16xf32>
      %reduce_sum3A_885 = vector.extract %reduce_sum3A_884[15] : f32 from vector<16xf32>
      %mul3A_886 = arith.constant 16 : i32
      %mul3A_887 = vector.broadcast %mul3A_886 : i32 to vector<16xi32>
      %mul3A_888 = arith.muli %iota3A, %mul3A_887 : vector<16xi32>
      %broadcast_in_dim3A_889 = arith.constant 2 : i32
      %broadcast_in_dim3A_890 = vector.broadcast %broadcast_in_dim3A_889 : i32 to vector<16xi32>
      %add3A_891 = arith.addi %mul3A_888, %broadcast_in_dim3A_890 : vector<16xi32>
      %gather3A_892 = tpu.vector_load_idx %arg16[%add3A_891] : memref<256xf32, #tpu.memory_space<vmem>>[vector<16xi32>], vector<16xf32>,
      %reduce_sum3A_893 = arith.constant true
      %reduce_sum3A_894 = vector.broadcast %reduce_sum3A_893 : i1 to vector<16xi1>
      %reduce_sum3A_895 = tpu.scan <sum>, %gather3A_892 masked %reduce_sum3A_894 : vector<16xf32>, vector<16xi1> -> vector<16xf32>
      %reduce_sum3A_896 = vector.extract %reduce_sum3A_895[15] : f32 from vector<16xf32>
      %mul3A_897 = arith.constant 16 : i32
      %mul3A_898 = vector.broadcast %mul3A_897 : i32 to vector<16xi32>
      %mul3A_899 = arith.muli %iota3A, %mul3A_898 : vector<16xi32>
      %broadcast_in_dim3A_900 = arith.constant 3 : i32
      %broadcast_in_dim3A_901 = vector.broadcast %broadcast_in_dim3A_900 : i32 to vector<16xi32>
      %add3A_902 = arith.addi %mul3A_899, %broadcast_in_dim3A_901 : vector<16xi32>
      %gather3A_903 = tpu.vector_load_idx %arg16[%add3A_902] : memref<256xf32, #tpu.memory_space<vmem>>[vector<16xi32>], vector<16xf32>,
      %reduce_sum3A_904 = arith.constant true
      %reduce_sum3A_905 = vector.broadcast %reduce_sum3A_904 : i1 to vector<16xi1>
      %reduce_sum3A_906 = tpu.scan <sum>, %gather3A_903 masked %reduce_sum3A_905 : vector<16xf32>, vector<16xi1> -> vector<16xf32>
      %reduce_sum3A_907 = vector.extract %reduce_sum3A_906[15] : f32 from vector<16xf32>
      %mul3A_908 = arith.constant 16 : i32
      %mul3A_909 = vector.broadcast %mul3A_908 : i32 to vector<16xi32>
      %mul3A_910 = arith.muli %iota3A, %mul3A_909 : vector<16xi32>
      %broadcast_in_dim3A_911 = arith.constant 4 : i32
      %broadcast_in_dim3A_912 = vector.broadcast %broadcast_in_dim3A_911 : i32 to vector<16xi32>
      %add3A_913 = arith.addi %mul3A_910, %broadcast_in_dim3A_912 : vector<16xi32>
      %gather3A_914 = tpu.vector_load_idx %arg16[%add3A_913] : memref<256xf32, #tpu.memory_space<vmem>>[vector<16xi32>], vector<16xf32>,
      %reduce_sum3A_915 = arith.constant true
      %reduce_sum3A_916 = vector.broadcast %reduce_sum3A_915 : i1 to vector<16xi1>
      %reduce_sum3A_917 = tpu.scan <sum>, %gather3A_914 masked %reduce_sum3A_916 : vector<16xf32>, vector<16xi1> -> vector<16xf32>
      %reduce_sum3A_918 = vector.extract %reduce_sum3A_917[15] : f32 from vector<16xf32>
      %broadcast_in_dim3A_919 = vector.broadcast %reduce_sum3A_874 : f32 to vector<16xf32>
      %max3A_920 = arith.constant 1.000000e+00 : f32
      %max3A_921 = vector.broadcast %max3A_920 : f32 to vector<16xf32>
      %max3A_922 = arith.maximumf %broadcast_in_dim3A_919, %max3A_921 : vector<16xf32>
      %broadcast_in_dim3A_923 = vector.broadcast %reduce_sum3A_885 : f32 to vector<16xf32>
      %max3A_924 = arith.constant 1.000000e+00 : f32
      %max3A_925 = vector.broadcast %max3A_924 : f32 to vector<16xf32>
      %max3A_926 = arith.maximumf %broadcast_in_dim3A_923, %max3A_925 : vector<16xf32>
      %broadcast_in_dim3A_927 = vector.broadcast %reduce_sum3A_896 : f32 to vector<16xf32>
      %div3A = arith.divf %broadcast_in_dim3A_927, %max3A_922 : vector<16xf32>
      %broadcast_in_dim3A_928 = vector.broadcast %reduce_sum3A_907 : f32 to vector<16xf32>
      %div3A_929 = arith.divf %broadcast_in_dim3A_928, %max3A_926 : vector<16xf32>
      %broadcast_in_dim3A_930 = vector.broadcast %reduce_sum3A_918 : f32 to vector<16xf32>
      %div3A_931 = arith.divf %broadcast_in_dim3A_930, %max3A_922 : vector<16xf32>
      %eq3A_932 = arith.constant 0 : i32
      %eq3A_933 = vector.broadcast %eq3A_932 : i32 to vector<16xi32>
      %eq3A_934 = arith.cmpi eq, %iota3A, %eq3A_933 : vector<16xi32>
      %eq3A_935 = arith.constant 1 : i32
      %eq3A_936 = vector.broadcast %eq3A_935 : i32 to vector<16xi32>
      %eq3A_937 = arith.cmpi eq, %iota3A, %eq3A_936 : vector<16xi32>
      %eq3A_938 = arith.constant 2 : i32
      %eq3A_939 = vector.broadcast %eq3A_938 : i32 to vector<16xi32>
      %eq3A_940 = arith.cmpi eq, %iota3A, %eq3A_939 : vector<16xi32>
      %add3A_941 = arith.addf %div3A, %div3A_929 : vector<16xf32>
      %add3A_942 = arith.addf %add3A_941, %div3A_931 : vector<16xf32>
      %select_n3A_943 = arith.select %eq3A_940, %div3A_931, %add3A_942 : vector<16xi1>, vector<16xf32>
      %select_n3A_944 = arith.select %eq3A_937, %div3A_929, %select_n3A_943 : vector<16xi1>, vector<16xf32>
      %select_n3A_945 = arith.select %eq3A_934, %div3A, %select_n3A_944 : vector<16xi1>, vector<16xf32>
      %swap3A_946 = arith.constant 0 : index
      %swap3A_947 = tpu.vector_load %arg17[%swap3A_946] {strides = array<i32>} : memref<16xf32, #tpu.memory_space<vmem>>, vector<16xf32>,
      tpu.vector_store %arg17[%swap3A_946], %select_n3A_945 {strides = array<i32>} : memref<16xf32, #tpu.memory_space<vmem>>, vector<16xf32>,
      "tpu.region"() ({
        %run_scoped3A = tpu.sem_alloc : memref<!tpu.dma_semaphore, #tpu.memory_space<semaphore_mem>>
        tpu.enqueue_dma source(%arg17 : memref<16xf32, #tpu.memory_space<vmem>>) target(%arg4 : memref<16xf32, #tpu.memory_space<hbm>>) target_semaphore(%run_scoped3A : memref<!tpu.dma_semaphore, #tpu.memory_space<semaphore_mem>>)
        tpu.wait_dma2 semaphore(%run_scoped3A : memref<!tpu.dma_semaphore, #tpu.memory_space<semaphore_mem>>) src(%arg17 : memref<16xf32, #tpu.memory_space<vmem>>) dst(%arg4 : memref<16xf32, #tpu.memory_space<hbm>>)
        tpu.yield
      }) : () -> ()
    } else {
    }
    return
  }
}

</mosaic_0001>

<sc_bundles>
// kernel: kernel.3.cloned.1.call-start
scs
__scs_entry_jumppad:
0x0: {  	(pc) =	sbr.rel $0x88, $3  }
0x1: {  	(tag) =	ssettag $0x0;
	lr =	simm.s32 $0x1  }
0x2: {  	[smem:$0x3F9C] =	sst lr;
	_ =	strace $0xD0000000  }
0x3: {  	_ = 	snop  }
0x4: {  	_ = 	snop  }
0x5: {  	_ = 	snop  }
0x6: {  	_ = 	snop  }
0x7: {  	_ = 	snop  }
__scs_overlays_trampoline_lowered:
0x8: {  	[smem:$0x3FAB] =	sst s0  }
0x9: {  	[smem:$0x3FAC] =	sst s1  }
0xa: {  	[smem:$0x3FAD] =	sst s2  }
0xb: {  	[smem:$0x3FAE] =	sst s3  }
0xc: {  	[smem:$0x3FAF] =	sst s4  }
0xd: {  	[smem:$0x3FB0] =	sst s5  }
0xe: {  	[smem:$0x3FB1] =	sst s6  }
0xf: {  	[smem:$0x3FB2] =	sst s7  }
0x10: {  	[smem:$0x3FB3] =	sst s8  }
0x11: {  	[smem:$0x3FB4] =	sst s9;
	s0 =	simm.s32 @!p0 $0x0  }
0x12: {  	s1 =	sld [smem:$0x3F9A];
	s0 =	simm.s32 @p0 $0x1  }
0x13: {  	[smem:$0x3FB5] =	sst s0;
	s0 =	simm.s32 @!p1 $0x0  }
0x14: {  	s2 =	sld [smem:$0x3F99];
	s0 =	simm.s32 @p1 $0x1  }
0x15: {  	[smem:$0x3FB6] =	sst s0;
	s0 =	simm.s32 @!p2 $0x0  }
0x16: {  	s3 =	sld [smem:$0x3FDB];
	s0 =	simm.s32 @p2 $0x1  }
0x17: {  	s4 =	simm.s32 $0x1BF5;
	[smem:$0x3FB8] =	sst s0  }
0x18: {  	s0 =	sld [smem:$0x3F9B];
	_ =	swait.ge [sflag:s4], $0x0  }
0x19: {  	s7 =	sld [smem:$0x3F9C]  }
0x1a: {  	s8 =	sadd.s32 $0xFFFFE003, lr  }
0x1b: {  	s9 =	sadd.s32 $0xFFFFFEF7, lr;
	s5 =	simm.s32 $0xFFFFFFFF;
	p2 =	slt.u32 s8, $0xFFFFF086  }
0x1c: {  	p1 =	slt.u32 s9, $0xF7A;
	s5 =	simm.s32 @!p2 $0x0  }
0x1d: {  	s5 =	simm.s32 @p1 $0x1;
	p0 =	seq.s32 s7, s2  }
0x1e: {  	s7 =	smul.u32 @!p0 $0xF7A, s2;
	p2 =	seq.s32 @!p0 s5, $0x0  }
0x1f: {  	s9 =	smul.u32 $0xF7A, s1;
	s8 =	simm.s32 @!p0 $0x1BF5;
	p2 =	por !p2, p0  }
0x20: {  	[sflag:s8] =	ssyncset.s32 @!p0 $0xFFFFF086;
	s6 =	sadd.s32 @!p0 s3, s7;
	s7 =	simm.s32 @!p0 $0x108  }
0x21: {  	s3 =	sadd.s32 s3, s9;
	s6 =	sadd.s32 @!p0 $0x88, s6;
	s7 =	simm.s32 @p2 $0x1082  }
0x22: {  	[simem:s7], [sflag:s8] =	dma.local @!p0 [hbm:s6], $0xF7A  }
0x23: {  	s9 =	sor.u32 $0xD0000000, s2;
	s6 =	simm.s32 $0x108;
	_ =	swait.ge @!p0 [sflag:s8], $0x0  }
0x24: {  	s3 =	sadd.s32 $0x88, s3;
	s6 =	simm.s32 @!p1 $0x1082;
	[sflag:s4] =	ssyncset.s32 $0xFFFFF086  }
0x25: {  	[simem:s6], [sflag:s4] =	dma.local [hbm:s3], $0xF7A  }
0x26: {  	[smem:$0x3F9C] =	sst s1;
	(tag) =	ssettag s2;
	_ =	strace s9  }
0x27: {  	s1 =	sld [smem:$0x3FAC]  }
0x28: {  	s2 =	sld [smem:$0x3FAD]  }
0x29: {  	s4 =	sld [smem:$0x3FAF]  }
0x2a: {  	p0 =	seq.s32 s5, $0x0;
	s5 =	sld [smem:$0x3FB0]  }
0x2b: {  	s6 =	sld [smem:$0x3FB1]  }
0x2c: {  	s7 =	sld [smem:$0x3FB2]  }
0x2d: {  	s3 =	simm.s32 $0x108;
	s8 =	sld [smem:$0x3FB3]  }
0x2e: {  	s3 =	simm.s32 @!p0 $0x1082;
	s9 =	sld [smem:$0x3FB4]  }
0x2f: {  	lr =	sadd.s32 s0, s3;
	s0 =	sld [smem:$0x3FAB]  }
0x30: {  	s3 =	sld [smem:$0x3FAE]  }
0x31: {  	[smem:$0x3FB7] =	sst s10  }
0x32: {  	s10 =	sld [smem:$0x3FB5];
	_ =	sdelay $0x3  }
0x33: {  	p0 =	seq.s32 s10, $0x1;
	s10 =	sld [smem:$0x3FB7];
	_ =	sdelay $0x3  }
0x34: {  	[smem:$0x3FB7] =	sst s10  }
0x35: {  	s10 =	sld [smem:$0x3FB6];
	_ =	sdelay $0x3  }
0x36: {  	p1 =	seq.s32 s10, $0x1;
	s10 =	sld [smem:$0x3FB7];
	_ =	sdelay $0x3  }
0x37: {  	[smem:$0x3FB7] =	sst s10  }
0x38: {  	s10 =	sld [smem:$0x3FB8]  }
0x39: {  	_ = 	snop;
	(pc) =	sbr.ind lr, $3  }
0x3a: {  	_ = 	snop  }
0x3b: {  	_ = 	snop  }
0x3c: {  	p2 =	seq.s32 s10, $0x1;
	s10 =	sld [smem:$0x3FB7]  }
0x3d: {  	_ =	shalt  }
0x3e: {  	_ =	shalt  }
0x3f: {  	_ =	shalt  }
0x40: {  	_ =	shalt  }
0x41: {  	_ =	shalt  }
0x42: {  	_ =	shalt  }
0x43: {  	_ =	shalt  }
0x44: {  	_ =	shalt  }
0x45: {  	_ =	shalt  }
0x46: {  	_ =	shalt  }
0x47: {  	_ =	shalt  }
0x48: {  	_ =	shalt  }
0x49: {  	_ =	shalt  }
0x4a: {  	_ =	shalt  }
0x4b: {  	_ =	shalt  }
0x4c: {  	_ =	shalt  }
0x4d: {  	_ =	shalt  }
0x4e: {  	_ =	shalt  }
0x4f: {  	_ =	shalt  }
0x50: {  	_ =	shalt  }
0x51: {  	_ =	shalt  }
0x52: {  	_ =	shalt  }
0x53: {  	_ =	shalt  }
0x54: {  	_ =	shalt  }
0x55: {  	_ =	shalt  }
0x56: {  	_ =	shalt  }
0x57: {  	_ =	shalt  }
0x58: {  	_ =	shalt  }
0x59: {  	_ =	shalt  }
0x5a: {  	_ =	shalt  }
0x5b: {  	_ =	shalt  }
0x5c: {  	_ =	shalt  }
0x5d: {  	_ =	shalt  }
0x5e: {  	_ =	shalt  }
0x5f: {  	_ =	shalt  }
0x60: {  	_ =	shalt  }
0x61: {  	_ =	shalt  }
0x62: {  	_ =	shalt  }
0x63: {  	_ =	shalt  }
0x64: {  	_ =	shalt  }
0x65: {  	_ =	shalt  }
0x66: {  	_ =	shalt  }
0x67: {  	_ =	shalt  }
0x68: {  	_ =	shalt  }
0x69: {  	_ =	shalt  }
0x6a: {  	_ =	shalt  }
0x6b: {  	_ =	shalt  }
0x6c: {  	_ =	shalt  }
0x6d: {  	_ =	shalt  }
0x6e: {  	_ =	shalt  }
0x6f: {  	_ =	shalt  }
0x70: {  	_ =	shalt  }
0x71: {  	_ =	shalt  }
0x72: {  	_ =	shalt  }
0x73: {  	_ =	shalt  }
0x74: {  	_ =	shalt  }
0x75: {  	_ =	shalt  }
0x76: {  	_ =	shalt  }
0x77: {  	_ =	shalt  }
0x78: {  	_ =	shalt  }
0x79: {  	_ =	shalt  }
0x7a: {  	_ =	shalt  }
0x7b: {  	_ =	shalt  }
0x7c: {  	_ =	shalt  }
0x7d: {  	_ =	shalt  }
0x7e: {  	_ =	shalt  }
0x7f: {  	_ =	shalt  }
0x80: {  	_ =	shalt  }
0x81: {  	_ =	shalt  }
0x82: {  	_ =	shalt  }
0x83: {  	_ =	shalt  }
0x84: {  	_ =	shalt  }
0x85: {  	_ =	shalt  }
0x86: {  	_ =	shalt  }
0x87: {  	_ =	shalt  }
.Lfunc_end0:
.L_simem_size_0:
called_computation_lowered:
.L_overlay_start_0:
0x88: {  	s0 =	sld [smem:$0x3FD9]  }
0x89: {  	s1 =	sld [smem:$0x3FFE];
	_ =	sdelay $0x3  }
0x8a: {  	s0 =	sadd.s32 s1, s0  }
0x8b: {  	[smem:$0x3FC3] =	sst s0  }
0x8c: {  	_ = 	snop  }
0x8d: {  	s0 =	sld [smem:$0x3FD0];
	_ =	sdelay $0x2  }
0x8e: {  	s13 =	simm.s32 $0xA;
	s2 =	simm.s32 $0x10  }
0x8f: {  	[smem:s2], [sflag:s13] =	dma.local [hbm:s0], $0x1  }
0x90: {  	_ =	swait.eq [sflag:s13], $0x1  }
0x91: {  	[sflag:s13] =	ssyncset.done $0x0  }
0x92: {  	[sflag:s13] =	ssyncadd.s32 $0xFFFFFFFF  }
0x93: {  	s14 =	sld [smem:$0x10];
	(tm) =	ssettm $0x1  }
0x94: {  	s15 =	sld [smem:$0x3FFB];
	_ =	sdelay $0x3  }
0x95: {  	_ =	strace s15  }
0x96: {  	s1 =	sld [smem:$0x3FFC];
	_ =	sdelay $0x3  }
0x97: {  	_ =	strace s1  }
0x98: {  	s1 =	sld [smem:$0x3FFD];
	_ =	sdelay $0x3  }
0x99: {  	_ =	strace s1  }
0x9a: {  	_ =	strace $0x8FFFFFFF  }
0x9b: {  	s16 =	sld [smem:$0x3FDB];
	_ =	sdelay $0x1  }
0x9c: {  	s17 =	simm.s32 $_scs_section_size  }
0x9d: {  	s3 =	simm.s32 $_size__tile_overlayer_lowered;
	s4 =	simm.s32 $_tile_overlayer_lowered  }
0x9e: {  	s20 =	simm.s32 $0x1BFF;
	s19 =	sshll.u32 s4, $0x1;
	s1 =	sadd.s32 s17, s16  }
0x9f: {  	s5 =	simm.s32 $0x0;
	s18 =	sshll.u32 s3, $0x1;
	s3 =	sadd.s32 s19, s1  }
0xa0: {  	[timem:s5], [sflag:s20] =	dma.local [hbm:s3], s18  }
0xa1: {  	_ =	swait.ge [sflag:s20], s18  }
0xa2: {  	s2 =	ssub.s32 $0x0, s18;
	[sflag:s20] =	ssyncset.done $0x0  }
0xa3: {  	[sflag:s20] =	ssyncadd.s32 s2;
	_ =	sdelay $0x1  }
0xa4: {  	s21 =	simm.s32 $0x1B8B  }
0xa5: {  	_ =	swait.ge [sflag:s21], $0x1  }
0xa6: {  	[sflag:s21] =	ssyncset.done $0x0  }
0xa7: {  	s23 =	simm.s32 $0x1B8E;
	s22 =	sld [smem:$0x3FFE];
	[sflag:s21] =	ssyncadd.s32 $0xFFFFFFFF  }
0xa8: {  	s24 =	simm.s32 $execute0_lowered;
	[smem:$0x3FD2] =	sst s23  }
0xa9: {  	s3 =	sshll.u32 s24, $0x1;
	_ =	strace $0x80000046;
	[dreg:$0x1] =	wrdreg $0xFFFFFFFF  }
0xaa: {  	s25 =	simm.s32 $_size_execute0_lowered;
	s1 =	sadd.s32 s1, s3;
	[dreg:$0x0] =	wrdreg $0x0  }
0xab: {  	s3 =	sshll.u32 s25, $0x1;
	[dreg:$0x2] =	wrdreg s1  }
0xac: {  	[dreg:$0x3] =	wrdreg s3  }
0xad: {  	[dreg:$0x4] =	wrdreg $0xC0  }
0xae: {  	_ =	task [dreg:s5], $0x5FFFF  }
0xaf: {  	[dreg:$0x1] =	wrdreg $0xFFFFFFFF  }
0xb0: {  	[dreg:$0x0] =	wrdreg $0x60  }
0xb1: {  	[dreg:$0x2] =	wrdreg s22  }
0xb2: {  	[dreg:$0x3] =	wrdreg s14  }
0xb3: {  	[dreg:$0x4] =	wrdreg $0x6B800  }
0xb4: {  	[dreg:$0x5] =	wrdreg $0x6BA00  }
0xb5: {  	[dreg:$0x6] =	wrdreg $0x6BC00  }
0xb6: {  	[dreg:$0x7] =	wrdreg $0x9  }
0xb7: {  	_ =	task.clear_ibuf [dreg:s5], $0x8FFFF;
	_ =	strace $0x90000046  }
0xb8: {  	s26 =	simm.s32 $0x9;
	_ =	strace $0x80000048  }
0xb9: {  	_ =	swait.ge [sflag:s26], $0x1  }
0xba: {  	[sflag:s26] =	ssyncadd.s32 $0xFFFFFFFF  }
0xbb: {  	_ =	strace $0x90000048  }
0xbc: {  	_ =	sfence  }
0xbd: {  	s28 =	sld [smem:$0x0];
	_ =	sdelay $0x1  }
0xbe: {  	s29 =	srdreg.scid  }
0xbf: {  	s30 =	sshll.u32 s29, $0xD;
	s31 =	sshrl.u32 s29, $0x2  }
0xc0: {  	s2 =	sand.u32 $0x4000, s30;
	s1 =	sand.u32 $0x1, s29;
	s0 =	sadd.s32 s31, s28  }
0xc1: {  	s1 =	sor.u32 s2, s1;
	s0 =	sshll.u32 s0, $0x11  }
0xc2: {  	s0 =	sor.u32 s0, s1  }
0xc3: {  	s0 =	sadd.s32 $0x8F2B, s0  }
0xc4: {  	[sflag:s0] =	ssyncadd.remote.s32 $0x1  }
0xc5: {  	_ =	sfence.sel $0xFFFF  }
0xc6: {  	[dreg:$0x0] =	wrdreg $0xFFFFFFFF;
	(pc) =	sbr.abs _section_cstart, $3  }
0xc7: {  	[dreg:$0x1] =	wrdreg $0xFFFFFFFF  }
0xc8: {  	_ =	task.clear_ibuf [dreg:s5], $0x2FFFF;
	_ =	strace $0x9FFFFFFF  }
0xc9: {  	(tm) =	ssettm $0x7FFFFFFF  }
tec
execute0_lowered:
.L_overlay_start_1:
0x0: {  	(tag) =	ssettag $0x1  }
0x1: {  	s3 =	rddreg [dreg:$0x0]  }
0x2: {  	s7 =	rddreg [dreg:$0x1]  }
0x3: {  	s6 =	rddreg [dreg:$0x2]  }
0x4: {  	s5 =	rddreg [dreg:$0x3];
	s2 =	stileid.u32  }
0x5: {  	s1 =	rddreg [dreg:$0x4];
	s4 =	smul.u32 $0x500, s2  }
0x6: {  	s0 =	rddreg [dreg:$0x5];
	s8 =	simm.s32 $0x0;
	s10 =	simm.s32 $0x2800  }
0x7: {  	s11 =	simm.s32 $0x28000;
	[smem:$0x7FF] =	sst s8;
	s9 =	sadd.s32 s4, s3  }
0x8: {  	s17 =	simm.s32 $0x1;
	_ =	strace $0x80000047;
	s9 =	sadd.s32 $0x600, s9  }
0x9: {  	[tilespmem:s8], [sflag:$0x1] =	stream.strided.gather [hbm4b:s9+s10], $0x5000, s11, s10, $0x38;
	[tilespmem:$0x6BD0] =	vst v63  }
0xa: {  	_ =	swait.ge [sflag:s17], $0x5000  }
0xb: {  	[sflag:s17] =	ssyncset.done $0x0  }
0xc: {  	s18 =	simm.s32 $0x5000;
	[sflag:s17] =	ssyncadd.s32 $0xFFFFB000  }
0xd: {  	[tilespmem:s18], [sflag:$0x1] =	stream.linear.gather [hbm4b:s7+s8], $0x80, $0x38;
	[tilespmem:$0x6BD0] =	vst v63  }
0xe: {  	_ =	swait.ge [sflag:s17], $0x80  }
0xf: {  	[sflag:s17] =	ssyncset.done $0x0  }
0x10: {  	s19 =	simm.s32 $0x5580;
	v0 =	vimm.f32 $-1.000000000e+00;
	[sflag:s17] =	ssyncadd.s32 $0xFFFFFF80  }
0x11: {  	s20 =	simm.s32 $0x5A80;
	v1 =	vimm.s32 $0x0;
	s21 =	simm.s32 $0x0;
	[tilespmem:s19+$0x0] =	vst v0  }
0x12: {  	s22 =	simm.s32 $0x5F80;
	s10 =	sand.u32 $0x70, s21;
	s8 =	sand.u32 $0x3C00, s8;
	[tilespmem:s20+$0x0] =	vst v1  }
0x13: {  	s23 =	sor.u32 s10, s8;
	[tilespmem:s22+$0x0] =	vst v1  }
0x14: {  	s24 =	simm.s32 $0x5590;
	v2 =	vld [tilespmem:s23+$0x100]  }
0x15: {  	s25 =	simm.s32 $0x10;
	s26 =	simm.s32 $0x80;
	s28 =	simm.s32 $0x5A90;
	[tilespmem:s24+$0x0] =	vst v0;
	v3 =	vld [tilespmem:s23+$0x0]  }
0x16: {  	s29 =	simm.s32 $0x5F90;
	s9 =	sand.u32 $0x70, s25;
	s8 =	sand.u32 $0x3C00, s26;
	[tilespmem:s28+$0x0] =	vst v1;
	v4 =	vld [tilespmem:s23+$0x180]  }
0x17: {  	s8 =	sor.u32 s9, s8;
	[tilespmem:s29+$0x0] =	vst v1;
	v5 =	vld [tilespmem:s23+$0x80]  }
0x18: {  	v6 =	vld [tilespmem:s8+$0x100]  }
0x19: {  	v7 =	vld [tilespmem:s8+$0x0]  }
0x1a: {  	s30 =	simm.s32 $0x55A0;
	v8 =	vld [tilespmem:s8+$0x180]  }
0x1b: {  	s7 =	simm.s32 $0x20;
	s9 =	simm.s32 $0x5AA0;
	[tilespmem:s30+$0x0] =	vst v0;
	v9 =	vld [tilespmem:s8+$0x80];
	s8 =	simm.s32 $0x100  }
0x1c: {  	s11 =	simm.s32 $0x5FA0;
	s31 =	sand.u32 $0x70, s7;
	[tilespmem:s9+$0x0] =	vst v1;
	s12 =	sand.u32 $0x3C00, s8;
	v2 =	vsub.f32 v2, v3;
	v3 =	vsub.f32 v4, v5  }
0x1d: {  	[tilespmem:s11+$0x0] =	vst v1;
	s13 =	sor.u32 s31, s12  }
0x1e: {  	v4 =	vmul.f32 v3, v2;
	v2 =	vld [tilespmem:s13+$0x100]  }
0x1f: {  	s10 =	simm.s32 $0x5080;
	v3 =	vld [tilespmem:s13+$0x0]  }
0x20: {  	s3 =	sadd.s32 $0xA600, s3;
	s12 =	simm.s32 $0x55B0;
	v5 =	vsub.f32 v6, v7;
	v6 =	vsub.f32 v8, v9;
	[tilespmem:s10+$0x0] =	vst v4;
	v4 =	vld [tilespmem:s13+$0x180]  }
.LBB2_1:
0x21: {  	s7 =	sadd.s32 $0x10, s7;
	s8 =	sadd.s32 $0x80, s8  }
0x22: {  	[tilespmem:s12+$0x0] =	vst v0;
	v7 =	vld [tilespmem:s13+$0x80];
	s9 =	sadd.s32 $0x10, s9;
	s11 =	sadd.s32 $0x10, s11;
	p0 =	slt.u32 s7, $0x4F0  }
.Ltmp0:
0x23: {  	s13 =	sand.u32 $0x70, s7;
	[tilespmem:s9+$0x0] =	vst v1;
	s14 =	sand.u32 $0x3C00, s8;
	v8 =	vmul.f32 v6, v5;
	(pc) =	sbr.rel @p0 .LBB2_1-.Ltmp0, $4  }
0x24: {  	s10 =	sadd.s32 $0x10, s10;
	[tilespmem:s11+$0x0] =	vst v1;
	s13 =	sor.u32 s13, s14;
	v6 =	vmov v2  }
0x25: {  	v2 =	vld [tilespmem:s13+$0x100];
	[tilespmem:s10+$0x0] =	vst v8;
	v5 =	vmov v3  }
0x26: {  	v3 =	vld [tilespmem:s13+$0x0]  }
0x27: {  	s12 =	sadd.s32 $0x10, s12;
	v5 =	vsub.f32 v6, v5;
	v6 =	vsub.f32 v4, v7;
	v4 =	vld [tilespmem:s13+$0x180]  }
0x28: {  	v0 =	vld [tilespmem:s13+$0x80];
	_ =	sdelay $0x4  }
0x29: {  	v1 =	vsub.f32 v2, v3;
	v0 =	vsub.f32 v4, v0  }
0x2a: {  	v2 =	vmul.f32 v6, v5  }
0x2b: {  	s7 =	sadd.s32 $0x10, s10;
	v0 =	vmul.f32 v0, v1  }
0x2c: {  	s8 =	simm.s32 $0x5000;
	s10 =	simm.s32 $0x6500;
	s9 =	sadd.s32 $0x10, s7;
	[tilespmem:s7+$0x0] =	vst v2  }
0x2d: {  	s11 =	simm.s32 $0x0;
	s7 =	simm.s32 $0x0;
	[tilespmem:s9+$0x0] =	vst v0;
	v0 =	vlaneseq.u32;
	s9 =	simm.s32 $0x6480  }
.LBB2_3:
0x2e: {  	s12 =	sshll.u32 s11, $0x3  }
0x2f: {  	s14 =	sshllo.u32 s11, $0x1;
	s16 =	sor.u32 $0x2, s12  }
0x30: {  	v1 =	vmov s12;
	s17 =	sshll.u32 s14, $0x2;
	v3 =	vmov s16  }
0x31: {  	s13 =	sor.u32 $0x1, s12;
	v1 =	vbroadcast v1, $0x0;
	s15 =	sor.u32 $0x1, s17;
	v5 =	vbroadcast v3, $0x0;
	v3 =	vmov s17  }
0x32: {  	s20 =	sand.u32 $0x60, s7;
	s21 =	sand.u32 $0x3C00, s7;
	v2 =	vmov s13;
	s13 =	sor.u32 $0x2, s17;
	v6 =	vbroadcast v3, $0x0;
	v3 =	vmov s15  }
0x33: {  	v2 =	vbroadcast v2, $0x0;
	v7 =	vbroadcast v3, $0x0;
	v3 =	vmov s13;
	s13 =	sor.u32 s20, s21  }
0x34: {  	v16 =	vld [tilespmem:s13+$0x80]  }
0x35: {  	v17 =	vld [tilespmem:s13+$0x180]  }
0x36: {  	v19 =	vld [tilespmem:s13+$0x100]  }
0x37: {  	v23 =	vld [tilespmem:s13+$0x0]  }
0x38: {  	s12 =	sor.u32 $0x3, s12;
	s16 =	simm.s32 $0x10;
	v8 =	vbroadcast v3, $0x0;
	v3 =	vld.idx.msk [tilespmem:v1+s8+$0x0], $0xffff  }
0x39: {  	s18 =	sshllo.u32 s14, $0x2;
	s22 =	sand.u32 $0x70, s16;
	v1 =	vmov s12;
	v4 =	vld.idx.msk [tilespmem:v2+s8+$0x0], $0xffff  }
0x3a: {  	s12 =	sor.u32 s22, s21;
	v1 =	vbroadcast v1, $0x0;
	v2 =	vmov s18;
	v5 =	vld.idx.msk [tilespmem:v5+s8+$0x0], $0xffff  }
0x3b: {  	v18 =	vld [tilespmem:s12+$0x80]  }
0x3c: {  	v6 =	vld.idx.msk [tilespmem:v6+s8+$0x0], $0xffff  }
0x3d: {  	v7 =	vld.idx.msk [tilespmem:v7+s8+$0x0], $0xffff  }
0x3e: {  	v8 =	vld.idx.msk [tilespmem:v8+s8+$0x0], $0xffff  }
0x3f: {  	v9 =	vld.idx.msk [tilespmem:v2+s8+$0x0], $0xffff  }
0x40: {  	v31 =	vmax.f32 v23, v3;
	v10 =	vld.idx.msk [tilespmem:v1+s8+$0x0], $0xffff  }
0x41: {  	v22 =	vld [tilespmem:s12+$0x180];
	v13 =	vsub.f32 v5, v3;
	v28 =	vmax.f32 v18, v4;
	v29 =	vmin.f32 v19, v5  }
0x42: {  	v29 =	vsub.f32 v29, v31;
	v23 =	vmax.f32 v23, v6;
	v25 =	vmax.f32 v16, v7  }
0x43: {  	v20 =	vld [tilespmem:s12+$0x100];
	v16 =	vmax.f32 v16, v4;
	v1 =	vsub.f32 v8, v6;
	v19 =	vmin.f32 v19, v8  }
0x44: {  	s19 =	simm.s32 $0x5090;
	v19 =	vsub.f32 v19, v23;
	v2 =	vsub.f32 v9, v7;
	v26 =	vmin.f32 v17, v9  }
0x45: {  	v11 =	vld [tilespmem:s19+$0xFFFFFFF0];
	v18 =	vmax.f32 v18, v7;
	v14 =	vsub.f32 v10, v4;
	v25 =	vsub.f32 v26, v25  }
0x46: {  	s23 =	sshll.u32 s11, $0x1;
	v17 =	vmin.f32 v17, v10;
	v30 =	vmin.f32 v22, v10;
	v22 =	vmin.f32 v22, v9  }
0x47: {  	s24 =	simm.s32 $0x100;
	v26 =	vld [tilespmem:s12+$0x0];
	s12 =	simm.s32 $0x20;
	v12 =	vmul.f32 v2, v1;
	v2 =	vmov s23;
	v1 =	vmov s14  }
0x48: {  	s28 =	simm.s32 $0x30;
	s13 =	sand.u32 $0x3C00, s24;
	v16 =	vsub.f32 v17, v16;
	v17 =	vmin.f32 v20, v5;
	v20 =	vmin.f32 v20, v8;
	s26 =	sand.u32 $0x60, s12  }
0x49: {  	v15 =	vld [tilespmem:s19+$0x0];
	s29 =	sand.u32 $0x70, s28;
	v28 =	vsub.f32 v30, v28;
	v13 =	vmul.f32 v14, v13;
	v14 =	vimm.f32 $-2.000000000e+00;
	s15 =	sor.u32 s26, s13  }
0x4a: {  	v25 =	vmax.f32 v25, $0.0e+00;
	s13 =	sor.u32 s29, s13;
	v21 =	vadd.f32 v11, v12;
	v16 =	vmax.f32 v16, $0.0e+00;
	v31 =	vld [tilespmem:s15+$0x100]  }
0x4b: {  	v28 =	vmax.f32 v28, $0.0e+00;
	v33 =	vld [tilespmem:s13+$0x180];
	v24 =	vadd.f32 v11, v13;
	v11 =	vimm.s32 $0x5000  }
0x4c: {  	v55 =	vld [tilespmem:s13+$0x0];
	v30 =	vmax.f32 v26, v3;
	v23 =	vmax.f32 v26, v6;
	v26 =	vmax.f32 v29, $0.0e+00  }
0x4d: {  	s25 =	simm.s32 $0x50B0;
	v36 =	vld [tilespmem:s15+$0x0];
	v17 =	vsub.f32 v17, v30;
	v26 =	vmul.f32 v16, v26;
	v16 =	vmax.f32 v19, $0.0e+00  }
0x4e: {  	v27 =	vadd.f32 v15, v13;
	v29 =	vld [tilespmem:s25+$0xFFFFFFF0];
	v20 =	vsub.f32 v20, v23;
	v25 =	vmul.f32 v25, v16  }
0x4f: {  	v19 =	vld [tilespmem:s25+$0x0];
	v16 =	vsub.f32 v22, v18;
	v17 =	vmax.f32 v17, $0.0e+00;
	v18 =	vsub.f32 v24, v26  }
0x50: {  	v23 =	vld [tilespmem:s15+$0x80];
	v24 =	vadd.f32 v15, v12;
	v20 =	vmax.f32 v20, $0.0e+00;
	v35 =	vmin.f32 v31, v5  }
0x51: {  	v30 =	vld [tilespmem:s13+$0x80];
	v37 =	vmin.f32 v33, v10;
	v33 =	vmin.f32 v33, v9;
	v38 =	vmax.f32 v55, v6  }
0x52: {  	v58 =	vmax.f32 v36, v3;
	v28 =	vmul.f32 v28, v17;
	v15 =	vsub.f32 v21, v25  }
0x53: {  	v22 =	vld [tilespmem:s15+$0x180];
	v21 =	vmax.f32 v16, $0.0e+00;
	(erf) = vrcp.f32 v18;
	v16 =	vadd.f32 v29, v12  }
0x54: {  	v59 =	vmax.f32 v36, v6;
	v29 =	vadd.f32 v29, v13;
	v18 =	vsub.f32 v27, v28  }
0x55: {  	v34 =	vmul.f32 v21, v20;
	(erf) = vrcp.f32 v15;
	v15 =	vmax.f32 v23, v7  }
0x56: {  	v27 =	vld [tilespmem:s13+$0x100];
	v17 =	vadd.f32 v19, v13;
	v20 =	vmax.f32 v30, v4;
	(erf) = vrcp.f32 v18  }
0x57: {  	v23 =	vmax.f32 v23, v4;
	v30 =	vmax.f32 v30, v7;
	v24 =	vsub.f32 v24, v34  }
0x58: {  	s30 =	sadd.s32 $0x0, s4;
	v19 =	vadd.f32 v19, v12;
	v32 =	vmin.f32 v22, v9;
	v22 =	vmin.f32 v22, v10  }
0x59: {  	s31 =	sadd.s32 $0x10, s30;
	v20 =	vsub.f32 v37, v20;
	v33 =	vsub.f32 v33, v30;
	(erf) = vrcp.f32 v24  }
0x5a: {  	s13 =	simm.s32 $0x5590;
	v21 =	vsub.f32 v32, v15;
	v15 =	vor.u32 s31, v0;
	v18 =	vor.u32 s30, v0  }
0x5b: {  	v56 =	vld [tilespmem:s13+$0xFFFFFFF0];
	v22 =	vsub.f32 v22, v23;
	v23 =	vmin.f32 v27, v5;
	v27 =	vmin.f32 v27, v8  }
0x5c: {  	v24 =	vmin.f32 v31, v8;
	v57 =	vmax.f32 v20, $0.0e+00;
	v20 =	vsub.f32 v27, v38;
	v31 =	vpop (erf)  }
0x5d: {  	v22 =	vmax.f32 v22, $0.0e+00;
	v39 =	vmul.f32 v31, v26;
	v31 =	vmax.f32 v55, v3  }
0x5e: {  	s14 =	simm.s32 $0x5A90;
	v40 =	vld [tilespmem:s13+$0x0];
	v63 =	vsub.f32 v24, v59;
	v26 =	vpop (erf);
	v31 =	vsub.f32 v23, v31;
	v23 =	vmax.f32 v20, $0.0e+00  }
0x5f: {  	v27 =	vld [tilespmem:s14+$0x0];
	v20 =	vmul.f32 v26, v25;
	v25 =	vsub.f32 v35, v58;
	v26 =	vmax.f32 v33, $0.0e+00;
	v30 =	vpop (erf)  }
0x60: {  	v35 =	vmax.f32 v63, $0.0e+00;
	vm0 =	vgt.f32 v39, v56;
	v30 =	vmul.f32 v30, v28;
	v28 =	vld [tilespmem:s14+$0xFFFFFFF0]  }
0x61: {  	vm15 =	vgt.f32 v39, v14;
	v60 =	vmax.f32 v31, $0.0e+00;
	v61 =	vmax.f32 v25, $0.0e+00  }
0x62: {  	v31 =	vmax.f32 v21, $0.0e+00;
	v62 =	vpop (erf);
	v33 =	vsel vm15, v39, v14;
	v22 =	vmul.f32 v22, v61  }
0x63: {  	v21 =	vmul.f32 v57, v60;
	v24 =	vmul.f32 v62, v34;
	vm1 =	vgt.f32 v30, v40  }
0x64: {  	s17 =	simm.s32 $0x200;
	s16 =	simm.s32 $0x5AB0;
	v34 =	vsel vm15, v18, v11;
	v25 =	vsel vm1, v2, v27;
	v27 =	vsel vm1, v30, v40  }
0x65: {  	s20 =	simm.s32 $0x40;
	s18 =	simm.s32 $0x50D0;
	s15 =	simm.s32 $0x55B0;
	v32 =	vsub.f32 v29, v22;
	v29 =	vsel vm0, v2, v28;
	v28 =	vsel vm0, v39, v56  }
.LBB2_4:
0x66: {  	s19 =	sand.u32 $0x60, s20  }
0x67: {  	s21 =	sand.u32 $0x3C00, s17;
	v36 =	vld [tilespmem:s18+$0xFFFFFFF0];
	s22 =	sadd.s32 $0x10, s20;
	vm0 =	vgt.f32 v20, v28;
	vm1 =	vgt.f32 v20, v14;
	vm2 =	vgt.f32 v24, v27;
	s23 =	smov.u32 s20  }
0x68: {  	s24 =	sor.u32 s19, s21;
	s22 =	sand.u32 $0x70, s22;
	v37 =	vld [tilespmem:s18+$0x0];
	s19 =	sadd.s32 $0x20, s20;
	v14 =	vsel vm1, v20, v14;
	v11 =	vsel vm1, v18, v11;
	vm1 =	vgt.f32 v30, v33  }
0x69: {  	p0 =	slt.u32 s20, $0x4E0;
	v31 =	vmul.f32 v31, v35;
	v25 =	vsel vm2, v1, v25;
	v18 =	vld [tilespmem:s24+$0x80];
	s21 =	sor.u32 s22, s21;
	vm3 =	vgt.f32 v24, v14  }
0x6a: {  	v38 =	vsub.f32 v17, v21;
	v17 =	vsel vm2, v24, v27;
	v34 =	vsel vm1, v15, v34;
	v35 =	vld [tilespmem:s24+$0x180]  }
0x6b: {  	v29 =	vsel vm0, v1, v29;
	v39 =	vsub.f32 v16, v31;
	v33 =	vsel vm1, v30, v33;
	v27 =	vld [tilespmem:s21+$0x80];
	[tilespmem:s13+$0x0] =	vst v17  }
0x6c: {  	v17 =	vsel vm0, v20, v28;
	v30 =	vld [tilespmem:s24+$0x100];
	v16 =	vadd.f32 v36, v12;
	(erf) = vrcp.f32 v32;
	[tilespmem:s14+$0x0] =	vst v25  }
0x6d: {  	v14 =	vsel vm3, v24, v14;
	v11 =	vsel vm3, v15, v11;
	v25 =	vld [tilespmem:s24+$0x0];
	(erf) = vrcp.f32 v39;
	[tilespmem:s13+$0xFFFFFFF0] =	vst v17;
	s13 =	smov.u32 s15  }
0x6e: {  	s20 =	sadd.s32 s12, s4;
	s12 =	smov.u32 s23;
	v28 =	vadd.f32 v36, v13;
	v17 =	vadd.f32 v37, v13;
	v15 =	vmax.f32 v18, v7;
	v20 =	vld [tilespmem:s21+$0x100];
	[tilespmem:s14+$0xFFFFFFF0] =	vst v29;
	s14 =	smov.u32 s16  }
0x6f: {  	s22 =	sadd.s32 $0x10, s20;
	v32 =	vmul.f32 v26, v23;
	v24 =	vmin.f32 v35, v9;
	v29 =	vld [tilespmem:s21+$0x180];
	(erf) = vrcp.f32 v38  }
0x70: {  	v24 =	vsub.f32 v24, v15;
	v23 =	vld [tilespmem:s21+$0x0];
	v26 =	vmax.f32 v27, v4;
	v15 =	vor.u32 s22, v0  }
0x71: {  	v19 =	vsub.f32 v19, v32;
	v35 =	vmin.f32 v35, v10;
	v36 =	vmin.f32 v30, v5  }
0x72: {  	v38 =	vmax.f32 v18, v4;
	v18 =	vor.u32 s20, v0;
	v27 =	vmax.f32 v27, v7  }
0x73: {  	v35 =	vsub.f32 v35, v38;
	v38 =	vmin.f32 v20, v5;
	v20 =	vmin.f32 v20, v8  }
0x74: {  	v39 =	vmin.f32 v29, v10;
	v29 =	vmin.f32 v29, v9;
	(erf) = vrcp.f32 v19  }
0x75: {  	v40 =	vmin.f32 v30, v8;
	v35 =	vmax.f32 v35, $0.0e+00;
	v26 =	vsub.f32 v39, v26;
	v39 =	vld [tilespmem:s15+$0xFFFFFFF0];
	v30 =	vpop (erf)  }
0x76: {  	v19 =	vadd.f32 v37, v12;
	v41 =	vmax.f32 v23, v6;
	v37 =	vmul.f32 v30, v22;
	v42 =	vld [tilespmem:s15+$0x0];
	v22 =	vpop (erf)  }
0x77: {  	v23 =	vmax.f32 v23, v3;
	v20 =	vsub.f32 v20, v41;
	v43 =	vmax.f32 v26, $0.0e+00;
	v41 =	vld [tilespmem:s16+$0x0]  }
0x78: {  	v27 =	vsub.f32 v29, v27;
	v38 =	vsub.f32 v38, v23;
	v26 =	vmax.f32 v25, v3;
	v29 =	vpop (erf)  }
0x79: {  	v23 =	vmax.f32 v20, $0.0e+00;
	v20 =	vmul.f32 v22, v31;
	v30 =	vmul.f32 v29, v21  }
0x7a: {  	v21 =	vsub.f32 v36, v26;
	v26 =	vmax.f32 v27, $0.0e+00;
	v29 =	vld [tilespmem:s16+$0xFFFFFFF0];
	vm0 =	vgt.f32 v37, v39  }
0x7b: {  	v36 =	vmax.f32 v25, v6;
	v27 =	vmax.f32 v38, $0.0e+00;
	vm1 =	vgt.f32 v30, v42  }
.Ltmp1:
0x7c: {  	v31 =	vmax.f32 v24, $0.0e+00;
	v21 =	vmax.f32 v21, $0.0e+00;
	v25 =	vsel vm1, v2, v41;
	(pc) =	sbr.rel @p0 .LBB2_4-.Ltmp1, $4  }
0x7d: {  	v22 =	vmul.f32 v35, v21;
	v21 =	vmul.f32 v43, v27;
	v27 =	vsel vm1, v30, v42;
	v24 =	vpop (erf)  }
0x7e: {  	s15 =	sadd.s32 $0x20, s15;
	v35 =	vsub.f32 v40, v36;
	vm1 =	vgt.f32 v37, v33;
	v24 =	vmul.f32 v24, v32  }
0x7f: {  	s17 =	sadd.s32 $0x100, s17;
	v33 =	vsel vm1, v37, v33;
	v32 =	vsub.f32 v28, v22;
	v29 =	vsel vm0, v2, v29  }
0x80: {  	s18 =	sadd.s32 $0x20, s18;
	s20 =	smov.u32 s19;
	s16 =	sadd.s32 $0x20, s16;
	v34 =	vsel vm1, v18, v34;
	v35 =	vmax.f32 v35, $0.0e+00;
	v28 =	vsel vm0, v37, v39  }
0x81: {  	v3 =	vmul.f32 v31, v35;
	_ =	sdelay $0x1  }
0x82: {  	v4 =	vsub.f32 v16, v3  }
0x83: {  	v5 =	vsub.f32 v17, v21;
	(erf) = vrcp.f32 v32  }
0x84: {  	(erf) = vrcp.f32 v4  }
0x85: {  	(erf) = vrcp.f32 v5;
	_ =	sdelay $0x6  }
0x86: {  	v44 =	vpop (erf)  }
0x87: {  	vm0 =	vgt.f32 v30, v33;
	v45 =	vmul.f32 v26, v23;
	v4 =	vmul.f32 v44, v22;
	v6 =	vpop (erf)  }
0x88: {  	v7 =	vsel vm0, v30, v33;
	v8 =	vpop (erf)  }
0x89: {  	v9 =	vsub.f32 v19, v45;
	vm1 =	vgt.f32 v4, v7;
	v8 =	vmul.f32 v8, v21  }
0x8a: {  	v7 =	vsel vm1, v4, v7  }
0x8b: {  	(erf) = vrcp.f32 v9;
	vm2 =	vgt.f32 v8, v7  }
0x8c: {  	v7 =	vsel vm2, v8, v7  }
0x8d: {  	(xrf0) =	vmax.scan.msk.f32 $0xffff, v7;
	_ =	sdelay $0x3  }
0x8e: {  	vm3 =	vgt.f32 v20, v14;
	s12 =	sadd.s32 s12, s4  }
0x8f: {  	v46 =	vsel vm3, v20, v14;
	v10 =	vsel vm0, v15, v34;
	v12 =	vor.u32 s12, v0;
	s12 =	sadd.s32 $0x10, s12  }
0x90: {  	vm5 =	vgt.f32 v24, v46;
	v13 =	vor.u32 s12, v0;
	v3 =	vmul.f32 v6, v3;
	v47, _, _ =	vpop (xrf0)  }
0x91: {  	v9 =	vsel vm5, v24, v46;
	v10 =	vsel vm1, v12, v10;
	v48 =	vpop (erf);
	v6 =	vbroadcast v47, $0xF  }
0x92: {  	vm6 =	vgt.f32 v3, v9;
	v10 =	vsel vm2, v13, v10;
	v5 =	vmul.f32 v48, v45  }
0x93: {  	v9 =	vsel vm6, v3, v9;
	v49 =	vxor.u32 $0x80000000, v10;
	vm7 =	veq.f32 v7, v6  }
0x94: {  	vm8 =	vgt.f32 v5, v9;
	v7 =	vnsel vm7, $0x80005000, v49  }
0x95: {  	v9 =	vsel vm8, v5, v9;
	(xrf0) =	vmin.scan.msk.u32 $0xffff, v7  }
0x96: {  	(xrf0) =	vmax.scan.msk.f32 $0xffff, v9;
	_ =	sdelay $0x4  }
0x97: {  	v50 =	vsel vm3, v18, v11;
	v7, _, _ =	vpop (xrf0)  }
0x98: {  	v10 =	vsel vm5, v15, v50;
	v51, _, _ =	vpop (xrf0)  }
0x99: {  	v10 =	vsel vm6, v12, v10;
	v11 =	vbroadcast v51, $0xF  }
0x9a: {  	v10 =	vsel vm8, v13, v10  }
0x9b: {  	v52 =	vxor.u32 $0x80000000, v10;
	vm9 =	veq.f32 v9, v11  }
0x9c: {  	v9 =	vnsel vm9, $0x80005000, v52  }
0x9d: {  	(xrf0) =	vmin.scan.msk.u32 $0xffff, v9;
	_ =	sdelay $0x4  }
0x9e: {  	(v2sf) =	vpush v7, $0xF  }
0x9f: {  	v53, _, _ =	vpop (xrf0)  }
0xa0: {  	(v2sf) =	vpush v53, $0xF;
	_ =	sdelay $0x1  }
0xa1: {  	v55 =	vld [tilespmem:s15+$0xFFFFFFF0]  }
0xa2: {  	v54 =	vld [tilespmem:s15+$0x0]  }
0xa3: {  	v56 =	vld [tilespmem:s16+$0x0]  }
0xa4: {  	vm10 =	vgt.f32 v24, v27;
	v60 =	vld [tilespmem:s16+$0xFFFFFFF0]  }
0xa5: {  	vm11 =	vgt.f32 v20, v28;
	v62 =	vand.u32 $0xFFFFFFFE, v2;
	v57 =	vsel vm10, v24, v27  }
0xa6: {  	v58 =	vsel vm10, v1, v25;
	v61 =	vsel vm11, v20, v28;
	[tilespmem:s13+$0x0] =	vst v57;
	vm13 =	vgt.f32 v4, v55  }
0xa7: {  	v59 =	vsel vm11, v1, v29;
	[tilespmem:s13+$0xFFFFFFF0] =	vst v61;
	v4 =	vsel vm13, v4, v55;
	vm12 =	vgt.f32 v8, v54  }
0xa8: {  	[tilespmem:s14+$0x0] =	vst v58;
	vm15 =	vgt.f32 v3, v4;
	v7 =	vsel vm12, v8, v54;
	v8 =	vbroadcast v62, $0x0  }
0xa9: {  	[tilespmem:s14+$0xFFFFFFF0] =	vst v59;
	v3 =	vsel vm15, v3, v4;
	v10 =	vsel vm12, v2, v56;
	v2 =	vsel vm13, v2, v60  }
0xaa: {  	[tilespmem:s15+$0xFFFFFFF0] =	vst v3;
	v2 =	vsel vm15, v1, v2;
	vm14 =	vgt.f32 v5, v7  }
0xab: {  	s11 =	sadd.s32 $0x1, s11;
	[tilespmem:s16+$0xFFFFFFF0] =	vst v2;
	v5 =	vsel vm14, v5, v7  }
0xac: {  	p0 =	sne.s32 s11, $0xA;
	v63 =	vsel vm14, v1, v10;
	[tilespmem:s15+$0x0] =	vst v5;
	s30 =	spop (v2sf)  }
.Ltmp2:
0xad: {  	[tilespmem:s16+$0x0] =	vst v63;
	s12 =	sxor.u32 $0x80000000, s30;
	(pc) =	sbr.rel @p0 .LBB2_3-.Ltmp2, $4  }
0xae: {  	[tilespmem:v8+s9+$0x0] =	vst.idx.msk $0x1, v6;
	v2 =	vmov s12;
	s31 =	spop (v2sf)  }
0xaf: {  	[tilespmem:v8+s10+$0x0] =	vst.idx.msk $0x1, v2;
	s12 =	sxor.u32 $0x80000000, s31  }
0xb0: {  	[tilespmem:v1+s9+$0x0] =	vst.idx.msk $0x1, v11;
	v2 =	vmov s12  }
0xb1: {  	[tilespmem:v1+s10+$0x0] =	vst.idx.msk $0x1, v2  }
0xb2: {  	s7 =	sshll.u32 s2, $0x5  }
0xb3: {  	s9 =	simm.s32 $0x6480;
	s19 =	simm.s32 $0x1;
	s8 =	sadd.s32 s7, s6  }
0xb4: {  	[spmem:s8] =	stream.linear.scatter [tilespmem:s9], [sflag:$0x1], $0x20, $0x38;
	[tilespmem:$0x6BD0] =	vst v63  }
0xb5: {  	_ =	swait.ge [sflag:s19], $0x20  }
0xb6: {  	[sflag:s19] =	ssyncset.done $0x0  }
0xb7: {  	s20 =	simm.s32 $0x6500;
	s7 =	sadd.s32 s7, s5;
	[sflag:s19] =	ssyncadd.s32 $0xFFFFFFE0  }
0xb8: {  	[spmem:s7] =	stream.linear.scatter [tilespmem:s20], [sflag:$0x1], $0x20, $0x38;
	[tilespmem:$0x6BD0] =	vst v63  }
0xb9: {  	_ =	swait.ge [sflag:s19], $0x20  }
0xba: {  	[sflag:s19] =	ssyncset.done $0x0  }
0xbb: {  	[sflag:s19] =	ssyncadd.s32 $0xFFFFFFE0  }
0xbc: {  	s21 =	simm.s32 $0x6580;
	[bflag:$0x0] =	sbarrier.arrive $0xFFFF  }
0xbd: {  	[tilespmem:s21], [sflag:$0x1] =	stream.linear.gather [spmem:s6], $0x200, $0x38;
	[tilespmem:$0x6BD0] =	vst v63  }
0xbe: {  	v0 =	vlaneseq.u32;
	_ =	swait.ge [sflag:s19], $0x200  }
0xbf: {  	v0 =	vmul.u32 $0x20, v0;
	[sflag:s19] =	ssyncset.done $0x0  }
0xc0: {  	s22 =	simm.s32 $0x6780;
	[sflag:s19] =	ssyncadd.s32 $0xFFFFFE00  }
0xc1: {  	[tilespmem:s22], [sflag:$0x1] =	stream.linear.gather [spmem:s5], $0x200, $0x38;
	[tilespmem:$0x6BD0] =	vst v63  }
0xc2: {  	_ =	swait.ge [sflag:s19], $0x200  }
0xc3: {  	[sflag:s19] =	ssyncset.done $0x0  }
0xc4: {  	[sflag:s19] =	ssyncadd.s32 $0xFFFFFE00  }
0xc5: {  	v1 =	vld.idx.msk [tilespmem:v0+s21+$0x0], $0xffff;
	_ =	sdelay $0x4  }
0xc6: {  	(xrf0) =	vmax.scan.msk.f32 $0xffff, v1;
	_ =	sdelay $0x3  }
0xc7: {  	v2 =	vld.idx.msk [tilespmem:v0+s22+$0x0], $0xffff;
	_ =	sdelay $0x1  }
0xc8: {  	v3, _, _ =	vpop (xrf0)  }
0xc9: {  	v3 =	vbroadcast v3, $0xF;
	_ =	sdelay $0x1  }
0xca: {  	vm0 =	veq.f32 v1, v3;
	v1 =	vxor.u32 $0x80000000, v2  }
0xcb: {  	v1 =	vnsel vm0, $0x80005000, v1  }
0xcc: {  	(xrf0) =	vmin.scan.msk.u32 $0xffff, v1;
	_ =	sdelay $0x5  }
0xcd: {  	v1, _, _ =	vpop (xrf0)  }
0xce: {  	(v2sf) =	vpush v1, $0xF;
	_ =	sdelay $0xe  }
0xcf: {  	s23 =	spop (v2sf)  }
0xd0: {  	s5 =	sxor.u32 $0x80000000, s23  }
0xd1: {  	s5 =	ssub.s32 s5, s4  }
0xd2: {  	p1 =	sgt.s32 s5, $0x0  }
0xd3: {  	vm0 =	vmxor vm0, vm0;
	p0 =	slt.u32 s5, $0x500;
	s5 =	simm.s32 @!p1 $0x0  }
0xd4: {  	vm2 =	vmmov vm0;
	s5 =	smin.u32 s5, $0x4FF  }
0xd5: {  	vm1 =	vmmov $0x1;
	vm2 =	vmneg @p0 vm2;
	v1 =	vmov s5  }
0xd6: {  	vm2 =	vmand vm2, vm1;
	v2 =	vbroadcast v1, $0x0;
	_ =	sdelay $0x2  }
0xd7: {  	v3 =	vor.u32 $0x1, v0;
	_ =	sdelay $0x1  }
0xd8: {  	s5 =	simm.s32 $0x5A80;
	v1 =	vimm.s32 $0x0  }
0xd9: {  	s6 =	simm.s32 $0x5F80;
	[tilespmem:v2+s5+$0x0] =	vst.idx.msk vm2, v1;
	v1 =	vimm.s32 $0x1  }
0xda: {  	[tilespmem:v2+s6+$0x0] =	vst.idx.msk vm2, v1  }
0xdb: {  	v2 =	vld.idx.msk [tilespmem:v3+s21+$0x0], $0xffff;
	_ =	sdelay $0x4  }
0xdc: {  	(xrf0) =	vmax.scan.msk.f32 $0xffff, v2;
	_ =	sdelay $0x3  }
0xdd: {  	v3 =	vld.idx.msk [tilespmem:v3+s22+$0x0], $0xffff;
	_ =	sdelay $0x1  }
0xde: {  	v4, _, _ =	vpop (xrf0)  }
0xdf: {  	v4 =	vbroadcast v4, $0xF;
	_ =	sdelay $0x1  }
0xe0: {  	vm2 =	veq.f32 v2, v4;
	v2 =	vxor.u32 $0x80000000, v3  }
0xe1: {  	v2 =	vnsel vm2, $0x80005000, v2  }
0xe2: {  	(xrf0) =	vmin.scan.msk.u32 $0xffff, v2;
	_ =	sdelay $0x5  }
0xe3: {  	v2, _, _ =	vpop (xrf0)  }
0xe4: {  	(v2sf) =	vpush v2, $0xF;
	_ =	sdelay $0xe  }
0xe5: {  	s24 =	spop (v2sf)  }
0xe6: {  	s9 =	sxor.u32 $0x80000000, s24  }
0xe7: {  	s9 =	ssub.s32 s9, s4  }
0xe8: {  	p1 =	sgt.s32 s9, $0x0  }
0xe9: {  	p0 =	slt.u32 s9, $0x500;
	s9 =	simm.s32 @!p1 $0x0  }
0xea: {  	vm2 =	vmmov vm0;
	s9 =	smin.u32 s9, $0x4FF  }
0xeb: {  	vm2 =	vmneg @p0 vm2;
	v2 =	vmov s9  }
0xec: {  	vm2 =	vmand vm2, vm1;
	v2 =	vbroadcast v2, $0x0;
	_ =	sdelay $0x2  }
0xed: {  	v3 =	vor.u32 $0x2, v0;
	_ =	sdelay $0x2  }
0xee: {  	[tilespmem:v2+s5+$0x0] =	vst.idx.msk vm2, v1  }
0xef: {  	[tilespmem:v2+s6+$0x0] =	vst.idx.msk vm2, v1  }
0xf0: {  	v2 =	vld.idx.msk [tilespmem:v3+s21+$0x0], $0xffff;
	_ =	sdelay $0x4  }
0xf1: {  	(xrf0) =	vmax.scan.msk.f32 $0xffff, v2;
	_ =	sdelay $0x3  }
0xf2: {  	v3 =	vld.idx.msk [tilespmem:v3+s22+$0x0], $0xffff;
	_ =	sdelay $0x1  }
0xf3: {  	v4, _, _ =	vpop (xrf0)  }
0xf4: {  	v4 =	vbroadcast v4, $0xF;
	_ =	sdelay $0x1  }
0xf5: {  	vm2 =	veq.f32 v2, v4;
	v2 =	vxor.u32 $0x80000000, v3  }
0xf6: {  	v2 =	vnsel vm2, $0x80005000, v2  }
0xf7: {  	(xrf0) =	vmin.scan.msk.u32 $0xffff, v2;
	_ =	sdelay $0x5  }
0xf8: {  	v2, _, _ =	vpop (xrf0)  }
0xf9: {  	(v2sf) =	vpush v2, $0xF;
	_ =	sdelay $0xe  }
0xfa: {  	s25 =	spop (v2sf)  }
0xfb: {  	s9 =	sxor.u32 $0x80000000, s25  }
0xfc: {  	s9 =	ssub.s32 s9, s4  }
0xfd: {  	p1 =	sgt.s32 s9, $0x0  }
0xfe: {  	p0 =	slt.u32 s9, $0x500;
	s9 =	simm.s32 @!p1 $0x0  }
0xff: {  	vm2 =	vmmov vm0;
	s9 =	smin.u32 s9, $0x4FF  }
0x100: {  	vm2 =	vmneg @p0 vm2;
	v2 =	vmov s9  }
0x101: {  	vm2 =	vmand vm2, vm1;
	v2 =	vbroadcast v2, $0x0;
	_ =	sdelay $0x2  }
0x102: {  	v3 =	vor.u32 $0x3, v0;
	_ =	sdelay $0x1  }
0x103: {  	v4 =	vimm.s32 $0x2  }
0x104: {  	[tilespmem:v2+s5+$0x0] =	vst.idx.msk vm2, v4  }
0x105: {  	[tilespmem:v2+s6+$0x0] =	vst.idx.msk vm2, v1  }
0x106: {  	v2 =	vld.idx.msk [tilespmem:v3+s21+$0x0], $0xffff;
	_ =	sdelay $0x4  }
0x107: {  	(xrf0) =	vmax.scan.msk.f32 $0xffff, v2;
	_ =	sdelay $0x3  }
0x108: {  	v3 =	vld.idx.msk [tilespmem:v3+s22+$0x0], $0xffff;
	_ =	sdelay $0x1  }
0x109: {  	v4, _, _ =	vpop (xrf0)  }
0x10a: {  	v4 =	vbroadcast v4, $0xF;
	_ =	sdelay $0x1  }
0x10b: {  	vm2 =	veq.f32 v2, v4;
	v2 =	vxor.u32 $0x80000000, v3  }
0x10c: {  	v2 =	vnsel vm2, $0x80005000, v2  }
0x10d: {  	(xrf0) =	vmin.scan.msk.u32 $0xffff, v2;
	_ =	sdelay $0x5  }
0x10e: {  	v2, _, _ =	vpop (xrf0)  }
0x10f: {  	(v2sf) =	vpush v2, $0xF;
	_ =	sdelay $0xe  }
0x110: {  	s26 =	spop (v2sf)  }
0x111: {  	s9 =	sxor.u32 $0x80000000, s26  }
0x112: {  	s9 =	ssub.s32 s9, s4  }
0x113: {  	p1 =	sgt.s32 s9, $0x0  }
0x114: {  	p0 =	slt.u32 s9, $0x500;
	s9 =	simm.s32 @!p1 $0x0  }
0x115: {  	vm2 =	vmmov vm0;
	s9 =	smin.u32 s9, $0x4FF  }
0x116: {  	vm2 =	vmneg @p0 vm2;
	v2 =	vmov s9  }
0x117: {  	vm2 =	vmand vm2, vm1;
	v2 =	vbroadcast v2, $0x0;
	_ =	sdelay $0x2  }
0x118: {  	v3 =	vor.u32 $0x4, v0;
	_ =	sdelay $0x1  }
0x119: {  	v4 =	vimm.s32 $0x3  }
0x11a: {  	[tilespmem:v2+s5+$0x0] =	vst.idx.msk vm2, v4  }
0x11b: {  	[tilespmem:v2+s6+$0x0] =	vst.idx.msk vm2, v1  }
0x11c: {  	v2 =	vld.idx.msk [tilespmem:v3+s21+$0x0], $0xffff;
	_ =	sdelay $0x4  }
0x11d: {  	(xrf0) =	vmax.scan.msk.f32 $0xffff, v2;
	_ =	sdelay $0x3  }
0x11e: {  	v3 =	vld.idx.msk [tilespmem:v3+s22+$0x0], $0xffff;
	_ =	sdelay $0x1  }
0x11f: {  	v4, _, _ =	vpop (xrf0)  }
0x120: {  	v4 =	vbroadcast v4, $0xF;
	_ =	sdelay $0x1  }
0x121: {  	vm2 =	veq.f32 v2, v4;
	v2 =	vxor.u32 $0x80000000, v3  }
0x122: {  	v2 =	vnsel vm2, $0x80005000, v2  }
0x123: {  	(xrf0) =	vmin.scan.msk.u32 $0xffff, v2;
	_ =	sdelay $0x5  }
0x124: {  	v2, _, _ =	vpop (xrf0)  }
0x125: {  	(v2sf) =	vpush v2, $0xF;
	_ =	sdelay $0xe  }
0x126: {  	s28 =	spop (v2sf)  }
0x127: {  	s9 =	sxor.u32 $0x80000000, s28  }
0x128: {  	s9 =	ssub.s32 s9, s4  }
0x129: {  	p1 =	sgt.s32 s9, $0x0  }
0x12a: {  	p0 =	slt.u32 s9, $0x500;
	s9 =	simm.s32 @!p1 $0x0  }
0x12b: {  	vm2 =	vmmov vm0;
	s9 =	smin.u32 s9, $0x4FF  }
0x12c: {  	vm2 =	vmneg @p0 vm2;
	v2 =	vmov s9  }
0x12d: {  	vm2 =	vmand vm2, vm1;
	v2 =	vbroadcast v2, $0x0;
	_ =	sdelay $0x2  }
0x12e: {  	v3 =	vor.u32 $0x5, v0;
	_ =	sdelay $0x1  }
0x12f: {  	v4 =	vimm.s32 $0x4  }
0x130: {  	[tilespmem:v2+s5+$0x0] =	vst.idx.msk vm2, v4  }
0x131: {  	[tilespmem:v2+s6+$0x0] =	vst.idx.msk vm2, v1  }
0x132: {  	v2 =	vld.idx.msk [tilespmem:v3+s21+$0x0], $0xffff;
	_ =	sdelay $0x4  }
0x133: {  	(xrf0) =	vmax.scan.msk.f32 $0xffff, v2;
	_ =	sdelay $0x3  }
0x134: {  	v3 =	vld.idx.msk [tilespmem:v3+s22+$0x0], $0xffff;
	_ =	sdelay $0x1  }
0x135: {  	v4, _, _ =	vpop (xrf0)  }
0x136: {  	v4 =	vbroadcast v4, $0xF;
	_ =	sdelay $0x1  }
0x137: {  	vm2 =	veq.f32 v2, v4;
	v2 =	vxor.u32 $0x80000000, v3  }
0x138: {  	v2 =	vnsel vm2, $0x80005000, v2  }
0x139: {  	(xrf0) =	vmin.scan.msk.u32 $0xffff, v2;
	_ =	sdelay $0x5  }
0x13a: {  	v2, _, _ =	vpop (xrf0)  }
0x13b: {  	(v2sf) =	vpush v2, $0xF;
	_ =	sdelay $0xe  }
0x13c: {  	s29 =	spop (v2sf)  }
0x13d: {  	s9 =	sxor.u32 $0x80000000, s29  }
0x13e: {  	s9 =	ssub.s32 s9, s4  }
0x13f: {  	p1 =	sgt.s32 s9, $0x0  }
0x140: {  	p0 =	slt.u32 s9, $0x500;
	s9 =	simm.s32 @!p1 $0x0  }
0x141: {  	vm2 =	vmmov vm0;
	s9 =	smin.u32 s9, $0x4FF  }
0x142: {  	vm2 =	vmneg @p0 vm2;
	v2 =	vmov s9  }
0x143: {  	vm2 =	vmand vm2, vm1;
	v2 =	vbroadcast v2, $0x0;
	_ =	sdelay $0x2  }
0x144: {  	v3 =	vor.u32 $0x6, v0;
	_ =	sdelay $0x1  }
0x145: {  	v4 =	vimm.s32 $0x5  }
0x146: {  	[tilespmem:v2+s5+$0x0] =	vst.idx.msk vm2, v4  }
0x147: {  	[tilespmem:v2+s6+$0x0] =	vst.idx.msk vm2, v1  }
0x148: {  	v2 =	vld.idx.msk [tilespmem:v3+s21+$0x0], $0xffff;
	_ =	sdelay $0x4  }
0x149: {  	(xrf0) =	vmax.scan.msk.f32 $0xffff, v2;
	_ =	sdelay $0x3  }
0x14a: {  	v3 =	vld.idx.msk [tilespmem:v3+s22+$0x0], $0xffff;
	_ =	sdelay $0x1  }
0x14b: {  	v4, _, _ =	vpop (xrf0)  }
0x14c: {  	v4 =	vbroadcast v4, $0xF;
	_ =	sdelay $0x1  }
0x14d: {  	vm2 =	veq.f32 v2, v4;
	v2 =	vxor.u32 $0x80000000, v3  }
0x14e: {  	v2 =	vnsel vm2, $0x80005000, v2  }
0x14f: {  	(xrf0) =	vmin.scan.msk.u32 $0xffff, v2;
	_ =	sdelay $0x5  }
0x150: {  	v2, _, _ =	vpop (xrf0)  }
0x151: {  	(v2sf) =	vpush v2, $0xF;
	_ =	sdelay $0xe  }
0x152: {  	s30 =	spop (v2sf)  }
0x153: {  	s9 =	sxor.u32 $0x80000000, s30  }
0x154: {  	s9 =	ssub.s32 s9, s4  }
0x155: {  	p1 =	sgt.s32 s9, $0x0  }
0x156: {  	p0 =	slt.u32 s9, $0x500;
	s9 =	simm.s32 @!p1 $0x0  }
0x157: {  	vm2 =	vmmov vm0;
	s9 =	smin.u32 s9, $0x4FF  }
0x158: {  	vm2 =	vmneg @p0 vm2;
	v2 =	vmov s9  }
0x159: {  	vm2 =	vmand vm2, vm1;
	v2 =	vbroadcast v2, $0x0;
	_ =	sdelay $0x2  }
0x15a: {  	v3 =	vor.u32 $0x7, v0;
	_ =	sdelay $0x1  }
0x15b: {  	v4 =	vimm.s32 $0x6  }
0x15c: {  	[tilespmem:v2+s5+$0x0] =	vst.idx.msk vm2, v4  }
0x15d: {  	[tilespmem:v2+s6+$0x0] =	vst.idx.msk vm2, v1  }
0x15e: {  	v2 =	vld.idx.msk [tilespmem:v3+s21+$0x0], $0xffff;
	_ =	sdelay $0x4  }
0x15f: {  	(xrf0) =	vmax.scan.msk.f32 $0xffff, v2;
	_ =	sdelay $0x3  }
0x160: {  	v3 =	vld.idx.msk [tilespmem:v3+s22+$0x0], $0xffff;
	_ =	sdelay $0x1  }
0x161: {  	v4, _, _ =	vpop (xrf0)  }
0x162: {  	v4 =	vbroadcast v4, $0xF;
	_ =	sdelay $0x1  }
0x163: {  	vm2 =	veq.f32 v2, v4;
	v2 =	vxor.u32 $0x80000000, v3  }
0x164: {  	v2 =	vnsel vm2, $0x80005000, v2  }
0x165: {  	(xrf0) =	vmin.scan.msk.u32 $0xffff, v2;
	_ =	sdelay $0x5  }
0x166: {  	v2, _, _ =	vpop (xrf0)  }
0x167: {  	(v2sf) =	vpush v2, $0xF;
	_ =	sdelay $0xe  }
0x168: {  	s31 =	spop (v2sf)  }
0x169: {  	s9 =	sxor.u32 $0x80000000, s31  }
0x16a: {  	s9 =	ssub.s32 s9, s4  }
0x16b: {  	p1 =	sgt.s32 s9, $0x0  }
0x16c: {  	p0 =	slt.u32 s9, $0x500;
	s9 =	simm.s32 @!p1 $0x0  }
0x16d: {  	vm2 =	vmmov vm0;
	s9 =	smin.u32 s9, $0x4FF  }
0x16e: {  	vm2 =	vmneg @p0 vm2;
	v2 =	vmov s9  }
0x16f: {  	vm2 =	vmand vm2, vm1;
	v2 =	vbroadcast v2, $0x0;
	_ =	sdelay $0x2  }
0x170: {  	v3 =	vor.u32 $0x8, v0;
	_ =	sdelay $0x1  }
0x171: {  	v4 =	vimm.s32 $0x7  }
0x172: {  	[tilespmem:v2+s5+$0x0] =	vst.idx.msk vm2, v4  }
0x173: {  	[tilespmem:v2+s6+$0x0] =	vst.idx.msk vm2, v1  }
0x174: {  	v2 =	vld.idx.msk [tilespmem:v3+s21+$0x0], $0xffff;
	_ =	sdelay $0x4  }
0x175: {  	(xrf0) =	vmax.scan.msk.f32 $0xffff, v2;
	_ =	sdelay $0x3  }
0x176: {  	v3 =	vld.idx.msk [tilespmem:v3+s22+$0x0], $0xffff;
	_ =	sdelay $0x1  }
0x177: {  	v4, _, _ =	vpop (xrf0)  }
0x178: {  	v4 =	vbroadcast v4, $0xF;
	_ =	sdelay $0x1  }
0x179: {  	vm2 =	veq.f32 v2, v4;
	v2 =	vxor.u32 $0x80000000, v3  }
0x17a: {  	v2 =	vnsel vm2, $0x80005000, v2  }
0x17b: {  	(xrf0) =	vmin.scan.msk.u32 $0xffff, v2;
	_ =	sdelay $0x5  }
0x17c: {  	v2, _, _ =	vpop (xrf0)  }
0x17d: {  	(v2sf) =	vpush v2, $0xF;
	_ =	sdelay $0xe  }
0x17e: {  	s10 =	spop (v2sf)  }
0x17f: {  	s9 =	sxor.u32 $0x80000000, s10  }
0x180: {  	s9 =	ssub.s32 s9, s4  }
0x181: {  	p1 =	sgt.s32 s9, $0x0  }
0x182: {  	p0 =	slt.u32 s9, $0x500;
	s9 =	simm.s32 @!p1 $0x0  }
0x183: {  	vm2 =	vmmov vm0;
	s9 =	smin.u32 s9, $0x4FF  }
0x184: {  	vm2 =	vmneg @p0 vm2;
	v2 =	vmov s9  }
0x185: {  	vm2 =	vmand vm2, vm1;
	v2 =	vbroadcast v2, $0x0;
	_ =	sdelay $0x2  }
0x186: {  	v3 =	vor.u32 $0x9, v0;
	_ =	sdelay $0x1  }
0x187: {  	v4 =	vimm.s32 $0x8  }
0x188: {  	[tilespmem:v2+s5+$0x0] =	vst.idx.msk vm2, v4  }
0x189: {  	[tilespmem:v2+s6+$0x0] =	vst.idx.msk vm2, v1  }
0x18a: {  	v2 =	vld.idx.msk [tilespmem:v3+s21+$0x0], $0xffff;
	_ =	sdelay $0x4  }
0x18b: {  	(xrf0) =	vmax.scan.msk.f32 $0xffff, v2;
	_ =	sdelay $0x3  }
0x18c: {  	v3 =	vld.idx.msk [tilespmem:v3+s22+$0x0], $0xffff;
	_ =	sdelay $0x1  }
0x18d: {  	v4, _, _ =	vpop (xrf0)  }
0x18e: {  	v4 =	vbroadcast v4, $0xF;
	_ =	sdelay $0x1  }
0x18f: {  	vm2 =	veq.f32 v2, v4;
	v2 =	vxor.u32 $0x80000000, v3  }
0x190: {  	v2 =	vnsel vm2, $0x80005000, v2  }
0x191: {  	(xrf0) =	vmin.scan.msk.u32 $0xffff, v2;
	_ =	sdelay $0x5  }
0x192: {  	v2, _, _ =	vpop (xrf0)  }
0x193: {  	(v2sf) =	vpush v2, $0xF;
	_ =	sdelay $0xe  }
0x194: {  	s11 =	spop (v2sf)  }
0x195: {  	s9 =	sxor.u32 $0x80000000, s11  }
0x196: {  	s9 =	ssub.s32 s9, s4  }
0x197: {  	p1 =	sgt.s32 s9, $0x0  }
0x198: {  	p0 =	slt.u32 s9, $0x500;
	s9 =	simm.s32 @!p1 $0x0  }
0x199: {  	vm2 =	vmmov vm0;
	s9 =	smin.u32 s9, $0x4FF  }
0x19a: {  	vm2 =	vmneg @p0 vm2;
	v2 =	vmov s9  }
0x19b: {  	vm2 =	vmand vm2, vm1;
	v2 =	vbroadcast v2, $0x0;
	_ =	sdelay $0x2  }
0x19c: {  	v3 =	vor.u32 $0xA, v0;
	_ =	sdelay $0x1  }
0x19d: {  	v4 =	vimm.s32 $0x9  }
0x19e: {  	[tilespmem:v2+s5+$0x0] =	vst.idx.msk vm2, v4  }
0x19f: {  	[tilespmem:v2+s6+$0x0] =	vst.idx.msk vm2, v1  }
0x1a0: {  	v2 =	vld.idx.msk [tilespmem:v3+s21+$0x0], $0xffff;
	_ =	sdelay $0x4  }
0x1a1: {  	(xrf0) =	vmax.scan.msk.f32 $0xffff, v2;
	_ =	sdelay $0x3  }
0x1a2: {  	v3 =	vld.idx.msk [tilespmem:v3+s22+$0x0], $0xffff;
	_ =	sdelay $0x1  }
0x1a3: {  	v4, _, _ =	vpop (xrf0)  }
0x1a4: {  	v4 =	vbroadcast v4, $0xF;
	_ =	sdelay $0x1  }
0x1a5: {  	vm2 =	veq.f32 v2, v4;
	v2 =	vxor.u32 $0x80000000, v3  }
0x1a6: {  	v2 =	vnsel vm2, $0x80005000, v2  }
0x1a7: {  	(xrf0) =	vmin.scan.msk.u32 $0xffff, v2;
	_ =	sdelay $0x5  }
0x1a8: {  	v2, _, _ =	vpop (xrf0)  }
0x1a9: {  	(v2sf) =	vpush v2, $0xF;
	_ =	sdelay $0xe  }
0x1aa: {  	s12 =	spop (v2sf)  }
0x1ab: {  	s9 =	sxor.u32 $0x80000000, s12  }
0x1ac: {  	s9 =	ssub.s32 s9, s4  }
0x1ad: {  	p1 =	sgt.s32 s9, $0x0  }
0x1ae: {  	p0 =	slt.u32 s9, $0x500;
	s9 =	simm.s32 @!p1 $0x0  }
0x1af: {  	vm2 =	vmmov vm0;
	s9 =	smin.u32 s9, $0x4FF  }
0x1b0: {  	vm2 =	vmneg @p0 vm2;
	v2 =	vmov s9  }
0x1b1: {  	vm2 =	vmand vm2, vm1;
	v2 =	vbroadcast v2, $0x0;
	_ =	sdelay $0x2  }
0x1b2: {  	v3 =	vor.u32 $0xB, v0;
	_ =	sdelay $0x1  }
0x1b3: {  	v4 =	vimm.s32 $0xA  }
0x1b4: {  	[tilespmem:v2+s5+$0x0] =	vst.idx.msk vm2, v4  }
0x1b5: {  	[tilespmem:v2+s6+$0x0] =	vst.idx.msk vm2, v1  }
0x1b6: {  	v2 =	vld.idx.msk [tilespmem:v3+s21+$0x0], $0xffff;
	_ =	sdelay $0x4  }
0x1b7: {  	(xrf0) =	vmax.scan.msk.f32 $0xffff, v2;
	_ =	sdelay $0x3  }
0x1b8: {  	v3 =	vld.idx.msk [tilespmem:v3+s22+$0x0], $0xffff;
	_ =	sdelay $0x1  }
0x1b9: {  	v4, _, _ =	vpop (xrf0)  }
0x1ba: {  	v4 =	vbroadcast v4, $0xF;
	_ =	sdelay $0x1  }
0x1bb: {  	vm2 =	veq.f32 v2, v4;
	v2 =	vxor.u32 $0x80000000, v3  }
0x1bc: {  	v2 =	vnsel vm2, $0x80005000, v2  }
0x1bd: {  	(xrf0) =	vmin.scan.msk.u32 $0xffff, v2;
	_ =	sdelay $0x5  }
0x1be: {  	v2, _, _ =	vpop (xrf0)  }
0x1bf: {  	(v2sf) =	vpush v2, $0xF;
	_ =	sdelay $0xe  }
0x1c0: {  	s13 =	spop (v2sf)  }
0x1c1: {  	s9 =	sxor.u32 $0x80000000, s13  }
0x1c2: {  	s9 =	ssub.s32 s9, s4  }
0x1c3: {  	p1 =	sgt.s32 s9, $0x0  }
0x1c4: {  	p0 =	slt.u32 s9, $0x500;
	s9 =	simm.s32 @!p1 $0x0  }
0x1c5: {  	vm2 =	vmmov vm0;
	s9 =	smin.u32 s9, $0x4FF  }
0x1c6: {  	vm2 =	vmneg @p0 vm2;
	v2 =	vmov s9  }
0x1c7: {  	vm2 =	vmand vm2, vm1;
	v2 =	vbroadcast v2, $0x0;
	_ =	sdelay $0x2  }
0x1c8: {  	v3 =	vor.u32 $0xC, v0;
	_ =	sdelay $0x1  }
0x1c9: {  	v4 =	vimm.s32 $0xB  }
0x1ca: {  	[tilespmem:v2+s5+$0x0] =	vst.idx.msk vm2, v4  }
0x1cb: {  	[tilespmem:v2+s6+$0x0] =	vst.idx.msk vm2, v1  }
0x1cc: {  	v2 =	vld.idx.msk [tilespmem:v3+s21+$0x0], $0xffff;
	_ =	sdelay $0x4  }
0x1cd: {  	(xrf0) =	vmax.scan.msk.f32 $0xffff, v2;
	_ =	sdelay $0x3  }
0x1ce: {  	v3 =	vld.idx.msk [tilespmem:v3+s22+$0x0], $0xffff;
	_ =	sdelay $0x1  }
0x1cf: {  	v4, _, _ =	vpop (xrf0)  }
0x1d0: {  	v4 =	vbroadcast v4, $0xF;
	_ =	sdelay $0x1  }
0x1d1: {  	vm2 =	veq.f32 v2, v4;
	v2 =	vxor.u32 $0x80000000, v3  }
0x1d2: {  	v2 =	vnsel vm2, $0x80005000, v2  }
0x1d3: {  	(xrf0) =	vmin.scan.msk.u32 $0xffff, v2;
	_ =	sdelay $0x5  }
0x1d4: {  	v2, _, _ =	vpop (xrf0)  }
0x1d5: {  	(v2sf) =	vpush v2, $0xF;
	_ =	sdelay $0xe  }
0x1d6: {  	s14 =	spop (v2sf)  }
0x1d7: {  	s9 =	sxor.u32 $0x80000000, s14  }
0x1d8: {  	s9 =	ssub.s32 s9, s4  }
0x1d9: {  	p1 =	sgt.s32 s9, $0x0  }
0x1da: {  	p0 =	slt.u32 s9, $0x500;
	s9 =	simm.s32 @!p1 $0x0  }
0x1db: {  	vm2 =	vmmov vm0;
	s9 =	smin.u32 s9, $0x4FF  }
0x1dc: {  	vm2 =	vmneg @p0 vm2;
	v2 =	vmov s9  }
0x1dd: {  	vm2 =	vmand vm2, vm1;
	v2 =	vbroadcast v2, $0x0;
	_ =	sdelay $0x2  }
0x1de: {  	v3 =	vor.u32 $0xD, v0;
	_ =	sdelay $0x1  }
0x1df: {  	v4 =	vimm.s32 $0xC  }
0x1e0: {  	[tilespmem:v2+s5+$0x0] =	vst.idx.msk vm2, v4  }
0x1e1: {  	[tilespmem:v2+s6+$0x0] =	vst.idx.msk vm2, v1  }
0x1e2: {  	v2 =	vld.idx.msk [tilespmem:v3+s21+$0x0], $0xffff;
	_ =	sdelay $0x4  }
0x1e3: {  	(xrf0) =	vmax.scan.msk.f32 $0xffff, v2;
	_ =	sdelay $0x3  }
0x1e4: {  	v3 =	vld.idx.msk [tilespmem:v3+s22+$0x0], $0xffff;
	_ =	sdelay $0x1  }
0x1e5: {  	v4, _, _ =	vpop (xrf0)  }
0x1e6: {  	v4 =	vbroadcast v4, $0xF;
	_ =	sdelay $0x1  }
0x1e7: {  	vm2 =	veq.f32 v2, v4;
	v2 =	vxor.u32 $0x80000000, v3  }
0x1e8: {  	v2 =	vnsel vm2, $0x80005000, v2  }
0x1e9: {  	(xrf0) =	vmin.scan.msk.u32 $0xffff, v2;
	_ =	sdelay $0x5  }
0x1ea: {  	v2, _, _ =	vpop (xrf0)  }
0x1eb: {  	(v2sf) =	vpush v2, $0xF;
	_ =	sdelay $0xe  }
0x1ec: {  	s15 =	spop (v2sf)  }
0x1ed: {  	s9 =	sxor.u32 $0x80000000, s15  }
0x1ee: {  	s9 =	ssub.s32 s9, s4  }
0x1ef: {  	p1 =	sgt.s32 s9, $0x0  }
0x1f0: {  	p0 =	slt.u32 s9, $0x500;
	s9 =	simm.s32 @!p1 $0x0  }
0x1f1: {  	vm2 =	vmmov vm0;
	s9 =	smin.u32 s9, $0x4FF  }
0x1f2: {  	vm2 =	vmneg @p0 vm2;
	v2 =	vmov s9  }
0x1f3: {  	vm2 =	vmand vm2, vm1;
	v2 =	vbroadcast v2, $0x0;
	_ =	sdelay $0x2  }
0x1f4: {  	v3 =	vor.u32 $0xE, v0;
	_ =	sdelay $0x1  }
0x1f5: {  	v4 =	vimm.s32 $0xD  }
0x1f6: {  	[tilespmem:v2+s5+$0x0] =	vst.idx.msk vm2, v4  }
0x1f7: {  	[tilespmem:v2+s6+$0x0] =	vst.idx.msk vm2, v1  }
0x1f8: {  	v2 =	vld.idx.msk [tilespmem:v3+s21+$0x0], $0xffff;
	_ =	sdelay $0x4  }
0x1f9: {  	(xrf0) =	vmax.scan.msk.f32 $0xffff, v2;
	_ =	sdelay $0x3  }
0x1fa: {  	v3 =	vld.idx.msk [tilespmem:v3+s22+$0x0], $0xffff;
	_ =	sdelay $0x1  }
0x1fb: {  	v4, _, _ =	vpop (xrf0)  }
0x1fc: {  	v4 =	vbroadcast v4, $0xF;
	_ =	sdelay $0x1  }
0x1fd: {  	vm2 =	veq.f32 v2, v4;
	v2 =	vxor.u32 $0x80000000, v3  }
0x1fe: {  	v2 =	vnsel vm2, $0x80005000, v2  }
0x1ff: {  	(xrf0) =	vmin.scan.msk.u32 $0xffff, v2;
	_ =	sdelay $0x5  }
0x200: {  	v2, _, _ =	vpop (xrf0)  }
0x201: {  	(v2sf) =	vpush v2, $0xF;
	_ =	sdelay $0xe  }
0x202: {  	s16 =	spop (v2sf)  }
0x203: {  	s9 =	sxor.u32 $0x80000000, s16  }
0x204: {  	s9 =	ssub.s32 s9, s4  }
0x205: {  	p1 =	sgt.s32 s9, $0x0  }
0x206: {  	p0 =	slt.u32 s9, $0x500;
	s9 =	simm.s32 @!p1 $0x0  }
0x207: {  	vm2 =	vmmov vm0;
	s9 =	smin.u32 s9, $0x4FF  }
0x208: {  	vm2 =	vmneg @p0 vm2;
	v2 =	vmov s9  }
0x209: {  	vm2 =	vmand vm2, vm1;
	v2 =	vbroadcast v2, $0x0;
	_ =	sdelay $0x2  }
0x20a: {  	v3 =	vor.u32 $0xF, v0;
	_ =	sdelay $0x1  }
0x20b: {  	v4 =	vimm.s32 $0xE  }
0x20c: {  	[tilespmem:v2+s5+$0x0] =	vst.idx.msk vm2, v4  }
0x20d: {  	[tilespmem:v2+s6+$0x0] =	vst.idx.msk vm2, v1  }
0x20e: {  	v2 =	vld.idx.msk [tilespmem:v3+s21+$0x0], $0xffff;
	_ =	sdelay $0x4  }
0x20f: {  	(xrf0) =	vmax.scan.msk.f32 $0xffff, v2;
	_ =	sdelay $0x3  }
0x210: {  	v3 =	vld.idx.msk [tilespmem:v3+s22+$0x0], $0xffff;
	_ =	sdelay $0x1  }
0x211: {  	v4, _, _ =	vpop (xrf0)  }
0x212: {  	v4 =	vbroadcast v4, $0xF;
	_ =	sdelay $0x1  }
0x213: {  	vm2 =	veq.f32 v2, v4;
	v2 =	vxor.u32 $0x80000000, v3  }
0x214: {  	v2 =	vnsel vm2, $0x80005000, v2  }
0x215: {  	(xrf0) =	vmin.scan.msk.u32 $0xffff, v2;
	_ =	sdelay $0x5  }
0x216: {  	v2, _, _ =	vpop (xrf0)  }
0x217: {  	(v2sf) =	vpush v2, $0xF;
	_ =	sdelay $0xe  }
0x218: {  	s17 =	spop (v2sf)  }
0x219: {  	s9 =	sxor.u32 $0x80000000, s17  }
0x21a: {  	s9 =	ssub.s32 s9, s4  }
0x21b: {  	p1 =	sgt.s32 s9, $0x0  }
0x21c: {  	p0 =	slt.u32 s9, $0x500;
	s9 =	simm.s32 @!p1 $0x0  }
0x21d: {  	vm2 =	vmmov vm0;
	s9 =	smin.u32 s9, $0x4FF  }
0x21e: {  	vm2 =	vmneg @p0 vm2;
	v2 =	vmov s9  }
0x21f: {  	vm2 =	vmand vm2, vm1;
	v2 =	vbroadcast v2, $0x0;
	_ =	sdelay $0x2  }
0x220: {  	v3 =	vor.u32 $0x10, v0;
	_ =	sdelay $0x1  }
0x221: {  	v4 =	vimm.s32 $0xF  }
0x222: {  	[tilespmem:v2+s5+$0x0] =	vst.idx.msk vm2, v4  }
0x223: {  	[tilespmem:v2+s6+$0x0] =	vst.idx.msk vm2, v1  }
0x224: {  	v2 =	vld.idx.msk [tilespmem:v3+s21+$0x0], $0xffff;
	_ =	sdelay $0x4  }
0x225: {  	(xrf0) =	vmax.scan.msk.f32 $0xffff, v2;
	_ =	sdelay $0x3  }
0x226: {  	v3 =	vld.idx.msk [tilespmem:v3+s22+$0x0], $0xffff;
	_ =	sdelay $0x1  }
0x227: {  	v4, _, _ =	vpop (xrf0)  }
0x228: {  	v4 =	vbroadcast v4, $0xF;
	_ =	sdelay $0x1  }
0x229: {  	vm2 =	veq.f32 v2, v4;
	v2 =	vxor.u32 $0x80000000, v3  }
0x22a: {  	v2 =	vnsel vm2, $0x80005000, v2  }
0x22b: {  	(xrf0) =	vmin.scan.msk.u32 $0xffff, v2;
	_ =	sdelay $0x5  }
0x22c: {  	v2, _, _ =	vpop (xrf0)  }
0x22d: {  	(v2sf) =	vpush v2, $0xF;
	_ =	sdelay $0xe  }
0x22e: {  	s18 =	spop (v2sf)  }
0x22f: {  	s9 =	sxor.u32 $0x80000000, s18  }
0x230: {  	s9 =	ssub.s32 s9, s4  }
0x231: {  	p1 =	sgt.s32 s9, $0x0  }
0x232: {  	p0 =	slt.u32 s9, $0x500;
	s9 =	simm.s32 @!p1 $0x0  }
0x233: {  	vm2 =	vmmov vm0;
	s9 =	smin.u32 s9, $0x4FF  }
0x234: {  	vm2 =	vmneg @p0 vm2;
	v2 =	vmov s9  }
0x235: {  	vm2 =	vmand vm2, vm1;
	v2 =	vbroadcast v2, $0x0;
	_ =	sdelay $0x2  }
0x236: {  	v3 =	vor.u32 $0x11, v0;
	_ =	sdelay $0x1  }
0x237: {  	v4 =	vimm.s32 $0x10  }
0x238: {  	[tilespmem:v2+s5+$0x0] =	vst.idx.msk vm2, v4  }
0x239: {  	[tilespmem:v2+s6+$0x0] =	vst.idx.msk vm2, v1  }
0x23a: {  	v2 =	vld.idx.msk [tilespmem:v3+s21+$0x0], $0xffff;
	_ =	sdelay $0x4  }
0x23b: {  	(xrf0) =	vmax.scan.msk.f32 $0xffff, v2;
	_ =	sdelay $0x3  }
0x23c: {  	v3 =	vld.idx.msk [tilespmem:v3+s22+$0x0], $0xffff;
	_ =	sdelay $0x1  }
0x23d: {  	v4, _, _ =	vpop (xrf0)  }
0x23e: {  	v4 =	vbroadcast v4, $0xF;
	_ =	sdelay $0x1  }
0x23f: {  	vm2 =	veq.f32 v2, v4;
	v2 =	vxor.u32 $0x80000000, v3  }
0x240: {  	v2 =	vnsel vm2, $0x80005000, v2  }
0x241: {  	(xrf0) =	vmin.scan.msk.u32 $0xffff, v2;
	_ =	sdelay $0x5  }
0x242: {  	v2, _, _ =	vpop (xrf0)  }
0x243: {  	(v2sf) =	vpush v2, $0xF;
	_ =	sdelay $0xe  }
0x244: {  	s19 =	spop (v2sf)  }
0x245: {  	s9 =	sxor.u32 $0x80000000, s19  }
0x246: {  	s9 =	ssub.s32 s9, s4  }
0x247: {  	p1 =	sgt.s32 s9, $0x0  }
0x248: {  	p0 =	slt.u32 s9, $0x500;
	s9 =	simm.s32 @!p1 $0x0  }
0x249: {  	vm2 =	vmmov vm0;
	s9 =	smin.u32 s9, $0x4FF  }
0x24a: {  	vm2 =	vmneg @p0 vm2;
	v2 =	vmov s9  }
0x24b: {  	vm2 =	vmand vm2, vm1;
	v2 =	vbroadcast v2, $0x0;
	_ =	sdelay $0x2  }
0x24c: {  	v3 =	vor.u32 $0x12, v0;
	_ =	sdelay $0x1  }
0x24d: {  	v4 =	vimm.s32 $0x11  }
0x24e: {  	[tilespmem:v2+s5+$0x0] =	vst.idx.msk vm2, v4  }
0x24f: {  	[tilespmem:v2+s6+$0x0] =	vst.idx.msk vm2, v1  }
0x250: {  	v2 =	vld.idx.msk [tilespmem:v3+s21+$0x0], $0xffff;
	_ =	sdelay $0x4  }
0x251: {  	(xrf0) =	vmax.scan.msk.f32 $0xffff, v2;
	_ =	sdelay $0x3  }
0x252: {  	v3 =	vld.idx.msk [tilespmem:v3+s22+$0x0], $0xffff;
	_ =	sdelay $0x1  }
0x253: {  	v4, _, _ =	vpop (xrf0)  }
0x254: {  	v4 =	vbroadcast v4, $0xF;
	_ =	sdelay $0x1  }
0x255: {  	vm2 =	veq.f32 v2, v4;
	v2 =	vxor.u32 $0x80000000, v3  }
0x256: {  	v2 =	vnsel vm2, $0x80005000, v2  }
0x257: {  	(xrf0) =	vmin.scan.msk.u32 $0xffff, v2;
	_ =	sdelay $0x5  }
0x258: {  	v2, _, _ =	vpop (xrf0)  }
0x259: {  	(v2sf) =	vpush v2, $0xF;
	_ =	sdelay $0xe  }
0x25a: {  	s20 =	spop (v2sf)  }
0x25b: {  	s9 =	sxor.u32 $0x80000000, s20  }
0x25c: {  	s9 =	ssub.s32 s9, s4  }
0x25d: {  	p1 =	sgt.s32 s9, $0x0  }
0x25e: {  	p0 =	slt.u32 s9, $0x500;
	s9 =	simm.s32 @!p1 $0x0  }
0x25f: {  	vm2 =	vmmov vm0;
	s9 =	smin.u32 s9, $0x4FF  }
0x260: {  	vm2 =	vmneg @p0 vm2;
	v2 =	vmov s9  }
0x261: {  	vm2 =	vmand vm2, vm1;
	v2 =	vbroadcast v2, $0x0;
	_ =	sdelay $0x2  }
0x262: {  	v0 =	vor.u32 $0x13, v0;
	_ =	sdelay $0x1  }
0x263: {  	v3 =	vimm.s32 $0x12  }
0x264: {  	[tilespmem:v2+s5+$0x0] =	vst.idx.msk vm2, v3  }
0x265: {  	[tilespmem:v2+s6+$0x0] =	vst.idx.msk vm2, v1  }
0x266: {  	v2 =	vld.idx.msk [tilespmem:v0+s21+$0x0], $0xffff;
	_ =	sdelay $0x4  }
0x267: {  	(xrf0) =	vmax.scan.msk.f32 $0xffff, v2;
	_ =	sdelay $0x3  }
0x268: {  	v0 =	vld.idx.msk [tilespmem:v0+s22+$0x0], $0xffff;
	_ =	sdelay $0x1  }
0x269: {  	v3, _, _ =	vpop (xrf0)  }
0x26a: {  	v3 =	vbroadcast v3, $0xF;
	_ =	sdelay $0x1  }
0x26b: {  	v0 =	vxor.u32 $0x80000000, v0;
	vm2 =	veq.f32 v2, v3  }
0x26c: {  	v0 =	vnsel vm2, $0x80005000, v0  }
0x26d: {  	(xrf0) =	vmin.scan.msk.u32 $0xffff, v0;
	_ =	sdelay $0x5  }
0x26e: {  	v0, _, _ =	vpop (xrf0)  }
0x26f: {  	(v2sf) =	vpush v0, $0xF;
	_ =	sdelay $0xe  }
0x270: {  	s21 =	spop (v2sf)  }
0x271: {  	s7 =	sxor.u32 $0x80000000, s21  }
0x272: {  	s7 =	ssub.s32 s7, s4  }
0x273: {  	p1 =	sgt.s32 s7, $0x0  }
0x274: {  	p0 =	slt.u32 s7, $0x500;
	s7 =	simm.s32 @!p1 $0x0  }
0x275: {  	vm2 =	vmmov vm0;
	s7 =	smin.u32 s7, $0x4FF  }
0x276: {  	vm2 =	vmneg @p0 vm2;
	v0 =	vmov s7  }
0x277: {  	vm1 =	vmand vm2, vm1;
	v0 =	vbroadcast v0, $0x0;
	_ =	sdelay $0x4  }
0x278: {  	v2 =	vimm.s32 $0x13  }
0x279: {  	s22 =	simm.s32 $0x0;
	[tilespmem:v0+s5+$0x0] =	vst.idx.msk vm1, v2  }
0x27a: {  	s23 =	sand.u32 $0x70, s22;
	s24 =	sand.u32 $0x3C00, s22;
	[tilespmem:v0+s6+$0x0] =	vst.idx.msk vm1, v1  }
0x27b: {  	s8 =	sor.u32 s23, s24;
	v0 =	vld [tilespmem:s5+$0x0]  }
0x27c: {  	v1 =	vld [tilespmem:s8+$0x180]  }
0x27d: {  	v3 =	vld [tilespmem:s8+$0x80];
	_ =	sdelay $0x3  }
0x27e: {  	v4 =	vld [tilespmem:s8+$0x2880];
	v0 =	vshll.u32 v0, $0x2  }
0x27f: {  	v5 =	vld [tilespmem:s8+$0x2800];
	v1 =	vsub.f32 v1, v3;
	v6 =	vor.u32 $0x1, v0  }
0x280: {  	v2 =	vld [tilespmem:s8+$0x100];
	v7 =	vor.u32 $0x3, v0  }
0x281: {  	v8 =	vld [tilespmem:s8+$0x0];
	v9 =	vmax.f32 v1, $1.192092900e-07  }
0x282: {  	(erf) = vrcp.f32 v9  }
0x283: {  	s5 =	simm.s32 $0x5000  }
0x284: {  	v11 =	vmax.f32 v5, v4;
	v10 =	vmin.f32 v5, v4;
	v6 =	vld.idx.msk [tilespmem:v6+s5+$0x0], $0xffff  }
0x285: {  	v9 =	vsub.f32 v10, v11;
	v7 =	vld.idx.msk [tilespmem:v7+s5+$0x0], $0xffff  }
0x286: {  	v10 =	vsub.f32 v2, v8;
	v2 =	vor.u32 $0x2, v0  }
0x287: {  	s25 =	simm.s32 $0x5580;
	v9 =	vmul.f32 $1.442695020e+00, v9  }
0x288: {  	v13 =	vld [tilespmem:s25+$0x0]  }
0x289: {  	v15 =	vld [tilespmem:s6+$0x0];
	v12 =	vmax.f32 v10, $1.192092900e-07;
	(erf) = vpow2.f32 v9  }
0x28a: {  	v0 =	vld.idx.msk [tilespmem:v0+s5+$0x0], $0xffff;
	(erf) = vrcp.f32 v12;
	v7 =	vsub.f32 v7, v6  }
0x28b: {  	s10 =	simm.s32 $0x10;
	s6 =	simm.s32 $0x80;
	v2 =	vld.idx.msk [tilespmem:v2+s5+$0x0], $0xffff;
	v9 =	vpop (erf)  }
0x28c: {  	s29 =	sand.u32 $0x70, s10;
	s30 =	sand.u32 $0x3C00, s6;
	v12 =	vmul.f32 v7, v9  }
0x28d: {  	s7 =	sor.u32 s29, s30  }
0x28e: {  	v25 =	vld [tilespmem:s7+$0x2880];
	v14 =	vand.u32 $0x7FFFFF, v12  }
0x28f: {  	v28 =	vld [tilespmem:s7+$0x2800];
	vm1 =	vge.f32 v13, $6.999999880e-01;
	v14 =	vor.u32 $0x3F800000, v14  }
0x290: {  	v27 =	vld [tilespmem:s7+$0x180];
	vm2 =	veq.s32 v15, $0x1;
	v16 =	vsub.f32 v2, v0;
	v2 =	vmul.f32 $5.000000000e-01, v14  }
0x291: {  	v29 =	vld [tilespmem:s7+$0x80];
	vm3 =	vlt.f32 v13, $3.000000120e-01;
	vm1 =	vmor vm1, vm2;
	vm5 =	vgt.f32 v14, $1.414213540e+00  }
0x292: {  	s26 =	sadd.s32 $0x0, s4;
	vm2 =	veq.s32 v15, $0x0;
	v1 =	vmul.f32 $5.000000000e-01, v1;
	v17 =	vpop (erf);
	v14 =	vsel vm5, v2, v14  }
0x293: {  	p0 =	slt.u32 s26, $0x4E20;
	vm3 =	vmand vm3, vm2;
	vm2 =	vmmov vm0;
	v18 =	vpop (erf);
	v20 =	vadd.f32 $1.000000000e+00, v14  }
0x294: {  	vm2 =	vmneg @p0 vm2;
	v35 =	vmin.f32 v28, v25;
	v19 =	vmul.f32 v16, v18  }
0x295: {  	v10 =	vmul.f32 $5.000000000e-01, v10;
	v17 =	vadd.f32 $1.000000000e+00, v17;
	(erf) = vrcp.f32 v20  }
0x296: {  	v27 =	vsub.f32 v27, v29;
	v1 =	vadd.f32 v1, v3;
	v21 =	vand.u32 $0x7FFFFF, v19  }
0x297: {  	v8 =	vadd.f32 v10, v8;
	v22 =	vand.u32 $0x7FFFFF, v17;
	v21 =	vor.u32 $0x3F800000, v21  }
0x298: {  	v7 =	vmul.f32 $5.000000000e-01, v7;
	v20 =	vor.u32 $0x3F800000, v22;
	v22 =	vmul.f32 $5.000000000e-01, v21  }
0x299: {  	v3 =	vmul.f32 $5.000000000e-01, v16;
	vm4 =	vgt.f32 v21, $1.414213540e+00;
	v15 =	vmul.f32 $5.000000000e-01, v20  }
0x29a: {  	v6 =	vadd.f32 v7, v6;
	vm6 =	vgt.f32 v20, $1.414213540e+00;
	v21 =	vsel vm4, v22, v21  }
0x29b: {  	v0 =	vadd.f32 v3, v0;
	v22 =	vadd.f32 $1.000000000e+00, v21;
	v15 =	vsel vm6, v15, v20  }
0x29c: {  	v3 =	vld [tilespmem:s8+$0x280];
	v6 =	vsub.f32 v6, v1;
	v2 =	vimm.s32 $0xFFFFFF81;
	v20 =	vadd.f32 $1.000000000e+00, v15  }
0x29d: {  	v16 =	vld [tilespmem:s8+$0x2900];
	v8 =	vsub.f32 v0, v8;
	v7 =	vadd.f32 $-1.000000000e+00, v14;
	(erf) = vrcp.f32 v22  }
0x29e: {  	v10 =	vsel vm5, $0xFFFFFF82, v2;
	v14 =	vld [tilespmem:s8+$0x200];
	vm5 =	vmand vm2, vm1;
	(erf) = vrcp.f32 v20;
	v1 =	vpop (erf)  }
0x29f: {  	v20 =	vmul.f32 v1, v7;
	v1 =	vsel vm5, v4, v5;
	v4 =	vmul.f32 v6, v9  }
0x2a0: {  	v5 =	vshra.s32 v12, $0x17;
	v6 =	vmul.f32 v8, v18;
	v8 =	vshra.s32 v19, $0x17  }
0x2a1: {  	v12 =	vsel vm6, $0xFFFFFF82, v2;
	v9 =	vsel vm4, $0xFFFFFF82, v2;
	v5 =	vadd.s32 v5, v10  }
0x2a2: {  	v10 =	vadd.f32 $-1.000000000e+00, v15;
	v8 =	vadd.s32 v8, v9;
	v3 =	vsub.f32 v4, v3  }
0x2a3: {  	v7 =	vmul.f32 v20, v20;
	v4 =	vsub.f32 v6, v14;
	v14 =	vsub.f32 v16, v13  }
0x2a4: {  	s28 =	simm.s32 $0x5A90;
	v18 =	vcvt.s32.f32 v8;
	v8 =	vshra.s32 v17, $0x17;
	v5 =	vcvt.s32.f32 v5  }
0x2a5: {  	v17 =	vld [tilespmem:s28+$0x0];
	v8 =	vadd.s32 v8, v12;
	v6 =	vmul.f32 $2.222222240e-01, v7;
	v19 =	vand.u32 $0x7FFFFFFF, v3  }
0x2a6: {  	v22 =	vand.u32 $0x7FFFFFFF, v4;
	v14 =	vmul.f32 v14, v14;
	v8 =	vcvt.s32.f32 v8  }
0x2a7: {  	v13 =	vpop (erf);
	v36 =	vmul.f32 $6.931471820e-01, v5;
	v15 =	vmul.f32 $5.000000000e-01, v22;
	v4 =	vadd.f32 $2.857142980e-01, v6  }
0x2a8: {  	v0 =	vimm.f32 $0.0e+00;
	v3 =	vpop (erf);
	v6 =	vmul.f32 $5.000000000e-01, v19;
	v59 =	vmul.f32 $6.931471820e-01, v8  }
0x2a9: {  	vm1 =	vmor vm1, vm3;
	v9 =	vmul.f32 v3, v10;
	v4 =	vmul.f32 v4, v7  }
0x2aa: {  	v3 =	vadd.f32 $-1.000000000e+00, v21;
	v21 =	vmul.f32 v15, v22;
	v17 =	vshll.u32 v17, $0x2  }
0x2ab: {  	s11 =	simm.s32 $0x5590;
	v24 =	vmul.f32 v6, v19;
	v31 =	vor.u32 $0x1, v17;
	v4 =	vadd.f32 $4.000000060e-01, v4  }
0x2ac: {  	s12 =	simm.s32 $0x5F90;
	v15 =	vld [tilespmem:s11+$0x0];
	v10 =	vmul.f32 v9, v9;
	v13 =	vmul.f32 v13, v3;
	v3 =	vsel vm5, $0x3F800000, v0  }
0x2ad: {  	v32 =	vor.u32 $0x2, v17;
	v12 =	vmul.f32 v14, v3;
	v14 =	vld [tilespmem:s12+$0x0];
	v4 =	vmul.f32 v4, v7  }
0x2ae: {  	s31 =	sadd.s32 $0x10, s4;
	v34 =	vor.u32 $0x3, v17;
	v23 =	vmul.f32 $2.222222240e-01, v10;
	v16 =	vmul.f32 v13, v13  }
0x2af: {  	p0 =	slt.u32 s31, $0x4E20;
	vm5 =	vmand vm2, vm1;
	vm1 =	vmmov vm0;
	v4 =	vadd.f32 $6.666666860e-01, v4  }
0x2b0: {  	vm1 =	vmneg @p0 vm1;
	v23 =	vadd.f32 $2.857142980e-01, v23;
	v26 =	vmul.f32 $2.222222240e-01, v16  }
0x2b1: {  	v33 =	vld [tilespmem:s7+$0x100];
	vm2 =	vge.f32 v15, $6.999999880e-01;
	vm6 =	vlt.f32 v15, $3.000000120e-01;
	v30 =	vmul.f32 v4, v7  }
0x2b2: {  	v17 =	vld.idx.msk [tilespmem:v17+s5+$0x0], $0xffff;
	v23 =	vmul.f32 v23, v10;
	v26 =	vadd.f32 $2.857142980e-01, v26;
	vm3 =	veq.s32 v14, $0x1  }
0x2b3: {  	vm2 =	vmor vm2, vm3;
	vm3 =	veq.s32 v14, $0x0;
	v14 =	vld [tilespmem:s7+$0x0];
	v30 =	vadd.f32 $2.000000000e+00, v30  }
0x2b4: {  	s9 =	sand.u32 $0x7, s22;
	v32 =	vld.idx.msk [tilespmem:v32+s5+$0x0], $0xffff;
	v7 =	vsel vm5, $0x3F800000, v0;
	v4 =	vmax.f32 v28, v25;
	vm5 =	vlt.f32 v22, $1.000000000e+00  }
0x2b5: {  	s9 =	sshll.u32 s9, $0x4;
	v31 =	vld.idx.msk [tilespmem:v31+s5+$0x0], $0xffff;
	v22 =	vadd.f32 $-5.000000000e-01, v22;
	v20 =	vmul.f32 v30, v20;
	v30 =	vmax.f32 v27, $1.192092900e-07  }
0x2b6: {  	s9 =	sadd.s32 $0x0, s9;
	v34 =	vld.idx.msk [tilespmem:v34+s5+$0x0], $0xffff;
	vm4 =	vmand vm1, vm2;
	v35 =	vsub.f32 v35, v4;
	(erf) = vrcp.f32 v30  }
0x2b7: {  	s9 =	sor.u32 $0x380, s9;
	v26 =	vmul.f32 v26, v16;
	vm3 =	vmand vm6, vm3;
	vm6 =	vlt.f32 v19, $1.000000000e+00  }
0x2b8: {  	v8 =	vsel vm4, v25, v28;
	v25 =	vld [tilespmem:s9+$0x0];
	v33 =	vsub.f32 v33, v14;
	v30 =	vmul.f32 $1.442695020e+00, v35  }
0x2b9: {  	v23 =	vadd.f32 $4.000000060e-01, v23;
	v32 =	vsub.f32 v32, v17;
	v27 =	vmul.f32 $5.000000000e-01, v27  }
0x2ba: {  	v28 =	vmax.f32 v33, $1.192092900e-07;
	(erf) = vpow2.f32 v30;
	v30 =	vmul.f32 $5.000000000e-01, v33  }
0x2bb: {  	v20 =	vadd.f32 v20, v36;
	(erf) = vrcp.f32 v28;
	v28 =	vsub.f32 v34, v31  }
0x2bc: {  	v27 =	vadd.f32 v27, v29;
	v29 =	vadd.f32 v30, v14;
	v14 =	vmul.f32 $5.000000000e-01, v32  }
0x2bd: {  	v26 =	vadd.f32 $4.000000060e-01, v26;
	v20 =	vsub.f32 v20, v25;
	v25 =	vmul.f32 $5.000000000e-01, v28  }
0x2be: {  	v23 =	vmul.f32 v23, v10;
	v30 =	vadd.f32 v14, v17;
	v14 =	vsel vm5, v21, v22  }
0x2bf: {  	v17 =	vadd.f32 $-5.000000000e-01, v19;
	v19 =	vand.u32 $0x7FFFFFFF, v20;
	v20 =	vadd.f32 v25, v31;
	v21 =	vpop (erf)  }
0x2c0: {  	v22 =	vmul.f32 $5.000000000e-01, v19;
	v25 =	vadd.f32 $-5.000000000e-01, v19;
	v28 =	vmul.f32 v28, v21  }
0x2c1: {  	vm5 =	vlt.f32 v19, $1.000000000e+00;
	v17 =	vsel vm6, v24, v17;
	v20 =	vsub.f32 v20, v27  }
0x2c2: {  	v17 =	vadd.f32 v17, v14;
	v14 =	vmul.f32 v22, v19;
	v19 =	vand.u32 $0x7FFFFF, v28  }
0x2c3: {  	v23 =	vadd.f32 $6.666666860e-01, v23;
	v20 =	vmul.f32 v20, v21;
	v19 =	vor.u32 $0x3F800000, v19  }
0x2c4: {  	v24 =	vpop (erf);
	v14 =	vsel vm5, v14, v25;
	v22 =	vshra.s32 v28, $0x17;
	v25 =	vmul.f32 $5.000000000e-01, v19  }
0x2c5: {  	v24 =	vadd.f32 $1.000000000e+00, v24;
	v21 =	vpop (erf);
	v28 =	vsub.f32 v30, v29;
	vm5 =	vgt.f32 v19, $1.414213540e+00  }
0x2c6: {  	v29 =	vmul.f32 $6.931471820e-01, v18;
	v27 =	vmul.f32 v32, v21;
	v18 =	vsel vm5, v25, v19  }
0x2c7: {  	v26 =	vmul.f32 v26, v16;
	v10 =	vmul.f32 v23, v10;
	v30 =	vadd.f32 $1.000000000e+00, v18  }
0x2c8: {  	v21 =	vmul.f32 v28, v21;
	v28 =	vand.u32 $0x7FFFFF, v24;
	v19 =	vand.u32 $0x7FFFFF, v27  }
0x2c9: {  	v28 =	vor.u32 $0x3F800000, v28;
	v19 =	vor.u32 $0x3F800000, v19;
	(erf) = vrcp.f32 v30  }
0x2ca: {  	v6 =	vadd.f32 v3, v0;
	v60 =	vmul.f32 $5.000000000e-01, v28;
	v31 =	vmul.f32 $5.000000000e-01, v19;
	v30 =	vld [tilespmem:s7+$0x280]  }
0x2cb: {  	v25 =	vsel vm5, $0xFFFFFF82, v2;
	vm6 =	vgt.f32 v28, $1.414213540e+00;
	vm5 =	vgt.f32 v19, $1.414213540e+00  }
0x2cc: {  	v32 =	vsel vm6, v60, v28;
	v28 =	vld [tilespmem:s7+$0x200];
	v31 =	vsel vm5, v31, v19;
	v19 =	vadd.f32 $6.666666860e-01, v26  }
0x2cd: {  	v61 =	vld [tilespmem:s7+$0x2900];
	v10 =	vadd.f32 $2.000000000e+00, v10;
	v62 =	vshra.s32 v27, $0x17;
	v26 =	vadd.f32 $1.000000000e+00, v31  }
0x2ce: {  	v27 =	vadd.s32 v22, v25;
	v25 =	vadd.f32 $1.000000000e+00, v32;
	v16 =	vmul.f32 v19, v16  }
0x2cf: {  	v5 =	vadd.f32 v7, v0;
	(erf) = vrcp.f32 v26;
	v20 =	vsub.f32 v20, v30  }
0x2d0: {  	v10 =	vmul.f32 v10, v9;
	(erf) = vrcp.f32 v25;
	v16 =	vadd.f32 $2.000000000e+00, v16  }
0x2d1: {  	v63 =	vld [tilespmem:s8+$0x300];
	v19 =	vadd.f32 $-1.000000000e+00, v18;
	v18 =	vand.u32 $0x7FFFFFFF, v20;
	v20 =	vsub.f32 v21, v28  }
0x2d2: {  	v26 =	vsub.f32 v61, v15;
	v15 =	vsel vm5, $0xFFFFFF82, v2;
	v13 =	vmul.f32 v16, v13;
	v21 =	vpop (erf)  }
0x2d3: {  	v15 =	vadd.s32 v62, v15;
	v25 =	vmul.f32 v21, v19;
	v21 =	vand.u32 $0x7FFFFFFF, v20  }
0x2d4: {  	v13 =	vadd.f32 v13, v29;
	v19 =	vcvt.s32.f32 v15;
	v15 =	vmul.f32 $5.000000000e-01, v21  }
0x2d5: {  	v9 =	vadd.f32 v12, v0;
	v24 =	vshra.s32 v24, $0x17;
	v22 =	vsel vm6, $0xFFFFFF82, v2  }
0x2d6: {  	v16 =	vadd.f32 $-1.000000000e+00, v31;
	v31 =	vsub.f32 v13, v63;
	v30 =	vmul.f32 v25, v25  }
0x2d7: {  	v22 =	vadd.s32 v24, v22;
	v24 =	vsel vm4, $0x3F800000, v0;
	v29 =	vadd.f32 $-1.000000000e+00, v32  }
0x2d8: {  	v23 =	vmul.f32 v15, v21;
	v31 =	vand.u32 $0x7FFFFFFF, v31;
	v20 =	vmul.f32 $2.222222240e-01, v30;
	v15 =	vpop (erf)  }
0x2d9: {  	v26 =	vmul.f32 v26, v26;
	v28 =	vmul.f32 $5.000000000e-01, v18;
	vm4 =	vlt.f32 v31, $1.000000000e+00;
	v13 =	vpop (erf)  }
0x2da: {  	v33 =	vmul.f32 $5.000000000e-01, v31;
	v12 =	vadd.f32 $2.857142980e-01, v20;
	v13 =	vmul.f32 v13, v29  }
0x2db: {  	v15 =	vmul.f32 v15, v16;
	v29 =	vadd.f32 v10, v59;
	v10 =	vmul.f32 v26, v24  }
0x2dc: {  	v32 =	vadd.f32 $-5.000000000e-01, v31;
	v12 =	vmul.f32 v12, v30;
	v16 =	vmul.f32 v13, v13  }
0x2dd: {  	s10 =	simm.s32 $0x100;
	s15 =	simm.s32 $0x20;
	s11 =	simm.s32 $0x5FA0;
	v20 =	vmul.f32 v15, v15;
	v29 =	vadd.f32 v29, v11;
	v11 =	vimm.f32 $0.0e+00  }
0x2de: {  	s8 =	simm.s32 $0x1;
	s12 =	simm.s32 $0x5AA0;
	s9 =	simm.s32 $0x55A0;
	v35 =	vadd.f32 $4.000000060e-01, v12;
	v12 =	vimm.f32 $0.0e+00;
	v34 =	vmul.f32 $2.222222240e-01, v16  }
.LBB2_7:
0x2df: {  	s14 =	sand.u32 $0x70, s15;
	v36 =	vmul.f32 v28, v18  }
0x2e0: {  	v26 =	vld [tilespmem:s12+$0x0];
	s16 =	sand.u32 $0x3C00, s10;
	v6 =	vadd.f32 v24, v6;
	v31 =	vmul.f32 v33, v31;
	s17 =	smov.u32 s15;
	s13 =	sadd.s32 $0x10, s15;
	v33 =	vmul.f32 $2.222222240e-01, v20  }
0x2e1: {  	p0 =	slt.u32 s15, $0x4F0;
	vm2 =	vmor vm2, vm3;
	v28 =	vld [tilespmem:s9+$0x0];
	s14 =	sor.u32 s14, s16;
	v35 =	vmul.f32 v35, v30;
	v34 =	vadd.f32 $2.857142980e-01, v34  }
0x2e2: {  	v27 =	vcvt.s32.f32 v27;
	vm5 =	vmand vm1, vm2;
	v37 =	vld [tilespmem:s11+$0x0];
	v31 =	vsel vm4, v31, v32  }
0x2e3: {  	v32 =	vld [tilespmem:s14+$0x2880];
	v35 =	vadd.f32 $6.666666860e-01, v35;
	v34 =	vmul.f32 v34, v16;
	v17 =	vadd.f32 v31, v17  }
0x2e4: {  	s15 =	sand.u32 $0x7, s8;
	v29 =	vsub.f32 v29, v1;
	v1 =	vmovc v8;
	vm1 =	vmmov vm0;
	v33 =	vadd.f32 $2.857142980e-01, v33;
	v31 =	vld [tilespmem:s14+$0x180]  }
0x2e5: {  	s15 =	sshll.u32 s15, $0x4;
	v8 =	vld [tilespmem:s14+$0x100];
	v26 =	vshll.u32 v26, $0x2;
	v30 =	vmul.f32 v35, v30;
	v14 =	vadd.f32 v14, v17  }
0x2e6: {  	s16 =	sadd.s32 s17, s4;
	s15 =	sadd.s32 s15, s6;
	s6 =	smov.u32 s10;
	v7 =	vmul.f32 v29, v7;
	v17 =	vor.u32 $0x1, v26;
	v35 =	vor.u32 $0x2, v26;
	v38 =	vld [tilespmem:s14+$0x2800]  }
0x2e7: {  	p1 =	slt.u32 s16, $0x4E20;
	s15 =	sor.u32 $0x380, s15;
	vm2 =	vge.f32 v28, $6.999999880e-01;
	v29 =	vor.u32 $0x3, v26;
	v39 =	vld [tilespmem:s14+$0x80];
	v14 =	vmul.f32 v14, v3;
	v3 =	vmovc v24  }
0x2e8: {  	vm1 =	vmneg @p1 vm1;
	v11 =	vadd.f32 v7, v11;
	vm3 =	veq.s32 v37, $0x1;
	v24 =	vld [tilespmem:s15+$0x0]  }
0x2e9: {  	vm2 =	vmor vm2, vm3;
	vm3 =	veq.s32 v37, $0x0;
	v37 =	vld [tilespmem:s14+$0x0];
	v12 =	vadd.f32 v14, v12  }
0x2ea: {  	v33 =	vmul.f32 v33, v20;
	v7 =	vsel vm5, $0x3F800000, v0;
	vm4 =	vmand vm1, vm2;
	v14 =	vld.idx.msk [tilespmem:v26+s5+$0x0], $0xffff  }
0x2eb: {  	v30 =	vadd.f32 $2.000000000e+00, v30;
	v26 =	vmax.f32 v38, v32;
	v40 =	vmin.f32 v38, v32  }
0x2ec: {  	v22 =	vcvt.s32.f32 v22;
	v35 =	vld.idx.msk [tilespmem:v35+s5+$0x0], $0xffff;
	v31 =	vsub.f32 v31, v39;
	v40 =	vsub.f32 v40, v26  }
0x2ed: {  	v27 =	vmul.f32 $6.931471820e-01, v27;
	v5 =	vadd.f32 v7, v5;
	v25 =	vmul.f32 v30, v25;
	v17 =	vld.idx.msk [tilespmem:v17+s5+$0x0], $0xffff  }
0x2ee: {  	v30 =	vld.idx.msk [tilespmem:v29+s5+$0x0], $0xffff;
	v41 =	vmax.f32 v31, $1.192092900e-07;
	v40 =	vmul.f32 $1.442695020e+00, v40;
	v29 =	vmul.f32 $6.931471820e-01, v22  }
0x2ef: {  	v22 =	vsub.f32 v8, v37;
	(erf) = vrcp.f32 v41  }
0x2f0: {  	vm5 =	vlt.f32 v21, $1.000000000e+00;
	v25 =	vadd.f32 v25, v27;
	v8 =	vsel vm4, v32, v38  }
0x2f1: {  	v31 =	vmul.f32 $5.000000000e-01, v31;
	v27 =	vmax.f32 v22, $1.192092900e-07;
	(erf) = vpow2.f32 v40  }
0x2f2: {  	vm6 =	vlt.f32 v28, $3.000000120e-01;
	v22 =	vmul.f32 $5.000000000e-01, v22;
	v32 =	vsub.f32 v35, v14  }
0x2f3: {  	vm3 =	vmand vm6, vm3;
	v31 =	vadd.f32 v31, v39;
	(erf) = vrcp.f32 v27  }
0x2f4: {  	v22 =	vadd.f32 v22, v37;
	v27 =	vsub.f32 v30, v17;
	v30 =	vmul.f32 $5.000000000e-01, v32  }
0x2f5: {  	v21 =	vadd.f32 $-5.000000000e-01, v21;
	vm6 =	vlt.f32 v18, $1.000000000e+00;
	v35 =	vsub.f32 v25, v24  }
0x2f6: {  	v25 =	vadd.f32 v30, v14;
	v14 =	vmul.f32 $5.000000000e-01, v27;
	v30 =	vadd.f32 $4.000000060e-01, v34  }
0x2f7: {  	v21 =	vsel vm5, v23, v21;
	v37 =	vadd.f32 $-5.000000000e-01, v18;
	v23 =	vand.u32 $0x7FFFFFFF, v35  }
0x2f8: {  	v35 =	vadd.f32 $-5.000000000e-01, v23;
	v34 =	vmul.f32 $5.000000000e-01, v23;
	v14 =	vadd.f32 v14, v17;
	v24 =	vpop (erf)  }
0x2f9: {  	vm5 =	vlt.f32 v23, $1.000000000e+00;
	v17 =	vsel vm6, v36, v37;
	v27 =	vmul.f32 v27, v24  }
0x2fa: {  	v17 =	vadd.f32 v17, v21;
	v21 =	vmul.f32 v34, v23;
	v14 =	vsub.f32 v14, v31;
	v18 =	vpop (erf)  }
0x2fb: {  	v23 =	vshra.s32 v27, $0x17;
	v27 =	vand.u32 $0x7FFFFF, v27;
	v18 =	vadd.f32 $1.000000000e+00, v18  }
0x2fc: {  	v24 =	vmul.f32 v14, v24;
	v14 =	vsel vm5, v21, v35;
	v27 =	vor.u32 $0x3F800000, v27;
	v31 =	vpop (erf)  }
0x2fd: {  	v21 =	vmul.f32 v32, v31;
	vm5 =	vgt.f32 v27, $1.414213540e+00;
	v32 =	vmul.f32 $5.000000000e-01, v27  }
0x2fe: {  	v22 =	vsub.f32 v25, v22;
	v25 =	vadd.f32 $4.000000060e-01, v33;
	v33 =	vmul.f32 $6.931471820e-01, v19  }
0x2ff: {  	v19 =	vand.u32 $0x7FFFFF, v21;
	v32 =	vsel vm5, v32, v27;
	v27 =	vsel vm5, $0xFFFFFF82, v2;
	v34 =	vld [tilespmem:s14+$0x280]  }
0x300: {  	v31 =	vmul.f32 v22, v31;
	v36 =	vand.u32 $0x7FFFFF, v18;
	v22 =	vadd.f32 $1.000000000e+00, v32;
	v35 =	vld [tilespmem:s14+$0x200]  }
0x301: {  	v25 =	vmul.f32 v25, v20;
	v36 =	vor.u32 $0x3F800000, v36;
	v19 =	vor.u32 $0x3F800000, v19  }
0x302: {  	vm5 =	vgt.f32 v19, $1.414213540e+00;
	v37 =	vmul.f32 $5.000000000e-01, v19;
	v38 =	vld [tilespmem:s14+$0x2900];
	(erf) = vrcp.f32 v22  }
0x303: {  	v25 =	vadd.f32 $6.666666860e-01, v25;
	v39 =	vshra.s32 v21, $0x17;
	v21 =	vmul.f32 $5.000000000e-01, v36  }
0x304: {  	vm6 =	vgt.f32 v36, $1.414213540e+00;
	v27 =	vadd.s32 v23, v27;
	v37 =	vsel vm5, v37, v19  }
0x305: {  	v36 =	vsel vm6, v21, v36;
	v21 =	vsel vm6, $0xFFFFFF82, v2;
	v19 =	vadd.f32 $1.000000000e+00, v37  }
0x306: {  	v30 =	vmul.f32 v30, v16;
	v18 =	vshra.s32 v18, $0x17;
	v23 =	vadd.f32 $1.000000000e+00, v36  }
0x307: {  	v22 =	vadd.s32 v18, v21;
	v38 =	vsub.f32 v38, v28;
	(erf) = vrcp.f32 v19  }
0x308: {  	v18 =	vsub.f32 v24, v34;
	v19 =	vmul.f32 v25, v20;
	(erf) = vrcp.f32 v23  }
0x309: {  	v21 =	vsub.f32 v31, v35;
	v20 =	vsel vm5, $0xFFFFFF82, v2;
	v23 =	vadd.f32 $6.666666860e-01, v30  }
0x30a: {  	v24 =	vadd.f32 $-1.000000000e+00, v32;
	v18 =	vand.u32 $0x7FFFFFFF, v18;
	v19 =	vadd.f32 $2.000000000e+00, v19  }
0x30b: {  	v21 =	vand.u32 $0x7FFFFFFF, v21;
	v28 =	vmul.f32 $5.000000000e-01, v18;
	v16 =	vmul.f32 v23, v16;
	v25 =	vpop (erf);
	v31 =	vld [tilespmem:s7+$0x300];
	s7 =	smov.u32 s14  }
0x30c: {  	v20 =	vadd.s32 v39, v20;
	v15 =	vmul.f32 v19, v15;
	v25 =	vmul.f32 v25, v24  }
0x30d: {  	v19 =	vcvt.s32.f32 v20;
	v20 =	vmul.f32 $5.000000000e-01, v21  }
0x30e: {  	v24 =	vsel vm4, $0x3F800000, v0;
	v15 =	vadd.f32 v15, v33;
	v30 =	vmul.f32 v25, v25  }
0x30f: {  	v35 =	vadd.f32 $-1.000000000e+00, v37;
	v16 =	vadd.f32 $2.000000000e+00, v16;
	v23 =	vmul.f32 v20, v21  }
0x310: {  	v33 =	vadd.f32 $-1.000000000e+00, v36;
	v20 =	vmul.f32 $2.222222240e-01, v30;
	v34 =	vpop (erf);
	v31 =	vsub.f32 v15, v31  }
0x311: {  	v9 =	vadd.f32 v10, v9;
	v15 =	vmul.f32 v34, v35;
	v32 =	vpop (erf);
	v34 =	vmul.f32 v16, v13  }
.Ltmp3:
0x312: {  	v10 =	vadd.f32 $2.857142980e-01, v20;
	v13 =	vmul.f32 v32, v33;
	v31 =	vand.u32 $0x7FFFFFFF, v31;
	(pc) =	sbr.rel @p0 .LBB2_7-.Ltmp3, $4  }
0x313: {  	v32 =	vmul.f32 v38, v38;
	v20 =	vmul.f32 v15, v15;
	vm4 =	vlt.f32 v31, $1.000000000e+00  }
0x314: {  	v29 =	vadd.f32 v34, v29;
	v35 =	vmul.f32 v10, v30;
	v16 =	vmul.f32 v13, v13  }
0x315: {  	s8 =	sadd.s32 $0x1, s8;
	s12 =	sadd.s32 $0x10, s12;
	s9 =	sadd.s32 $0x10, s9;
	v33 =	vmul.f32 $5.000000000e-01, v31;
	v10 =	vmul.f32 v32, v24;
	v32 =	vadd.f32 $-5.000000000e-01, v31  }
0x316: {  	s10 =	sadd.s32 $0x80, s10;
	s11 =	sadd.s32 $0x10, s11;
	s15 =	smov.u32 s13;
	v29 =	vadd.f32 v29, v4;
	v4 =	vmovc v26;
	v35 =	vadd.f32 $4.000000060e-01, v35;
	v34 =	vmul.f32 $2.222222240e-01, v16  }
0x317: {  	v2 =	vmul.f32 $2.222222240e-01, v20;
	_ =	sdelay $0x1  }
0x318: {  	v2 =	vadd.f32 $2.857142980e-01, v2;
	_ =	sdelay $0x1  }
0x319: {  	v2 =	vmul.f32 v2, v20;
	_ =	sdelay $0x1  }
0x31a: {  	v2 =	vadd.f32 $4.000000060e-01, v2;
	_ =	sdelay $0x1  }
0x31b: {  	v2 =	vmul.f32 v2, v20  }
0x31c: {  	v26 =	vmul.f32 v35, v30  }
0x31d: {  	v38 =	vadd.f32 $2.857142980e-01, v34;
	v2 =	vadd.f32 $6.666666860e-01, v2  }
0x31e: {  	v26 =	vadd.f32 $6.666666860e-01, v26  }
0x31f: {  	v40 =	vmul.f32 v38, v16;
	v2 =	vmul.f32 v2, v20  }
0x320: {  	s4 =	sand.u32 $0x7, s8;
	v26 =	vmul.f32 v26, v30  }
0x321: {  	v41 =	vmul.f32 v33, v31;
	s4 =	sshll.u32 s4, $0x4;
	v42 =	vadd.f32 $4.000000060e-01, v40;
	v2 =	vadd.f32 $2.000000000e+00, v2  }
0x322: {  	v39 =	vcvt.s32.f32 v27;
	v43 =	vld [tilespmem:s7+$0x300];
	v19 =	vmul.f32 $6.931471820e-01, v19;
	s4 =	sadd.s32 s4, s6;
	v26 =	vadd.f32 $2.000000000e+00, v26  }
0x323: {  	s4 =	sor.u32 $0x380, s4;
	v30 =	vsel vm4, v41, v32;
	v46 =	vmul.f32 v42, v16;
	v2 =	vmul.f32 v2, v15  }
0x324: {  	v6 =	vadd.f32 v24, v6;
	v44 =	vld [tilespmem:s4+$0x0];
	v45 =	vadd.f32 v30, v17;
	v25 =	vmul.f32 v26, v25  }
0x325: {  	v17 =	vadd.f32 $6.666666860e-01, v46;
	v20 =	vmul.f32 $6.931471820e-01, v39;
	v2 =	vadd.f32 v2, v19  }
0x326: {  	v47 =	vmul.f32 v28, v18;
	v48 =	vadd.f32 $-5.000000000e-01, v21;
	v22 =	vcvt.s32.f32 v22  }
0x327: {  	v49 =	vmul.f32 v17, v16;
	v20 =	vadd.f32 v25, v20;
	v2 =	vsub.f32 v2, v43  }
0x328: {  	vm0 =	vlt.f32 v21, $1.000000000e+00;
	vm7 =	vlt.f32 v18, $1.000000000e+00;
	v50 =	vadd.f32 $-5.000000000e-01, v18  }
0x329: {  	v16 =	vadd.f32 $2.000000000e+00, v49;
	v20 =	vsub.f32 v20, v44;
	v2 =	vand.u32 $0x7FFFFFFF, v2  }
0x32a: {  	v21 =	vsel vm0, v23, v48;
	v22 =	vmul.f32 $6.931471820e-01, v22;
	v52 =	vmul.f32 $5.000000000e-01, v2  }
0x32b: {  	v17 =	vsel vm7, v47, v50;
	v13 =	vmul.f32 v16, v13;
	v51 =	vand.u32 $0x7FFFFFFF, v20  }
0x32c: {  	v53 =	vmul.f32 $5.000000000e-01, v51;
	v54 =	vadd.f32 $-5.000000000e-01, v2;
	v55 =	vmul.f32 v52, v2  }
0x32d: {  	v17 =	vadd.f32 v17, v21;
	v13 =	vadd.f32 v13, v22;
	vm8 =	vlt.f32 v2, $1.000000000e+00  }
0x32e: {  	v56 =	vadd.f32 $-5.000000000e-01, v51;
	v57 =	vmul.f32 v53, v51;
	v16 =	vsel vm8, v55, v54  }
0x32f: {  	v14 =	vadd.f32 v14, v45;
	vm9 =	vlt.f32 v51, $1.000000000e+00;
	v58 =	vadd.f32 v16, v17  }
0x330: {  	v1 =	vsub.f32 v29, v1;
	v4 =	vadd.f32 v13, v4;
	v2 =	vsel vm9, v57, v56  }
0x331: {  	vm10 =	vmor vm2, vm3;
	v3 =	vmul.f32 v14, v3;
	v2 =	vadd.f32 v2, v58  }
0x332: {  	vm0 =	vmand vm1, vm10;
	v1 =	vmul.f32 v1, v7;
	v4 =	vsub.f32 v4, v8  }
0x333: {  	v0 =	vsel vm0, $0x3F800000, v0;
	v3 =	vadd.f32 v3, v12;
	v2 =	vmul.f32 v2, v24  }
0x334: {  	v5 =	vadd.f32 v0, v5;
	v1 =	vadd.f32 v1, v11;
	v0 =	vmul.f32 v4, v0  }
0x335: {  	(xrf2) =	vadd.scan.msk.f32 $0xffff, v6;
	v2 =	vadd.f32 v2, v3  }
0x336: {  	(xrf2) =	vadd.scan.msk.f32 $0xffff, v5;
	v0 =	vadd.f32 v0, v1  }
0x337: {  	v59 =	vadd.f32 v10, v9;
	(xrf2) =	vadd.scan.msk.f32 $0xffff, v2  }
0x338: {  	(xrf2) =	vadd.scan.msk.f32 $0xffff, v0  }
0x339: {  	(xrf2) =	vadd.scan.msk.f32 $0xffff, v59;
	_ =	sdelay $0x5  }
0x33a: {  	v60, _, _ =	vpop (xrf2)  }
0x33b: {  	v61, _, _ =	vpop (xrf2)  }
0x33c: {  	v2, _, _ =	vpop (xrf2)  }
0x33d: {  	v62, _, _ =	vpop (xrf2)  }
0x33e: {  	v63, _, _ =	vpop (xrf2)  }
0x33f: {  	v4 =	vbroadcast v63, $0xF  }
0x340: {  	vm11 =	vcmask $0x1310;
	v3 =	vbroadcast v62, $0xF  }
0x341: {  	vm12 =	vcmask $0x3F10;
	v2 =	vbroadcast v2, $0xF;
	v4 =	vnsel vm11, $0x0, v4  }
0x342: {  	vm13 =	vcmask $0x3F0C;
	v1 =	vbroadcast v61, $0xF;
	v3 =	vsel vm12, v4, v3  }
0x343: {  	vm14 =	vcmask $0x3F08;
	v0 =	vbroadcast v60, $0xF;
	v2 =	vsel vm13, v3, v2  }
0x344: {  	vm15 =	vcmask $0x3F04;
	v1 =	vsel vm14, v2, v1  }
0x345: {  	s30 =	sshll.u32 s2, $0x4;
	v0 =	vsel vm15, v1, v0  }
0x346: {  	s5 =	simm.s32 $0x6980;
	s31 =	simm.s32 $0x1;
	s4 =	sadd.s32 s30, s1;
	[tilespmem:$0x6980] =	vst v0  }
0x347: {  	[spmem:s4] =	stream.linear.scatter [tilespmem:s5], [sflag:$0x1], $0x10, $0x38;
	[tilespmem:$0x6BD0] =	vst v63  }
0x348: {  	_ =	swait.ge [sflag:s31], $0x10  }
0x349: {  	[sflag:s31] =	ssyncset.done $0x0  }
0x34a: {  	[sflag:s31] =	ssyncadd.s32 $0xFFFFFFF0  }
0x34b: {  	p0 =	sne.s32 s2, $0x0;
	[bflag:$0x0] =	sbarrier.arrive $0xFFFF  }
0x34c: {  	_ =	sfence.sel @p0 $0x180000  }
0x34d: {  	[bflag:$0x0] =	sbarrier.arrive @p0 $0xFFFF  }
0x34e: {  	v0 =	vlaneseq.u32 @!p0;
	_ =	strace @p0 $0x90000047  }
0x34f: {  	s2 =	simm.s32 @!p0 $0x6A00;
	v0 =	vmul.u32 @!p0 $0x10, v0;
	[bflag:$0x2] =	sbarrier.arrive @p0 $0xFFFF  }
0x350: {  	[tilespmem:s2], [sflag:$0x1] =	stream.linear.gather @!p0 [spmem:s1], $0x100, $0x38;
	[tilespmem:$0x6BD0] =	vst v63  }
0x351: {  	v1 =	vor.u32 @!p0 $0x1, v0;
	s1 =	simm.s32 @!p0 $0x1  }
0x352: {  	_ =	swait.ge @!p0 [sflag:s1], $0x100  }
0x353: {  	[sflag:s1] =	ssyncset.done @!p0 $0x0  }
0x354: {  	[sflag:s1] =	ssyncadd.s32 @!p0 $0xFFFFFF00  }
0x355: {  	v2 =	vld.idx.msk @!p0 [tilespmem:v0+s2+$0x0], $0xffff  }
0x356: {  	v1 =	vld.idx.msk @!p0 [tilespmem:v1+s2+$0x0], $0xffff;
	_ =	sdelay $0x3  }
0x357: {  	(xrf2) =	vadd.scan.msk.f32 @!p0 $0xffff, v2;
	v2 =	vor.u32 @!p0 $0x2, v0  }
0x358: {  	(xrf2) =	vadd.scan.msk.f32 @!p0 $0xffff, v1;
	v1 =	vor.u32 @!p0 $0x3, v0  }
0x359: {  	v0 =	vor.u32 @!p0 $0x4, v0;
	_ =	sdelay $0x2  }
0x35a: {  	v2 =	vld.idx.msk @!p0 [tilespmem:v2+s2+$0x0], $0xffff  }
0x35b: {  	v1 =	vld.idx.msk @!p0 [tilespmem:v1+s2+$0x0], $0xffff  }
0x35c: {  	v0 =	vld.idx.msk @!p0 [tilespmem:v0+s2+$0x0], $0xffff;
	_ =	sdelay $0x2  }
0x35d: {  	v3, _, _ =	vpop @!p0 (xrf2);
	(xrf2) =	vadd.scan.msk.f32 @!p0 $0xffff, v2  }
0x35e: {  	v2 =	vmax.f32 @!p0 v3, $1.000000000e+00;
	v3, _, _ =	vpop @!p0 (xrf2);
	(xrf2) =	vadd.scan.msk.f32 @!p0 $0xffff, v1  }
0x35f: {  	v1 =	vbroadcast @!p0 v2, $0xF;
	v2 =	vmax.f32 @!p0 v3, $1.000000000e+00;
	(xrf2) =	vadd.scan.msk.f32 @!p0 $0xffff, v0  }
0x360: {  	v0 =	vbroadcast @!p0 v2, $0xF  }
0x361: {  	(erf) = vrcp.f32 @!p0 v1  }
0x362: {  	(erf) = vrcp.f32 @!p0 v0;
	_ =	sdelay $0x4  }
0x363: {  	v0, _, _ =	vpop @!p0 (xrf2)  }
0x364: {  	v1, _, _ =	vpop @!p0 (xrf2)  }
0x365: {  	v3, _, _ =	vpop @!p0 (xrf2)  }
0x366: {  	v0 =	vbroadcast @!p0 v0, $0xF;
	v1 =	vbroadcast @!p0 v1, $0xF;
	v2 =	vpop @!p0 (erf)  }
0x367: {  	v3 =	vbroadcast @!p0 v3, $0xF;
	v4 =	vpop @!p0 (erf)  }
0x368: {  	v0 =	vmul.f32 @!p0 v2, v0;
	v1 =	vmul.f32 @!p0 v4, v1;
	_ =	sdelay $0x1  }
0x369: {  	v2 =	vmul.f32 @!p0 v3, v2;
	v3 =	vadd.f32 @!p0 v1, v0;
	_ =	sdelay $0x1  }
0x36a: {  	v3 =	vadd.f32 @!p0 v2, v3  }
0x36b: {  	vm0 =	vcmask @!p0 $0x3F0C  }
0x36c: {  	v2 =	vsel @!p0 vm0, v3, v2;
	vm0 =	vcmask @!p0 $0x3F08  }
0x36d: {  	v1 =	vsel @!p0 vm0, v2, v1;
	vm0 =	vmmov @!p0 $0x1  }
0x36e: {  	v0 =	vsel @!p0 vm0, v0, v1  }
0x36f: {  	s4 =	simm.s32 @!p0 $0x6B00;
	s2 =	simm.s32 @!p0 $0x0;
	[tilespmem:$0x6B00] =	vst @!p0 v0  }
0x370: {  	[hbm4b:s3+s2] =	stream.linear.scatter @!p0 [tilespmem:s4], [sflag:$0x1], $0x80, $0x38;
	[tilespmem:$0x6BD0] =	vst v63  }
0x371: {  	_ =	swait.ge @!p0 [sflag:s1], $0x80  }
0x372: {  	[sflag:s1] =	ssyncset.done @!p0 $0x0  }
0x373: {  	[sflag:s1] =	ssyncadd.s32 @!p0 $0xFFFFFF80  }
0x374: {  	_ =	sfence.sel @!p0 $0x180000  }
0x375: {  	[bflag:$0x0] =	sbarrier.arrive @!p0 $0xFFFF  }
0x376: {  	_ =	strace @!p0 $0x90000047  }
0x377: {  	s0 =	sadd.s32 @!p0 $0x100000, s0;
	[bflag:$0x2] =	sbarrier.arrive @!p0 $0xFFFF  }
0x378: {  	[sflag:s0] =	ssyncadd.tile.s32 @!p0 $0x1;
	_ =	shalt  }
.Lfunc_end2:
_tile_overlayer_lowered:
.L_overlay_start_2:
0x379: {  	(tag) =	ssettag $0x2  }
0x37a: {  	s0 =	rddreg [dreg:$0x0];
	s2 =	stileid.u32  }
0x37b: {  	s1 =	rddreg [dreg:$0x1];
	p0 =	sne.s32 s2, $0x0  }
0x37c: {  	s3 =	rddreg [dreg:$0x2];
	[bflag:$0x3] =	sbarrier.arrive $0xFFFF;
	s2 =	simm.s32 @!p0 $0x1C01  }
0x37d: {  	[timem:s3], [sflag:s2] =	dma.local @!p0 [hbm:s0], s1  }
0x37e: {  	s0 =	simm.s32 @!p0 $0x1  }
0x37f: {  	_ =	swait.ge @!p0 [sflag:s0], s1  }
0x380: {  	s1 =	ssub.s32 @!p0 $0x0, s1;
	[sflag:s0] =	ssyncset.done @!p0 $0x0  }
0x381: {  	[sflag:s0] =	ssyncadd.s32 @!p0 s1  }
0x382: {  	[bflag:$0x3] =	sbarrier.arrive $0xFFFF  }
0x383: {  	_ =	shalt  }

</sc_bundles>
